<compile_context>
chip_gen: v7x
topology: tpu7x:2x2x1
jax: 0.10.2.dev20260603
libtpu: 0.0.44.dev20260713+nightly
codegen_flags: <defaults>
</compile_context>

<pallas_src>
import functools

import jax
import jax.numpy as jnp
from jax import lax
from jax.experimental import pallas as pl
from jax.experimental.pallas import tpu as pltpu
from jax.experimental.pallas import tpu_sc as plsc

BATCH = 16384
FEAT = 32
NUM_CLASSES = 1000000
NC, NS, L = 2, 16, 16
NW = NC * NS
BPW = BATCH // NW
RING = 16
DEPTH = 12
LAST_BASE = NUM_CLASSES - 128


def _sc_partials(features_t, labels, centers_t):
    mesh = plsc.VectorSubcoreMesh(core_axis_name="c", subcore_axis_name="s")

    @functools.partial(
        pl.kernel,
        mesh=mesh,
        out_type=jax.ShapeDtypeStruct((NW * L,), jnp.float32),
        scratch_types=[
            pltpu.VMEM((BPW,), jnp.int32),
            pltpu.VMEM((FEAT, BPW), jnp.float32),
            pltpu.VMEM((RING, FEAT, 128), jnp.float32),
            pltpu.VMEM((L,), jnp.float32),
            pltpu.SemaphoreType.DMA,
            pltpu.SemaphoreType.DMA,
        ],
        compiler_params=pltpu.CompilerParams(
            use_tc_tiling_on_sc=True, needs_layout_passes=False),
    )
    def k(feat_hbm, lab_hbm, cent_hbm, out_hbm, idx_v, feat_v, ring_v, acc_v,
          fsem, gsem):
        wid = lax.axis_index("s") * NC + lax.axis_index("c")
        base = pl.multiple_of(wid * BPW, 128)
        pltpu.sync_copy(lab_hbm.at[pl.ds(base, BPW)], idx_v)
        fcp = pltpu.make_async_copy(
            feat_hbm.at[:, pl.ds(base, BPW)], feat_v, fsem)
        fcp.start()

        fidx = jax.lax.broadcasted_iota(jnp.int32, (L,), 0)

        def col_base(r):
            return jnp.minimum((r >> 7) << 7, LAST_BASE)

        def fire(r, slot):
            pltpu.make_async_copy(
                cent_hbm.at[:, pl.ds(pl.multiple_of(col_base(r), 128), 128)],
                ring_v.at[slot],
                gsem,
            ).start()

        def drain_one(slot):
            pltpu.make_async_copy(
                cent_hbm.at[:, pl.ds(0, 128)],
                ring_v.at[slot],
                gsem,
            ).wait()

        lab0 = idx_v[pl.ds(0, L)]
        for j in range(DEPTH):
            fire(lab0[j], j)
        fcp.wait()

        def body(g, acc):
            j0 = g * L
            lab_vec = idx_v[pl.ds(j0, L)]
            nxt_off = jnp.minimum(j0 + L, BPW - L)
            lab_nxt = idx_v[pl.ds(nxt_off, L)]
            for jj in range(L):
                j = j0 + jj
                slot = j % RING
                r = lab_vec[jj]
                lane = jnp.broadcast_to(r - col_base(r), (L,))
                col = jnp.broadcast_to(j, (L,))
                f0 = plsc.load_gather(feat_v, [fidx, col])
                f1 = plsc.load_gather(feat_v, [fidx + L, col])
                drain_one(slot)
                c0 = plsc.load_gather(ring_v.at[slot], [fidx, lane])
                c1 = plsc.load_gather(ring_v.at[slot], [fidx + L, lane])
                d0 = f0 - c0
                d1 = f1 - c1
                acc = acc + d0 * d0 + d1 * d1
                if jj + DEPTH < L:
                    r_nxt = lab_vec[jj + DEPTH]
                else:
                    r_nxt = lab_nxt[jj + DEPTH - L]
                nxt = j + DEPTH

                @pl.when(nxt < BPW)
                def _():
                    fire(r_nxt, nxt % RING)

            return acc

        acc = lax.fori_loop(0, BPW // L, body, jnp.zeros((L,), jnp.float32))
        acc_v[...] = acc
        pltpu.sync_copy(acc_v, out_hbm.at[pl.ds(wid * L, L)])

    return k(features_t, labels, centers_t)


def _tc_reduce(partials):
    def body(p_ref, o_ref):
        o_ref[0, 0] = jnp.sum(p_ref[...]) * (1.0 / BATCH)

    out = pl.pallas_call(
        body,
        out_shape=jax.ShapeDtypeStruct((1, 1), jnp.float32),
        out_specs=pl.BlockSpec(memory_space=pltpu.SMEM),
    )(partials)
    return out.reshape(())


def kernel(features, labels, centers):
    labels = labels.astype(jnp.int32)
    partials = _sc_partials(features.T, labels, centers.T)
    return _tc_reduce(partials)

# --- scband reference (transcript-rebuilt; emitter-appended) ---
"""Pipeline reference for scband-center-loss-47158740910103 (READ-ONLY COPY).

The authoritative reference and input builder live on the scoring server;
editing this copy changes nothing except your own understanding.
"""

import jax, jax.numpy as jnp
import numpy as np

NUM_CLASSES = 1000000
FEAT_DIM = 32
BATCH = 16384


def setup_inputs(seed: int = 0) -> dict:
    key = jax.random.key(seed)
    k1, k2, k3 = jax.random.split(key, 3)
    features = jax.random.normal(k1, (BATCH, FEAT_DIM), dtype=jnp.float32)
    labels = jax.random.randint(k2, (BATCH,), 0, NUM_CLASSES, dtype=jnp.int64 if jax.config.jax_enable_x64 else jnp.int32)
    centers = jax.random.normal(k3, (NUM_CLASSES, FEAT_DIM), dtype=jnp.float32)
    return {"features": features, "labels": labels, "centers": centers}


def reference(features, labels, centers):
    # centers_batch = self.centers.index_select(0, labels)
    centers_batch = jnp.take(centers, labels, axis=0)
    # ((features - centers_batch) ** 2).sum() / features.size(0)
    loss = jnp.sum((features - centers_batch) ** 2) / features.shape[0]
    return loss

if __name__ == "__main__":
    import jax
    _d = setup_inputs()
    print(jax.jit(kernel)(*tuple(_d.values())))

</pallas_src>

<mosaic_0001>
#map = affine_map<(d0, d1) -> (0, 0)>
#map1 = affine_map<(d0, d1) -> (0)>
module attributes {stable_mosaic.version = 14 : i64} {
  func.func @k(%arg0: i32, %arg1: i32, %arg2: memref<32x16384xf32, #tpu.memory_space<hbm>>, %arg3: memref<16384xi32, #tpu.memory_space<hbm>>, %arg4: memref<32x1000000xf32, #tpu.memory_space<hbm>>, %arg5: memref<512xf32, #tpu.memory_space<hbm>>, %arg6: memref<512xi32, #tpu.memory_space<vmem>>, %arg7: memref<32x512xf32, #tpu.memory_space<vmem>>, %arg8: memref<16x32x128xf32, #tpu.memory_space<vmem>>, %arg9: memref<16xf32, #tpu.memory_space<vmem>>, %arg10: memref<!tpu.dma_semaphore, #tpu.memory_space<semaphore_mem>>, %arg11: memref<!tpu.dma_semaphore, #tpu.memory_space<semaphore_mem>>) attributes {dimension_semantics = [#tpu.dimension_semantics<core_parallel>, #tpu.dimension_semantics<subcore_parallel>], iteration_bounds = array<i64: 2, 16>, scalar_prefetch = 0 : i64, scratch_operands = 6 : i64, tpu.core_type = #tpu.core_type<sc_vector_subcore>, window_params = [{transform_indices = #map}, {transform_indices = #map1}, {transform_indices = #map}, {transform_indices = #map1}]} {
    %mul3A = arith.constant 2 : i32
    %mul3A_0 = arith.muli %arg1, %mul3A : i32
    %add3A = arith.addi %mul3A_0, %arg0 : i32
    %mul3A_1 = arith.constant 512 : i32
    %mul3A_2 = arith.muli %add3A, %mul3A_1 : i32
    %multiple_of3A = tpu.assume_multiple %mul3A_2, 128 : i32
    "tpu.region"() ({
      %run_scoped3A = tpu.sem_alloc : memref<!tpu.dma_semaphore, #tpu.memory_space<semaphore_mem>>
      %dma_start3A_278 = tpu.memref_slice %arg3[%multiple_of3A] : memref<16384xi32, #tpu.memory_space<hbm>> -> memref<512xi32, #tpu.memory_space<hbm>>
      %dma_start3A_279 = tpu.memref_slice %arg3[%multiple_of3A] : memref<16384xi32, #tpu.memory_space<hbm>> -> memref<512xi32, #tpu.memory_space<hbm>>
      tpu.enqueue_dma source(%dma_start3A_279 : memref<512xi32, #tpu.memory_space<hbm>>) target(%arg6 : memref<512xi32, #tpu.memory_space<vmem>>) target_semaphore(%run_scoped3A : memref<!tpu.dma_semaphore, #tpu.memory_space<semaphore_mem>>)
      %dma_wait3A_280 = tpu.memref_slice %arg3[%multiple_of3A] : memref<16384xi32, #tpu.memory_space<hbm>> -> memref<512xi32, #tpu.memory_space<hbm>>
      %dma_wait3A_281 = tpu.memref_slice %arg3[%multiple_of3A] : memref<16384xi32, #tpu.memory_space<hbm>> -> memref<512xi32, #tpu.memory_space<hbm>>
      tpu.wait_dma2 semaphore(%run_scoped3A : memref<!tpu.dma_semaphore, #tpu.memory_space<semaphore_mem>>) src(%dma_wait3A_281 : memref<512xi32, #tpu.memory_space<hbm>>) dst(%arg6 : memref<512xi32, #tpu.memory_space<vmem>>)
      tpu.yield
    }) : () -> ()
    %dma_start3A = arith.constant 0 : i32
    %dma_start3A_3 = tpu.memref_slice %arg2[%dma_start3A, %multiple_of3A] : memref<32x16384xf32, #tpu.memory_space<hbm>> -> memref<32x512xf32, #tpu.memory_space<hbm>>
    %dma_start3A_4 = arith.constant 0 : i32
    %dma_start3A_5 = tpu.memref_slice %arg2[%dma_start3A_4, %multiple_of3A] : memref<32x16384xf32, #tpu.memory_space<hbm>> -> memref<32x512xf32, #tpu.memory_space<hbm>>
    tpu.enqueue_dma source(%dma_start3A_5 : memref<32x512xf32, #tpu.memory_space<hbm>>) target(%arg7 : memref<32x512xf32, #tpu.memory_space<vmem>>) target_semaphore(%arg10 : memref<!tpu.dma_semaphore, #tpu.memory_space<semaphore_mem>>)
    %iota3A = tpu.iota {dimensions = array<i32: 0>} : vector<16xi32>
    %get3A = arith.constant 0 : index
    %get3A_6 = tpu.vector_load %arg6[%get3A] {strides = array<i32>} : memref<512xi32, #tpu.memory_space<vmem>>, vector<16xi32>,
    %slice3A = vector.extract_strided_slice %get3A_6 {offsets = [0], sizes = [1], strides = [1]} : vector<16xi32> to vector<1xi32>
    %squeeze3A = vector.extract %slice3A[0] : i32 from vector<1xi32>
    %shift_right_arithmetic3A = arith.constant 7 : i32
    %shift_right_arithmetic3A_7 = arith.shrsi %squeeze3A, %shift_right_arithmetic3A : i32
    %shift_left3A = arith.constant 7 : i32
    %shift_left3A_8 = arith.shli %shift_right_arithmetic3A_7, %shift_left3A : i32
    %min3A = arith.constant 999872 : i32
    %min3A_9 = arith.minsi %shift_left3A_8, %min3A : i32
    %multiple_of3A_10 = tpu.assume_multiple %min3A_9, 128 : i32
    %dma_start3A_11 = arith.constant 0 : i32
    %dma_start3A_12 = arith.constant 0 : i32
    %dma_start3A_13 = arith.constant 0 : i32
    %dma_start3A_14 = tpu.memref_slice %arg8[%dma_start3A_11, %dma_start3A_12, %dma_start3A_13] : memref<16x32x128xf32, #tpu.memory_space<vmem>> -> memref<1x32x128xf32, #tpu.memory_space<vmem>>
    %dma_start3A_15 = tpu.memref_squeeze %dma_start3A_14 : memref<1x32x128xf32, #tpu.memory_space<vmem>> -> memref<32x128xf32, #tpu.memory_space<vmem>>
    %dma_start3A_16 = arith.constant 0 : i32
    %dma_start3A_17 = tpu.memref_slice %arg4[%dma_start3A_16, %multiple_of3A_10] : memref<32x1000000xf32, #tpu.memory_space<hbm>> -> memref<32x128xf32, #tpu.memory_space<hbm>>
    %dma_start3A_18 = arith.constant 0 : i32
    %dma_start3A_19 = arith.constant 0 : i32
    %dma_start3A_20 = tpu.memref_slice %arg8[%dma_start3A_11, %dma_start3A_18, %dma_start3A_19] : memref<16x32x128xf32, #tpu.memory_space<vmem>> -> memref<1x32x128xf32, #tpu.memory_space<vmem>>
    %dma_start3A_21 = tpu.memref_squeeze %dma_start3A_20 : memref<1x32x128xf32, #tpu.memory_space<vmem>> -> memref<32x128xf32, #tpu.memory_space<vmem>>
    %dma_start3A_22 = arith.constant 0 : i32
    %dma_start3A_23 = tpu.memref_slice %arg4[%dma_start3A_22, %multiple_of3A_10] : memref<32x1000000xf32, #tpu.memory_space<hbm>> -> memref<32x128xf32, #tpu.memory_space<hbm>>
    tpu.enqueue_dma source(%dma_start3A_23 : memref<32x128xf32, #tpu.memory_space<hbm>>) target(%dma_start3A_21 : memref<32x128xf32, #tpu.memory_space<vmem>>) target_semaphore(%arg11 : memref<!tpu.dma_semaphore, #tpu.memory_space<semaphore_mem>>)
    %slice3A_24 = vector.extract_strided_slice %get3A_6 {offsets = [1], sizes = [1], strides = [1]} : vector<16xi32> to vector<1xi32>
    %squeeze3A_25 = vector.extract %slice3A_24[0] : i32 from vector<1xi32>
    %shift_right_arithmetic3A_26 = arith.constant 7 : i32
    %shift_right_arithmetic3A_27 = arith.shrsi %squeeze3A_25, %shift_right_arithmetic3A_26 : i32
    %shift_left3A_28 = arith.constant 7 : i32
    %shift_left3A_29 = arith.shli %shift_right_arithmetic3A_27, %shift_left3A_28 : i32
    %min3A_30 = arith.constant 999872 : i32
    %min3A_31 = arith.minsi %shift_left3A_29, %min3A_30 : i32
    %multiple_of3A_32 = tpu.assume_multiple %min3A_31, 128 : i32
    %dma_start3A_33 = arith.constant 1 : i32
    %dma_start3A_34 = arith.constant 0 : i32
    %dma_start3A_35 = arith.constant 0 : i32
    %dma_start3A_36 = tpu.memref_slice %arg8[%dma_start3A_33, %dma_start3A_34, %dma_start3A_35] : memref<16x32x128xf32, #tpu.memory_space<vmem>> -> memref<1x32x128xf32, #tpu.memory_space<vmem>>
    %dma_start3A_37 = tpu.memref_squeeze %dma_start3A_36 : memref<1x32x128xf32, #tpu.memory_space<vmem>> -> memref<32x128xf32, #tpu.memory_space<vmem>>
    %dma_start3A_38 = arith.constant 0 : i32
    %dma_start3A_39 = tpu.memref_slice %arg4[%dma_start3A_38, %multiple_of3A_32] : memref<32x1000000xf32, #tpu.memory_space<hbm>> -> memref<32x128xf32, #tpu.memory_space<hbm>>
    %dma_start3A_40 = arith.constant 0 : i32
    %dma_start3A_41 = arith.constant 0 : i32
    %dma_start3A_42 = tpu.memref_slice %arg8[%dma_start3A_33, %dma_start3A_40, %dma_start3A_41] : memref<16x32x128xf32, #tpu.memory_space<vmem>> -> memref<1x32x128xf32, #tpu.memory_space<vmem>>
    %dma_start3A_43 = tpu.memref_squeeze %dma_start3A_42 : memref<1x32x128xf32, #tpu.memory_space<vmem>> -> memref<32x128xf32, #tpu.memory_space<vmem>>
    %dma_start3A_44 = arith.constant 0 : i32
    %dma_start3A_45 = tpu.memref_slice %arg4[%dma_start3A_44, %multiple_of3A_32] : memref<32x1000000xf32, #tpu.memory_space<hbm>> -> memref<32x128xf32, #tpu.memory_space<hbm>>
    tpu.enqueue_dma source(%dma_start3A_45 : memref<32x128xf32, #tpu.memory_space<hbm>>) target(%dma_start3A_43 : memref<32x128xf32, #tpu.memory_space<vmem>>) target_semaphore(%arg11 : memref<!tpu.dma_semaphore, #tpu.memory_space<semaphore_mem>>)
    %slice3A_46 = vector.extract_strided_slice %get3A_6 {offsets = [2], sizes = [1], strides = [1]} : vector<16xi32> to vector<1xi32>
    %squeeze3A_47 = vector.extract %slice3A_46[0] : i32 from vector<1xi32>
    %shift_right_arithmetic3A_48 = arith.constant 7 : i32
    %shift_right_arithmetic3A_49 = arith.shrsi %squeeze3A_47, %shift_right_arithmetic3A_48 : i32
    %shift_left3A_50 = arith.constant 7 : i32
    %shift_left3A_51 = arith.shli %shift_right_arithmetic3A_49, %shift_left3A_50 : i32
    %min3A_52 = arith.constant 999872 : i32
    %min3A_53 = arith.minsi %shift_left3A_51, %min3A_52 : i32
    %multiple_of3A_54 = tpu.assume_multiple %min3A_53, 128 : i32
    %dma_start3A_55 = arith.constant 2 : i32
    %dma_start3A_56 = arith.constant 0 : i32
    %dma_start3A_57 = arith.constant 0 : i32
    %dma_start3A_58 = tpu.memref_slice %arg8[%dma_start3A_55, %dma_start3A_56, %dma_start3A_57] : memref<16x32x128xf32, #tpu.memory_space<vmem>> -> memref<1x32x128xf32, #tpu.memory_space<vmem>>
    %dma_start3A_59 = tpu.memref_squeeze %dma_start3A_58 : memref<1x32x128xf32, #tpu.memory_space<vmem>> -> memref<32x128xf32, #tpu.memory_space<vmem>>
    %dma_start3A_60 = arith.constant 0 : i32
    %dma_start3A_61 = tpu.memref_slice %arg4[%dma_start3A_60, %multiple_of3A_54] : memref<32x1000000xf32, #tpu.memory_space<hbm>> -> memref<32x128xf32, #tpu.memory_space<hbm>>
    %dma_start3A_62 = arith.constant 0 : i32
    %dma_start3A_63 = arith.constant 0 : i32
    %dma_start3A_64 = tpu.memref_slice %arg8[%dma_start3A_55, %dma_start3A_62, %dma_start3A_63] : memref<16x32x128xf32, #tpu.memory_space<vmem>> -> memref<1x32x128xf32, #tpu.memory_space<vmem>>
    %dma_start3A_65 = tpu.memref_squeeze %dma_start3A_64 : memref<1x32x128xf32, #tpu.memory_space<vmem>> -> memref<32x128xf32, #tpu.memory_space<vmem>>
    %dma_start3A_66 = arith.constant 0 : i32
    %dma_start3A_67 = tpu.memref_slice %arg4[%dma_start3A_66, %multiple_of3A_54] : memref<32x1000000xf32, #tpu.memory_space<hbm>> -> memref<32x128xf32, #tpu.memory_space<hbm>>
    tpu.enqueue_dma source(%dma_start3A_67 : memref<32x128xf32, #tpu.memory_space<hbm>>) target(%dma_start3A_65 : memref<32x128xf32, #tpu.memory_space<vmem>>) target_semaphore(%arg11 : memref<!tpu.dma_semaphore, #tpu.memory_space<semaphore_mem>>)
    %slice3A_68 = vector.extract_strided_slice %get3A_6 {offsets = [3], sizes = [1], strides = [1]} : vector<16xi32> to vector<1xi32>
    %squeeze3A_69 = vector.extract %slice3A_68[0] : i32 from vector<1xi32>
    %shift_right_arithmetic3A_70 = arith.constant 7 : i32
    %shift_right_arithmetic3A_71 = arith.shrsi %squeeze3A_69, %shift_right_arithmetic3A_70 : i32
    %shift_left3A_72 = arith.constant 7 : i32
    %shift_left3A_73 = arith.shli %shift_right_arithmetic3A_71, %shift_left3A_72 : i32
    %min3A_74 = arith.constant 999872 : i32
    %min3A_75 = arith.minsi %shift_left3A_73, %min3A_74 : i32
    %multiple_of3A_76 = tpu.assume_multiple %min3A_75, 128 : i32
    %dma_start3A_77 = arith.constant 3 : i32
    %dma_start3A_78 = arith.constant 0 : i32
    %dma_start3A_79 = arith.constant 0 : i32
    %dma_start3A_80 = tpu.memref_slice %arg8[%dma_start3A_77, %dma_start3A_78, %dma_start3A_79] : memref<16x32x128xf32, #tpu.memory_space<vmem>> -> memref<1x32x128xf32, #tpu.memory_space<vmem>>
    %dma_start3A_81 = tpu.memref_squeeze %dma_start3A_80 : memref<1x32x128xf32, #tpu.memory_space<vmem>> -> memref<32x128xf32, #tpu.memory_space<vmem>>
    %dma_start3A_82 = arith.constant 0 : i32
    %dma_start3A_83 = tpu.memref_slice %arg4[%dma_start3A_82, %multiple_of3A_76] : memref<32x1000000xf32, #tpu.memory_space<hbm>> -> memref<32x128xf32, #tpu.memory_space<hbm>>
    %dma_start3A_84 = arith.constant 0 : i32
    %dma_start3A_85 = arith.constant 0 : i32
    %dma_start3A_86 = tpu.memref_slice %arg8[%dma_start3A_77, %dma_start3A_84, %dma_start3A_85] : memref<16x32x128xf32, #tpu.memory_space<vmem>> -> memref<1x32x128xf32, #tpu.memory_space<vmem>>
    %dma_start3A_87 = tpu.memref_squeeze %dma_start3A_86 : memref<1x32x128xf32, #tpu.memory_space<vmem>> -> memref<32x128xf32, #tpu.memory_space<vmem>>
    %dma_start3A_88 = arith.constant 0 : i32
    %dma_start3A_89 = tpu.memref_slice %arg4[%dma_start3A_88, %multiple_of3A_76] : memref<32x1000000xf32, #tpu.memory_space<hbm>> -> memref<32x128xf32, #tpu.memory_space<hbm>>
    tpu.enqueue_dma source(%dma_start3A_89 : memref<32x128xf32, #tpu.memory_space<hbm>>) target(%dma_start3A_87 : memref<32x128xf32, #tpu.memory_space<vmem>>) target_semaphore(%arg11 : memref<!tpu.dma_semaphore, #tpu.memory_space<semaphore_mem>>)
    %slice3A_90 = vector.extract_strided_slice %get3A_6 {offsets = [4], sizes = [1], strides = [1]} : vector<16xi32> to vector<1xi32>
    %squeeze3A_91 = vector.extract %slice3A_90[0] : i32 from vector<1xi32>
    %shift_right_arithmetic3A_92 = arith.constant 7 : i32
    %shift_right_arithmetic3A_93 = arith.shrsi %squeeze3A_91, %shift_right_arithmetic3A_92 : i32
    %shift_left3A_94 = arith.constant 7 : i32
    %shift_left3A_95 = arith.shli %shift_right_arithmetic3A_93, %shift_left3A_94 : i32
    %min3A_96 = arith.constant 999872 : i32
    %min3A_97 = arith.minsi %shift_left3A_95, %min3A_96 : i32
    %multiple_of3A_98 = tpu.assume_multiple %min3A_97, 128 : i32
    %dma_start3A_99 = arith.constant 4 : i32
    %dma_start3A_100 = arith.constant 0 : i32
    %dma_start3A_101 = arith.constant 0 : i32
    %dma_start3A_102 = tpu.memref_slice %arg8[%dma_start3A_99, %dma_start3A_100, %dma_start3A_101] : memref<16x32x128xf32, #tpu.memory_space<vmem>> -> memref<1x32x128xf32, #tpu.memory_space<vmem>>
    %dma_start3A_103 = tpu.memref_squeeze %dma_start3A_102 : memref<1x32x128xf32, #tpu.memory_space<vmem>> -> memref<32x128xf32, #tpu.memory_space<vmem>>
    %dma_start3A_104 = arith.constant 0 : i32
    %dma_start3A_105 = tpu.memref_slice %arg4[%dma_start3A_104, %multiple_of3A_98] : memref<32x1000000xf32, #tpu.memory_space<hbm>> -> memref<32x128xf32, #tpu.memory_space<hbm>>
    %dma_start3A_106 = arith.constant 0 : i32
    %dma_start3A_107 = arith.constant 0 : i32
    %dma_start3A_108 = tpu.memref_slice %arg8[%dma_start3A_99, %dma_start3A_106, %dma_start3A_107] : memref<16x32x128xf32, #tpu.memory_space<vmem>> -> memref<1x32x128xf32, #tpu.memory_space<vmem>>
    %dma_start3A_109 = tpu.memref_squeeze %dma_start3A_108 : memref<1x32x128xf32, #tpu.memory_space<vmem>> -> memref<32x128xf32, #tpu.memory_space<vmem>>
    %dma_start3A_110 = arith.constant 0 : i32
    %dma_start3A_111 = tpu.memref_slice %arg4[%dma_start3A_110, %multiple_of3A_98] : memref<32x1000000xf32, #tpu.memory_space<hbm>> -> memref<32x128xf32, #tpu.memory_space<hbm>>
    tpu.enqueue_dma source(%dma_start3A_111 : memref<32x128xf32, #tpu.memory_space<hbm>>) target(%dma_start3A_109 : memref<32x128xf32, #tpu.memory_space<vmem>>) target_semaphore(%arg11 : memref<!tpu.dma_semaphore, #tpu.memory_space<semaphore_mem>>)
    %slice3A_112 = vector.extract_strided_slice %get3A_6 {offsets = [5], sizes = [1], strides = [1]} : vector<16xi32> to vector<1xi32>
    %squeeze3A_113 = vector.extract %slice3A_112[0] : i32 from vector<1xi32>
    %shift_right_arithmetic3A_114 = arith.constant 7 : i32
    %shift_right_arithmetic3A_115 = arith.shrsi %squeeze3A_113, %shift_right_arithmetic3A_114 : i32
    %shift_left3A_116 = arith.constant 7 : i32
    %shift_left3A_117 = arith.shli %shift_right_arithmetic3A_115, %shift_left3A_116 : i32
    %min3A_118 = arith.constant 999872 : i32
    %min3A_119 = arith.minsi %shift_left3A_117, %min3A_118 : i32
    %multiple_of3A_120 = tpu.assume_multiple %min3A_119, 128 : i32
    %dma_start3A_121 = arith.constant 5 : i32
    %dma_start3A_122 = arith.constant 0 : i32
    %dma_start3A_123 = arith.constant 0 : i32
    %dma_start3A_124 = tpu.memref_slice %arg8[%dma_start3A_121, %dma_start3A_122, %dma_start3A_123] : memref<16x32x128xf32, #tpu.memory_space<vmem>> -> memref<1x32x128xf32, #tpu.memory_space<vmem>>
    %dma_start3A_125 = tpu.memref_squeeze %dma_start3A_124 : memref<1x32x128xf32, #tpu.memory_space<vmem>> -> memref<32x128xf32, #tpu.memory_space<vmem>>
    %dma_start3A_126 = arith.constant 0 : i32
    %dma_start3A_127 = tpu.memref_slice %arg4[%dma_start3A_126, %multiple_of3A_120] : memref<32x1000000xf32, #tpu.memory_space<hbm>> -> memref<32x128xf32, #tpu.memory_space<hbm>>
    %dma_start3A_128 = arith.constant 0 : i32
    %dma_start3A_129 = arith.constant 0 : i32
    %dma_start3A_130 = tpu.memref_slice %arg8[%dma_start3A_121, %dma_start3A_128, %dma_start3A_129] : memref<16x32x128xf32, #tpu.memory_space<vmem>> -> memref<1x32x128xf32, #tpu.memory_space<vmem>>
    %dma_start3A_131 = tpu.memref_squeeze %dma_start3A_130 : memref<1x32x128xf32, #tpu.memory_space<vmem>> -> memref<32x128xf32, #tpu.memory_space<vmem>>
    %dma_start3A_132 = arith.constant 0 : i32
    %dma_start3A_133 = tpu.memref_slice %arg4[%dma_start3A_132, %multiple_of3A_120] : memref<32x1000000xf32, #tpu.memory_space<hbm>> -> memref<32x128xf32, #tpu.memory_space<hbm>>
    tpu.enqueue_dma source(%dma_start3A_133 : memref<32x128xf32, #tpu.memory_space<hbm>>) target(%dma_start3A_131 : memref<32x128xf32, #tpu.memory_space<vmem>>) target_semaphore(%arg11 : memref<!tpu.dma_semaphore, #tpu.memory_space<semaphore_mem>>)
    %slice3A_134 = vector.extract_strided_slice %get3A_6 {offsets = [6], sizes = [1], strides = [1]} : vector<16xi32> to vector<1xi32>
    %squeeze3A_135 = vector.extract %slice3A_134[0] : i32 from vector<1xi32>
    %shift_right_arithmetic3A_136 = arith.constant 7 : i32
    %shift_right_arithmetic3A_137 = arith.shrsi %squeeze3A_135, %shift_right_arithmetic3A_136 : i32
    %shift_left3A_138 = arith.constant 7 : i32
    %shift_left3A_139 = arith.shli %shift_right_arithmetic3A_137, %shift_left3A_138 : i32
    %min3A_140 = arith.constant 999872 : i32
    %min3A_141 = arith.minsi %shift_left3A_139, %min3A_140 : i32
    %multiple_of3A_142 = tpu.assume_multiple %min3A_141, 128 : i32
    %dma_start3A_143 = arith.constant 6 : i32
    %dma_start3A_144 = arith.constant 0 : i32
    %dma_start3A_145 = arith.constant 0 : i32
    %dma_start3A_146 = tpu.memref_slice %arg8[%dma_start3A_143, %dma_start3A_144, %dma_start3A_145] : memref<16x32x128xf32, #tpu.memory_space<vmem>> -> memref<1x32x128xf32, #tpu.memory_space<vmem>>
    %dma_start3A_147 = tpu.memref_squeeze %dma_start3A_146 : memref<1x32x128xf32, #tpu.memory_space<vmem>> -> memref<32x128xf32, #tpu.memory_space<vmem>>
    %dma_start3A_148 = arith.constant 0 : i32
    %dma_start3A_149 = tpu.memref_slice %arg4[%dma_start3A_148, %multiple_of3A_142] : memref<32x1000000xf32, #tpu.memory_space<hbm>> -> memref<32x128xf32, #tpu.memory_space<hbm>>
    %dma_start3A_150 = arith.constant 0 : i32
    %dma_start3A_151 = arith.constant 0 : i32
    %dma_start3A_152 = tpu.memref_slice %arg8[%dma_start3A_143, %dma_start3A_150, %dma_start3A_151] : memref<16x32x128xf32, #tpu.memory_space<vmem>> -> memref<1x32x128xf32, #tpu.memory_space<vmem>>
    %dma_start3A_153 = tpu.memref_squeeze %dma_start3A_152 : memref<1x32x128xf32, #tpu.memory_space<vmem>> -> memref<32x128xf32, #tpu.memory_space<vmem>>
    %dma_start3A_154 = arith.constant 0 : i32
    %dma_start3A_155 = tpu.memref_slice %arg4[%dma_start3A_154, %multiple_of3A_142] : memref<32x1000000xf32, #tpu.memory_space<hbm>> -> memref<32x128xf32, #tpu.memory_space<hbm>>
    tpu.enqueue_dma source(%dma_start3A_155 : memref<32x128xf32, #tpu.memory_space<hbm>>) target(%dma_start3A_153 : memref<32x128xf32, #tpu.memory_space<vmem>>) target_semaphore(%arg11 : memref<!tpu.dma_semaphore, #tpu.memory_space<semaphore_mem>>)
    %slice3A_156 = vector.extract_strided_slice %get3A_6 {offsets = [7], sizes = [1], strides = [1]} : vector<16xi32> to vector<1xi32>
    %squeeze3A_157 = vector.extract %slice3A_156[0] : i32 from vector<1xi32>
    %shift_right_arithmetic3A_158 = arith.constant 7 : i32
    %shift_right_arithmetic3A_159 = arith.shrsi %squeeze3A_157, %shift_right_arithmetic3A_158 : i32
    %shift_left3A_160 = arith.constant 7 : i32
    %shift_left3A_161 = arith.shli %shift_right_arithmetic3A_159, %shift_left3A_160 : i32
    %min3A_162 = arith.constant 999872 : i32
    %min3A_163 = arith.minsi %shift_left3A_161, %min3A_162 : i32
    %multiple_of3A_164 = tpu.assume_multiple %min3A_163, 128 : i32
    %dma_start3A_165 = arith.constant 7 : i32
    %dma_start3A_166 = arith.constant 0 : i32
    %dma_start3A_167 = arith.constant 0 : i32
    %dma_start3A_168 = tpu.memref_slice %arg8[%dma_start3A_165, %dma_start3A_166, %dma_start3A_167] : memref<16x32x128xf32, #tpu.memory_space<vmem>> -> memref<1x32x128xf32, #tpu.memory_space<vmem>>
    %dma_start3A_169 = tpu.memref_squeeze %dma_start3A_168 : memref<1x32x128xf32, #tpu.memory_space<vmem>> -> memref<32x128xf32, #tpu.memory_space<vmem>>
    %dma_start3A_170 = arith.constant 0 : i32
    %dma_start3A_171 = tpu.memref_slice %arg4[%dma_start3A_170, %multiple_of3A_164] : memref<32x1000000xf32, #tpu.memory_space<hbm>> -> memref<32x128xf32, #tpu.memory_space<hbm>>
    %dma_start3A_172 = arith.constant 0 : i32
    %dma_start3A_173 = arith.constant 0 : i32
    %dma_start3A_174 = tpu.memref_slice %arg8[%dma_start3A_165, %dma_start3A_172, %dma_start3A_173] : memref<16x32x128xf32, #tpu.memory_space<vmem>> -> memref<1x32x128xf32, #tpu.memory_space<vmem>>
    %dma_start3A_175 = tpu.memref_squeeze %dma_start3A_174 : memref<1x32x128xf32, #tpu.memory_space<vmem>> -> memref<32x128xf32, #tpu.memory_space<vmem>>
    %dma_start3A_176 = arith.constant 0 : i32
    %dma_start3A_177 = tpu.memref_slice %arg4[%dma_start3A_176, %multiple_of3A_164] : memref<32x1000000xf32, #tpu.memory_space<hbm>> -> memref<32x128xf32, #tpu.memory_space<hbm>>
    tpu.enqueue_dma source(%dma_start3A_177 : memref<32x128xf32, #tpu.memory_space<hbm>>) target(%dma_start3A_175 : memref<32x128xf32, #tpu.memory_space<vmem>>) target_semaphore(%arg11 : memref<!tpu.dma_semaphore, #tpu.memory_space<semaphore_mem>>)
    %slice3A_178 = vector.extract_strided_slice %get3A_6 {offsets = [8], sizes = [1], strides = [1]} : vector<16xi32> to vector<1xi32>
    %squeeze3A_179 = vector.extract %slice3A_178[0] : i32 from vector<1xi32>
    %shift_right_arithmetic3A_180 = arith.constant 7 : i32
    %shift_right_arithmetic3A_181 = arith.shrsi %squeeze3A_179, %shift_right_arithmetic3A_180 : i32
    %shift_left3A_182 = arith.constant 7 : i32
    %shift_left3A_183 = arith.shli %shift_right_arithmetic3A_181, %shift_left3A_182 : i32
    %min3A_184 = arith.constant 999872 : i32
    %min3A_185 = arith.minsi %shift_left3A_183, %min3A_184 : i32
    %multiple_of3A_186 = tpu.assume_multiple %min3A_185, 128 : i32
    %dma_start3A_187 = arith.constant 8 : i32
    %dma_start3A_188 = arith.constant 0 : i32
    %dma_start3A_189 = arith.constant 0 : i32
    %dma_start3A_190 = tpu.memref_slice %arg8[%dma_start3A_187, %dma_start3A_188, %dma_start3A_189] : memref<16x32x128xf32, #tpu.memory_space<vmem>> -> memref<1x32x128xf32, #tpu.memory_space<vmem>>
    %dma_start3A_191 = tpu.memref_squeeze %dma_start3A_190 : memref<1x32x128xf32, #tpu.memory_space<vmem>> -> memref<32x128xf32, #tpu.memory_space<vmem>>
    %dma_start3A_192 = arith.constant 0 : i32
    %dma_start3A_193 = tpu.memref_slice %arg4[%dma_start3A_192, %multiple_of3A_186] : memref<32x1000000xf32, #tpu.memory_space<hbm>> -> memref<32x128xf32, #tpu.memory_space<hbm>>
    %dma_start3A_194 = arith.constant 0 : i32
    %dma_start3A_195 = arith.constant 0 : i32
    %dma_start3A_196 = tpu.memref_slice %arg8[%dma_start3A_187, %dma_start3A_194, %dma_start3A_195] : memref<16x32x128xf32, #tpu.memory_space<vmem>> -> memref<1x32x128xf32, #tpu.memory_space<vmem>>
    %dma_start3A_197 = tpu.memref_squeeze %dma_start3A_196 : memref<1x32x128xf32, #tpu.memory_space<vmem>> -> memref<32x128xf32, #tpu.memory_space<vmem>>
    %dma_start3A_198 = arith.constant 0 : i32
    %dma_start3A_199 = tpu.memref_slice %arg4[%dma_start3A_198, %multiple_of3A_186] : memref<32x1000000xf32, #tpu.memory_space<hbm>> -> memref<32x128xf32, #tpu.memory_space<hbm>>
    tpu.enqueue_dma source(%dma_start3A_199 : memref<32x128xf32, #tpu.memory_space<hbm>>) target(%dma_start3A_197 : memref<32x128xf32, #tpu.memory_space<vmem>>) target_semaphore(%arg11 : memref<!tpu.dma_semaphore, #tpu.memory_space<semaphore_mem>>)
    %slice3A_200 = vector.extract_strided_slice %get3A_6 {offsets = [9], sizes = [1], strides = [1]} : vector<16xi32> to vector<1xi32>
    %squeeze3A_201 = vector.extract %slice3A_200[0] : i32 from vector<1xi32>
    %shift_right_arithmetic3A_202 = arith.constant 7 : i32
    %shift_right_arithmetic3A_203 = arith.shrsi %squeeze3A_201, %shift_right_arithmetic3A_202 : i32
    %shift_left3A_204 = arith.constant 7 : i32
    %shift_left3A_205 = arith.shli %shift_right_arithmetic3A_203, %shift_left3A_204 : i32
    %min3A_206 = arith.constant 999872 : i32
    %min3A_207 = arith.minsi %shift_left3A_205, %min3A_206 : i32
    %multiple_of3A_208 = tpu.assume_multiple %min3A_207, 128 : i32
    %dma_start3A_209 = arith.constant 9 : i32
    %dma_start3A_210 = arith.constant 0 : i32
    %dma_start3A_211 = arith.constant 0 : i32
    %dma_start3A_212 = tpu.memref_slice %arg8[%dma_start3A_209, %dma_start3A_210, %dma_start3A_211] : memref<16x32x128xf32, #tpu.memory_space<vmem>> -> memref<1x32x128xf32, #tpu.memory_space<vmem>>
    %dma_start3A_213 = tpu.memref_squeeze %dma_start3A_212 : memref<1x32x128xf32, #tpu.memory_space<vmem>> -> memref<32x128xf32, #tpu.memory_space<vmem>>
    %dma_start3A_214 = arith.constant 0 : i32
    %dma_start3A_215 = tpu.memref_slice %arg4[%dma_start3A_214, %multiple_of3A_208] : memref<32x1000000xf32, #tpu.memory_space<hbm>> -> memref<32x128xf32, #tpu.memory_space<hbm>>
    %dma_start3A_216 = arith.constant 0 : i32
    %dma_start3A_217 = arith.constant 0 : i32
    %dma_start3A_218 = tpu.memref_slice %arg8[%dma_start3A_209, %dma_start3A_216, %dma_start3A_217] : memref<16x32x128xf32, #tpu.memory_space<vmem>> -> memref<1x32x128xf32, #tpu.memory_space<vmem>>
    %dma_start3A_219 = tpu.memref_squeeze %dma_start3A_218 : memref<1x32x128xf32, #tpu.memory_space<vmem>> -> memref<32x128xf32, #tpu.memory_space<vmem>>
    %dma_start3A_220 = arith.constant 0 : i32
    %dma_start3A_221 = tpu.memref_slice %arg4[%dma_start3A_220, %multiple_of3A_208] : memref<32x1000000xf32, #tpu.memory_space<hbm>> -> memref<32x128xf32, #tpu.memory_space<hbm>>
    tpu.enqueue_dma source(%dma_start3A_221 : memref<32x128xf32, #tpu.memory_space<hbm>>) target(%dma_start3A_219 : memref<32x128xf32, #tpu.memory_space<vmem>>) target_semaphore(%arg11 : memref<!tpu.dma_semaphore, #tpu.memory_space<semaphore_mem>>)
    %slice3A_222 = vector.extract_strided_slice %get3A_6 {offsets = [10], sizes = [1], strides = [1]} : vector<16xi32> to vector<1xi32>
    %squeeze3A_223 = vector.extract %slice3A_222[0] : i32 from vector<1xi32>
    %shift_right_arithmetic3A_224 = arith.constant 7 : i32
    %shift_right_arithmetic3A_225 = arith.shrsi %squeeze3A_223, %shift_right_arithmetic3A_224 : i32
    %shift_left3A_226 = arith.constant 7 : i32
    %shift_left3A_227 = arith.shli %shift_right_arithmetic3A_225, %shift_left3A_226 : i32
    %min3A_228 = arith.constant 999872 : i32
    %min3A_229 = arith.minsi %shift_left3A_227, %min3A_228 : i32
    %multiple_of3A_230 = tpu.assume_multiple %min3A_229, 128 : i32
    %dma_start3A_231 = arith.constant 10 : i32
    %dma_start3A_232 = arith.constant 0 : i32
    %dma_start3A_233 = arith.constant 0 : i32
    %dma_start3A_234 = tpu.memref_slice %arg8[%dma_start3A_231, %dma_start3A_232, %dma_start3A_233] : memref<16x32x128xf32, #tpu.memory_space<vmem>> -> memref<1x32x128xf32, #tpu.memory_space<vmem>>
    %dma_start3A_235 = tpu.memref_squeeze %dma_start3A_234 : memref<1x32x128xf32, #tpu.memory_space<vmem>> -> memref<32x128xf32, #tpu.memory_space<vmem>>
    %dma_start3A_236 = arith.constant 0 : i32
    %dma_start3A_237 = tpu.memref_slice %arg4[%dma_start3A_236, %multiple_of3A_230] : memref<32x1000000xf32, #tpu.memory_space<hbm>> -> memref<32x128xf32, #tpu.memory_space<hbm>>
    %dma_start3A_238 = arith.constant 0 : i32
    %dma_start3A_239 = arith.constant 0 : i32
    %dma_start3A_240 = tpu.memref_slice %arg8[%dma_start3A_231, %dma_start3A_238, %dma_start3A_239] : memref<16x32x128xf32, #tpu.memory_space<vmem>> -> memref<1x32x128xf32, #tpu.memory_space<vmem>>
    %dma_start3A_241 = tpu.memref_squeeze %dma_start3A_240 : memref<1x32x128xf32, #tpu.memory_space<vmem>> -> memref<32x128xf32, #tpu.memory_space<vmem>>
    %dma_start3A_242 = arith.constant 0 : i32
    %dma_start3A_243 = tpu.memref_slice %arg4[%dma_start3A_242, %multiple_of3A_230] : memref<32x1000000xf32, #tpu.memory_space<hbm>> -> memref<32x128xf32, #tpu.memory_space<hbm>>
    tpu.enqueue_dma source(%dma_start3A_243 : memref<32x128xf32, #tpu.memory_space<hbm>>) target(%dma_start3A_241 : memref<32x128xf32, #tpu.memory_space<vmem>>) target_semaphore(%arg11 : memref<!tpu.dma_semaphore, #tpu.memory_space<semaphore_mem>>)
    %slice3A_244 = vector.extract_strided_slice %get3A_6 {offsets = [11], sizes = [1], strides = [1]} : vector<16xi32> to vector<1xi32>
    %squeeze3A_245 = vector.extract %slice3A_244[0] : i32 from vector<1xi32>
    %shift_right_arithmetic3A_246 = arith.constant 7 : i32
    %shift_right_arithmetic3A_247 = arith.shrsi %squeeze3A_245, %shift_right_arithmetic3A_246 : i32
    %shift_left3A_248 = arith.constant 7 : i32
    %shift_left3A_249 = arith.shli %shift_right_arithmetic3A_247, %shift_left3A_248 : i32
    %min3A_250 = arith.constant 999872 : i32
    %min3A_251 = arith.minsi %shift_left3A_249, %min3A_250 : i32
    %multiple_of3A_252 = tpu.assume_multiple %min3A_251, 128 : i32
    %dma_start3A_253 = arith.constant 11 : i32
    %dma_start3A_254 = arith.constant 0 : i32
    %dma_start3A_255 = arith.constant 0 : i32
    %dma_start3A_256 = tpu.memref_slice %arg8[%dma_start3A_253, %dma_start3A_254, %dma_start3A_255] : memref<16x32x128xf32, #tpu.memory_space<vmem>> -> memref<1x32x128xf32, #tpu.memory_space<vmem>>
    %dma_start3A_257 = tpu.memref_squeeze %dma_start3A_256 : memref<1x32x128xf32, #tpu.memory_space<vmem>> -> memref<32x128xf32, #tpu.memory_space<vmem>>
    %dma_start3A_258 = arith.constant 0 : i32
    %dma_start3A_259 = tpu.memref_slice %arg4[%dma_start3A_258, %multiple_of3A_252] : memref<32x1000000xf32, #tpu.memory_space<hbm>> -> memref<32x128xf32, #tpu.memory_space<hbm>>
    %dma_start3A_260 = arith.constant 0 : i32
    %dma_start3A_261 = arith.constant 0 : i32
    %dma_start3A_262 = tpu.memref_slice %arg8[%dma_start3A_253, %dma_start3A_260, %dma_start3A_261] : memref<16x32x128xf32, #tpu.memory_space<vmem>> -> memref<1x32x128xf32, #tpu.memory_space<vmem>>
    %dma_start3A_263 = tpu.memref_squeeze %dma_start3A_262 : memref<1x32x128xf32, #tpu.memory_space<vmem>> -> memref<32x128xf32, #tpu.memory_space<vmem>>
    %dma_start3A_264 = arith.constant 0 : i32
    %dma_start3A_265 = tpu.memref_slice %arg4[%dma_start3A_264, %multiple_of3A_252] : memref<32x1000000xf32, #tpu.memory_space<hbm>> -> memref<32x128xf32, #tpu.memory_space<hbm>>
    tpu.enqueue_dma source(%dma_start3A_265 : memref<32x128xf32, #tpu.memory_space<hbm>>) target(%dma_start3A_263 : memref<32x128xf32, #tpu.memory_space<vmem>>) target_semaphore(%arg11 : memref<!tpu.dma_semaphore, #tpu.memory_space<semaphore_mem>>)
    %dma_wait3A = arith.constant 0 : i32
    %dma_wait3A_266 = tpu.memref_slice %arg2[%dma_wait3A, %multiple_of3A] : memref<32x16384xf32, #tpu.memory_space<hbm>> -> memref<32x512xf32, #tpu.memory_space<hbm>>
    %dma_wait3A_267 = arith.constant 0 : i32
    %dma_wait3A_268 = tpu.memref_slice %arg2[%dma_wait3A_267, %multiple_of3A] : memref<32x16384xf32, #tpu.memory_space<hbm>> -> memref<32x512xf32, #tpu.memory_space<hbm>>
    tpu.wait_dma2 semaphore(%arg10 : memref<!tpu.dma_semaphore, #tpu.memory_space<semaphore_mem>>) src(%dma_wait3A_268 : memref<32x512xf32, #tpu.memory_space<hbm>>) dst(%arg7 : memref<32x512xf32, #tpu.memory_space<vmem>>)
    %broadcast_in_dim3A = arith.constant 0.000000e+00 : f32
    %broadcast_in_dim3A_269 = vector.broadcast %broadcast_in_dim3A : f32 to vector<16xf32>
    %scan3A = arith.constant 0 : i32
    %scan3A_270 = arith.constant 32 : i32
    %scan3A_271 = arith.addi %scan3A, %scan3A_270 : i32
    %scan3A_272 = arith.constant 1 : i32
    %scan3A_273 = scf.for %scan3A_278 = %scan3A to %scan3A_271 step %scan3A_272 iter_args(%scan3A_279 = %broadcast_in_dim3A_269) -> (vector<16xf32>)  : i32 {
      %mul3A_280 = arith.constant 16 : i32
      %mul3A_281 = arith.muli %scan3A_278, %mul3A_280 : i32
      %get3A_282 = arith.index_cast %mul3A_281 : i32 to index
      %get3A_283 = tpu.vector_load %arg6[%get3A_282] {strides = array<i32>} : memref<512xi32, #tpu.memory_space<vmem>>, vector<16xi32>,
      %add3A_284 = arith.constant 16 : i32
      %add3A_285 = arith.addi %mul3A_281, %add3A_284 : i32
      %min3A_286 = arith.constant 496 : i32
      %min3A_287 = arith.minsi %add3A_285, %min3A_286 : i32
      %get3A_288 = arith.index_cast %min3A_287 : i32 to index
      %get3A_289 = tpu.vector_load %arg6[%get3A_288] {strides = array<i32>} : memref<512xi32, #tpu.memory_space<vmem>>, vector<16xi32>,
      %add3A_290 = arith.constant 0 : i32
      %add3A_291 = arith.addi %mul3A_281, %add3A_290 : i32
      %jit3A = arith.constant 16 : i32
      %eq3A = arith.constant 0 : i32
      %eq3A_292 = arith.cmpi eq, %jit3A, %eq3A : i32
      %jit3A_293 = arith.constant 1 : i32
      %select_n3A = arith.select %eq3A_292, %jit3A_293, %jit3A : i32
      %rem3A = arith.remsi %add3A_291, %select_n3A : i32
      %ne3A = arith.constant 0 : i32
      %ne3A_294 = arith.cmpi ne, %rem3A, %ne3A : i32
      %lt3A = arith.constant 0 : i32
      %lt3A_295 = arith.cmpi slt, %rem3A, %lt3A : i32
      %lt3A_296 = arith.constant 0 : i32
      %lt3A_297 = arith.cmpi slt, %select_n3A, %lt3A_296 : i32
      %ne3A_298 = arith.xori %lt3A_295, %lt3A_297 : i1
      %and3A = arith.andi %ne3A_298, %ne3A_294 : i1
      %add3A_299 = arith.addi %rem3A, %select_n3A : i32
      %select_n3A_300 = arith.select %and3A, %add3A_299, %rem3A : i32
      %slice3A_301 = vector.extract_strided_slice %get3A_283 {offsets = [0], sizes = [1], strides = [1]} : vector<16xi32> to vector<1xi32>
      %squeeze3A_302 = vector.extract %slice3A_301[0] : i32 from vector<1xi32>
      %shift_right_arithmetic3A_303 = arith.constant 7 : i32
      %shift_right_arithmetic3A_304 = arith.shrsi %squeeze3A_302, %shift_right_arithmetic3A_303 : i32
      %shift_left3A_305 = arith.constant 7 : i32
      %shift_left3A_306 = arith.shli %shift_right_arithmetic3A_304, %shift_left3A_305 : i32
      %min3A_307 = arith.constant 999872 : i32
      %min3A_308 = arith.minsi %shift_left3A_306, %min3A_307 : i32
      %sub3A = arith.subi %squeeze3A_302, %min3A_308 : i32
      %broadcast_in_dim3A_309 = vector.broadcast %sub3A : i32 to vector<16xi32>
      %broadcast_in_dim3A_310 = vector.broadcast %add3A_291 : i32 to vector<16xi32>
      %gather3A = tpu.vector_load_idx %arg7[%iota3A, %broadcast_in_dim3A_310] : memref<32x512xf32, #tpu.memory_space<vmem>>[vector<16xi32>, vector<16xi32>], vector<16xf32>,
      %add3A_311 = arith.constant 16 : i32
      %add3A_312 = vector.broadcast %add3A_311 : i32 to vector<16xi32>
      %add3A_313 = arith.addi %iota3A, %add3A_312 : vector<16xi32>
      %gather3A_314 = tpu.vector_load_idx %arg7[%add3A_313, %broadcast_in_dim3A_310] : memref<32x512xf32, #tpu.memory_space<vmem>>[vector<16xi32>, vector<16xi32>], vector<16xf32>,
      %dma_wait3A_315 = arith.constant 0 : i32
      %dma_wait3A_316 = arith.constant 0 : i32
      %dma_wait3A_317 = tpu.memref_slice %arg8[%select_n3A_300, %dma_wait3A_315, %dma_wait3A_316] : memref<16x32x128xf32, #tpu.memory_space<vmem>> -> memref<1x32x128xf32, #tpu.memory_space<vmem>>
      %dma_wait3A_318 = tpu.memref_squeeze %dma_wait3A_317 : memref<1x32x128xf32, #tpu.memory_space<vmem>> -> memref<32x128xf32, #tpu.memory_space<vmem>>
      %dma_wait3A_319 = arith.constant 0 : i32
      %dma_wait3A_320 = arith.constant 0 : i32
      %dma_wait3A_321 = tpu.memref_slice %arg4[%dma_wait3A_319, %dma_wait3A_320] : memref<32x1000000xf32, #tpu.memory_space<hbm>> -> memref<32x128xf32, #tpu.memory_space<hbm>>
      %dma_wait3A_322 = arith.constant 0 : i32
      %dma_wait3A_323 = arith.constant 0 : i32
      %dma_wait3A_324 = tpu.memref_slice %arg8[%select_n3A_300, %dma_wait3A_322, %dma_wait3A_323] : memref<16x32x128xf32, #tpu.memory_space<vmem>> -> memref<1x32x128xf32, #tpu.memory_space<vmem>>
      %dma_wait3A_325 = tpu.memref_squeeze %dma_wait3A_324 : memref<1x32x128xf32, #tpu.memory_space<vmem>> -> memref<32x128xf32, #tpu.memory_space<vmem>>
      %dma_wait3A_326 = arith.constant 0 : i32
      %dma_wait3A_327 = arith.constant 0 : i32
      %dma_wait3A_328 = tpu.memref_slice %arg4[%dma_wait3A_326, %dma_wait3A_327] : memref<32x1000000xf32, #tpu.memory_space<hbm>> -> memref<32x128xf32, #tpu.memory_space<hbm>>
      tpu.wait_dma2 semaphore(%arg11 : memref<!tpu.dma_semaphore, #tpu.memory_space<semaphore_mem>>) src(%dma_wait3A_328 : memref<32x128xf32, #tpu.memory_space<hbm>>) dst(%dma_wait3A_325 : memref<32x128xf32, #tpu.memory_space<vmem>>)
      %gather3A_329 = arith.constant 0 : i32
      %gather3A_330 = arith.constant 0 : i32
      %gather3A_331 = tpu.memref_slice %arg8[%select_n3A_300, %gather3A_329, %gather3A_330] : memref<16x32x128xf32, #tpu.memory_space<vmem>> -> memref<1x32x128xf32, #tpu.memory_space<vmem>>
      %gather3A_332 = tpu.memref_squeeze %gather3A_331 : memref<1x32x128xf32, #tpu.memory_space<vmem>> -> memref<32x128xf32, #tpu.memory_space<vmem>>
      %gather3A_333 = tpu.vector_load_idx %gather3A_332[%iota3A, %broadcast_in_dim3A_309] : memref<32x128xf32, #tpu.memory_space<vmem>>[vector<16xi32>, vector<16xi32>], vector<16xf32>,
      %add3A_334 = arith.constant 16 : i32
      %add3A_335 = vector.broadcast %add3A_334 : i32 to vector<16xi32>
      %add3A_336 = arith.addi %iota3A, %add3A_335 : vector<16xi32>
      %gather3A_337 = arith.constant 0 : i32
      %gather3A_338 = arith.constant 0 : i32
      %gather3A_339 = tpu.memref_slice %arg8[%select_n3A_300, %gather3A_337, %gather3A_338] : memref<16x32x128xf32, #tpu.memory_space<vmem>> -> memref<1x32x128xf32, #tpu.memory_space<vmem>>
      %gather3A_340 = tpu.memref_squeeze %gather3A_339 : memref<1x32x128xf32, #tpu.memory_space<vmem>> -> memref<32x128xf32, #tpu.memory_space<vmem>>
      %gather3A_341 = tpu.vector_load_idx %gather3A_340[%add3A_336, %broadcast_in_dim3A_309] : memref<32x128xf32, #tpu.memory_space<vmem>>[vector<16xi32>, vector<16xi32>], vector<16xf32>,
      %sub3A_342 = arith.subf %gather3A, %gather3A_333 : vector<16xf32>
      %sub3A_343 = arith.subf %gather3A_314, %gather3A_341 : vector<16xf32>
      %mul3A_344 = arith.mulf %sub3A_342, %sub3A_342 : vector<16xf32>
      %add3A_345 = arith.addf %scan3A_279, %mul3A_344 : vector<16xf32>
      %mul3A_346 = arith.mulf %sub3A_343, %sub3A_343 : vector<16xf32>
      %add3A_347 = arith.addf %add3A_345, %mul3A_346 : vector<16xf32>
      %slice3A_348 = vector.extract_strided_slice %get3A_283 {offsets = [12], sizes = [1], strides = [1]} : vector<16xi32> to vector<1xi32>
      %squeeze3A_349 = vector.extract %slice3A_348[0] : i32 from vector<1xi32>
      %add3A_350 = arith.constant 12 : i32
      %add3A_351 = arith.addi %add3A_291, %add3A_350 : i32
      %lt3A_352 = arith.constant 512 : i32
      %lt3A_353 = arith.cmpi slt, %add3A_351, %lt3A_352 : i32
      %convert_element_type3A = arith.extui %lt3A_353 : i1 to i32
      %cond3A = arith.constant 0 : i32
      %cond3A_354 = arith.cmpi ne, %convert_element_type3A, %cond3A : i32
      scf.if %cond3A_354 {
        %jit3A_1495 = arith.constant 16 : i32
        %eq3A_1496 = arith.constant 0 : i32
        %eq3A_1497 = arith.cmpi eq, %jit3A_1495, %eq3A_1496 : i32
        %jit3A_1498 = arith.constant 1 : i32
        %select_n3A_1499 = arith.select %eq3A_1497, %jit3A_1498, %jit3A_1495 : i32
        %rem3A_1500 = arith.remsi %add3A_351, %select_n3A_1499 : i32
        %ne3A_1501 = arith.constant 0 : i32
        %ne3A_1502 = arith.cmpi ne, %rem3A_1500, %ne3A_1501 : i32
        %lt3A_1503 = arith.constant 0 : i32
        %lt3A_1504 = arith.cmpi slt, %rem3A_1500, %lt3A_1503 : i32
        %lt3A_1505 = arith.constant 0 : i32
        %lt3A_1506 = arith.cmpi slt, %select_n3A_1499, %lt3A_1505 : i32
        %ne3A_1507 = arith.xori %lt3A_1504, %lt3A_1506 : i1
        %and3A_1508 = arith.andi %ne3A_1507, %ne3A_1502 : i1
        %add3A_1509 = arith.addi %rem3A_1500, %select_n3A_1499 : i32
        %select_n3A_1510 = arith.select %and3A_1508, %add3A_1509, %rem3A_1500 : i32
        %shift_right_arithmetic3A_1511 = arith.constant 7 : i32
        %shift_right_arithmetic3A_1512 = arith.shrsi %squeeze3A_349, %shift_right_arithmetic3A_1511 : i32
        %shift_left3A_1513 = arith.constant 7 : i32
        %shift_left3A_1514 = arith.shli %shift_right_arithmetic3A_1512, %shift_left3A_1513 : i32
        %min3A_1515 = arith.constant 999872 : i32
        %min3A_1516 = arith.minsi %shift_left3A_1514, %min3A_1515 : i32
        %multiple_of3A_1517 = tpu.assume_multiple %min3A_1516, 128 : i32
        %dma_start3A_1518 = arith.constant 0 : i32
        %dma_start3A_1519 = arith.constant 0 : i32
        %dma_start3A_1520 = tpu.memref_slice %arg8[%select_n3A_1510, %dma_start3A_1518, %dma_start3A_1519] : memref<16x32x128xf32, #tpu.memory_space<vmem>> -> memref<1x32x128xf32, #tpu.memory_space<vmem>>
        %dma_start3A_1521 = tpu.memref_squeeze %dma_start3A_1520 : memref<1x32x128xf32, #tpu.memory_space<vmem>> -> memref<32x128xf32, #tpu.memory_space<vmem>>
        %dma_start3A_1522 = arith.constant 0 : i32
        %dma_start3A_1523 = tpu.memref_slice %arg4[%dma_start3A_1522, %multiple_of3A_1517] : memref<32x1000000xf32, #tpu.memory_space<hbm>> -> memref<32x128xf32, #tpu.memory_space<hbm>>
        %dma_start3A_1524 = arith.constant 0 : i32
        %dma_start3A_1525 = arith.constant 0 : i32
        %dma_start3A_1526 = tpu.memref_slice %arg8[%select_n3A_1510, %dma_start3A_1524, %dma_start3A_1525] : memref<16x32x128xf32, #tpu.memory_space<vmem>> -> memref<1x32x128xf32, #tpu.memory_space<vmem>>
        %dma_start3A_1527 = tpu.memref_squeeze %dma_start3A_1526 : memref<1x32x128xf32, #tpu.memory_space<vmem>> -> memref<32x128xf32, #tpu.memory_space<vmem>>
        %dma_start3A_1528 = arith.constant 0 : i32
        %dma_start3A_1529 = tpu.memref_slice %arg4[%dma_start3A_1528, %multiple_of3A_1517] : memref<32x1000000xf32, #tpu.memory_space<hbm>> -> memref<32x128xf32, #tpu.memory_space<hbm>>
        tpu.enqueue_dma source(%dma_start3A_1529 : memref<32x128xf32, #tpu.memory_space<hbm>>) target(%dma_start3A_1527 : memref<32x128xf32, #tpu.memory_space<vmem>>) target_semaphore(%arg11 : memref<!tpu.dma_semaphore, #tpu.memory_space<semaphore_mem>>)
      } else {
      }
      %add3A_355 = arith.constant 1 : i32
      %add3A_356 = arith.addi %mul3A_281, %add3A_355 : i32
      %jit3A_357 = arith.constant 16 : i32
      %eq3A_358 = arith.constant 0 : i32
      %eq3A_359 = arith.cmpi eq, %jit3A_357, %eq3A_358 : i32
      %jit3A_360 = arith.constant 1 : i32
      %select_n3A_361 = arith.select %eq3A_359, %jit3A_360, %jit3A_357 : i32
      %rem3A_362 = arith.remsi %add3A_356, %select_n3A_361 : i32
      %ne3A_363 = arith.constant 0 : i32
      %ne3A_364 = arith.cmpi ne, %rem3A_362, %ne3A_363 : i32
      %lt3A_365 = arith.constant 0 : i32
      %lt3A_366 = arith.cmpi slt, %rem3A_362, %lt3A_365 : i32
      %lt3A_367 = arith.constant 0 : i32
      %lt3A_368 = arith.cmpi slt, %select_n3A_361, %lt3A_367 : i32
      %ne3A_369 = arith.xori %lt3A_366, %lt3A_368 : i1
      %and3A_370 = arith.andi %ne3A_369, %ne3A_364 : i1
      %add3A_371 = arith.addi %rem3A_362, %select_n3A_361 : i32
      %select_n3A_372 = arith.select %and3A_370, %add3A_371, %rem3A_362 : i32
      %slice3A_373 = vector.extract_strided_slice %get3A_283 {offsets = [1], sizes = [1], strides = [1]} : vector<16xi32> to vector<1xi32>
      %squeeze3A_374 = vector.extract %slice3A_373[0] : i32 from vector<1xi32>
      %shift_right_arithmetic3A_375 = arith.constant 7 : i32
      %shift_right_arithmetic3A_376 = arith.shrsi %squeeze3A_374, %shift_right_arithmetic3A_375 : i32
      %shift_left3A_377 = arith.constant 7 : i32
      %shift_left3A_378 = arith.shli %shift_right_arithmetic3A_376, %shift_left3A_377 : i32
      %min3A_379 = arith.constant 999872 : i32
      %min3A_380 = arith.minsi %shift_left3A_378, %min3A_379 : i32
      %sub3A_381 = arith.subi %squeeze3A_374, %min3A_380 : i32
      %broadcast_in_dim3A_382 = vector.broadcast %sub3A_381 : i32 to vector<16xi32>
      %broadcast_in_dim3A_383 = vector.broadcast %add3A_356 : i32 to vector<16xi32>
      %gather3A_384 = tpu.vector_load_idx %arg7[%iota3A, %broadcast_in_dim3A_383] : memref<32x512xf32, #tpu.memory_space<vmem>>[vector<16xi32>, vector<16xi32>], vector<16xf32>,
      %add3A_385 = arith.constant 16 : i32
      %add3A_386 = vector.broadcast %add3A_385 : i32 to vector<16xi32>
      %add3A_387 = arith.addi %iota3A, %add3A_386 : vector<16xi32>
      %gather3A_388 = tpu.vector_load_idx %arg7[%add3A_387, %broadcast_in_dim3A_383] : memref<32x512xf32, #tpu.memory_space<vmem>>[vector<16xi32>, vector<16xi32>], vector<16xf32>,
      %dma_wait3A_389 = arith.constant 0 : i32
      %dma_wait3A_390 = arith.constant 0 : i32
      %dma_wait3A_391 = tpu.memref_slice %arg8[%select_n3A_372, %dma_wait3A_389, %dma_wait3A_390] : memref<16x32x128xf32, #tpu.memory_space<vmem>> -> memref<1x32x128xf32, #tpu.memory_space<vmem>>
      %dma_wait3A_392 = tpu.memref_squeeze %dma_wait3A_391 : memref<1x32x128xf32, #tpu.memory_space<vmem>> -> memref<32x128xf32, #tpu.memory_space<vmem>>
      %dma_wait3A_393 = arith.constant 0 : i32
      %dma_wait3A_394 = arith.constant 0 : i32
      %dma_wait3A_395 = tpu.memref_slice %arg4[%dma_wait3A_393, %dma_wait3A_394] : memref<32x1000000xf32, #tpu.memory_space<hbm>> -> memref<32x128xf32, #tpu.memory_space<hbm>>
      %dma_wait3A_396 = arith.constant 0 : i32
      %dma_wait3A_397 = arith.constant 0 : i32
      %dma_wait3A_398 = tpu.memref_slice %arg8[%select_n3A_372, %dma_wait3A_396, %dma_wait3A_397] : memref<16x32x128xf32, #tpu.memory_space<vmem>> -> memref<1x32x128xf32, #tpu.memory_space<vmem>>
      %dma_wait3A_399 = tpu.memref_squeeze %dma_wait3A_398 : memref<1x32x128xf32, #tpu.memory_space<vmem>> -> memref<32x128xf32, #tpu.memory_space<vmem>>
      %dma_wait3A_400 = arith.constant 0 : i32
      %dma_wait3A_401 = arith.constant 0 : i32
      %dma_wait3A_402 = tpu.memref_slice %arg4[%dma_wait3A_400, %dma_wait3A_401] : memref<32x1000000xf32, #tpu.memory_space<hbm>> -> memref<32x128xf32, #tpu.memory_space<hbm>>
      tpu.wait_dma2 semaphore(%arg11 : memref<!tpu.dma_semaphore, #tpu.memory_space<semaphore_mem>>) src(%dma_wait3A_402 : memref<32x128xf32, #tpu.memory_space<hbm>>) dst(%dma_wait3A_399 : memref<32x128xf32, #tpu.memory_space<vmem>>)
      %gather3A_403 = arith.constant 0 : i32
      %gather3A_404 = arith.constant 0 : i32
      %gather3A_405 = tpu.memref_slice %arg8[%select_n3A_372, %gather3A_403, %gather3A_404] : memref<16x32x128xf32, #tpu.memory_space<vmem>> -> memref<1x32x128xf32, #tpu.memory_space<vmem>>
      %gather3A_406 = tpu.memref_squeeze %gather3A_405 : memref<1x32x128xf32, #tpu.memory_space<vmem>> -> memref<32x128xf32, #tpu.memory_space<vmem>>
      %gather3A_407 = tpu.vector_load_idx %gather3A_406[%iota3A, %broadcast_in_dim3A_382] : memref<32x128xf32, #tpu.memory_space<vmem>>[vector<16xi32>, vector<16xi32>], vector<16xf32>,
      %add3A_408 = arith.constant 16 : i32
      %add3A_409 = vector.broadcast %add3A_408 : i32 to vector<16xi32>
      %add3A_410 = arith.addi %iota3A, %add3A_409 : vector<16xi32>
      %gather3A_411 = arith.constant 0 : i32
      %gather3A_412 = arith.constant 0 : i32
      %gather3A_413 = tpu.memref_slice %arg8[%select_n3A_372, %gather3A_411, %gather3A_412] : memref<16x32x128xf32, #tpu.memory_space<vmem>> -> memref<1x32x128xf32, #tpu.memory_space<vmem>>
      %gather3A_414 = tpu.memref_squeeze %gather3A_413 : memref<1x32x128xf32, #tpu.memory_space<vmem>> -> memref<32x128xf32, #tpu.memory_space<vmem>>
      %gather3A_415 = tpu.vector_load_idx %gather3A_414[%add3A_410, %broadcast_in_dim3A_382] : memref<32x128xf32, #tpu.memory_space<vmem>>[vector<16xi32>, vector<16xi32>], vector<16xf32>,
      %sub3A_416 = arith.subf %gather3A_384, %gather3A_407 : vector<16xf32>
      %sub3A_417 = arith.subf %gather3A_388, %gather3A_415 : vector<16xf32>
      %mul3A_418 = arith.mulf %sub3A_416, %sub3A_416 : vector<16xf32>
      %add3A_419 = arith.addf %add3A_347, %mul3A_418 : vector<16xf32>
      %mul3A_420 = arith.mulf %sub3A_417, %sub3A_417 : vector<16xf32>
      %add3A_421 = arith.addf %add3A_419, %mul3A_420 : vector<16xf32>
      %slice3A_422 = vector.extract_strided_slice %get3A_283 {offsets = [13], sizes = [1], strides = [1]} : vector<16xi32> to vector<1xi32>
      %squeeze3A_423 = vector.extract %slice3A_422[0] : i32 from vector<1xi32>
      %add3A_424 = arith.constant 12 : i32
      %add3A_425 = arith.addi %add3A_356, %add3A_424 : i32
      %lt3A_426 = arith.constant 512 : i32
      %lt3A_427 = arith.cmpi slt, %add3A_425, %lt3A_426 : i32
      %convert_element_type3A_428 = arith.extui %lt3A_427 : i1 to i32
      %cond3A_429 = arith.constant 0 : i32
      %cond3A_430 = arith.cmpi ne, %convert_element_type3A_428, %cond3A_429 : i32
      scf.if %cond3A_430 {
        %jit3A_1495 = arith.constant 16 : i32
        %eq3A_1496 = arith.constant 0 : i32
        %eq3A_1497 = arith.cmpi eq, %jit3A_1495, %eq3A_1496 : i32
        %jit3A_1498 = arith.constant 1 : i32
        %select_n3A_1499 = arith.select %eq3A_1497, %jit3A_1498, %jit3A_1495 : i32
        %rem3A_1500 = arith.remsi %add3A_425, %select_n3A_1499 : i32
        %ne3A_1501 = arith.constant 0 : i32
        %ne3A_1502 = arith.cmpi ne, %rem3A_1500, %ne3A_1501 : i32
        %lt3A_1503 = arith.constant 0 : i32
        %lt3A_1504 = arith.cmpi slt, %rem3A_1500, %lt3A_1503 : i32
        %lt3A_1505 = arith.constant 0 : i32
        %lt3A_1506 = arith.cmpi slt, %select_n3A_1499, %lt3A_1505 : i32
        %ne3A_1507 = arith.xori %lt3A_1504, %lt3A_1506 : i1
        %and3A_1508 = arith.andi %ne3A_1507, %ne3A_1502 : i1
        %add3A_1509 = arith.addi %rem3A_1500, %select_n3A_1499 : i32
        %select_n3A_1510 = arith.select %and3A_1508, %add3A_1509, %rem3A_1500 : i32
        %shift_right_arithmetic3A_1511 = arith.constant 7 : i32
        %shift_right_arithmetic3A_1512 = arith.shrsi %squeeze3A_423, %shift_right_arithmetic3A_1511 : i32
        %shift_left3A_1513 = arith.constant 7 : i32
        %shift_left3A_1514 = arith.shli %shift_right_arithmetic3A_1512, %shift_left3A_1513 : i32
        %min3A_1515 = arith.constant 999872 : i32
        %min3A_1516 = arith.minsi %shift_left3A_1514, %min3A_1515 : i32
        %multiple_of3A_1517 = tpu.assume_multiple %min3A_1516, 128 : i32
        %dma_start3A_1518 = arith.constant 0 : i32
        %dma_start3A_1519 = arith.constant 0 : i32
        %dma_start3A_1520 = tpu.memref_slice %arg8[%select_n3A_1510, %dma_start3A_1518, %dma_start3A_1519] : memref<16x32x128xf32, #tpu.memory_space<vmem>> -> memref<1x32x128xf32, #tpu.memory_space<vmem>>
        %dma_start3A_1521 = tpu.memref_squeeze %dma_start3A_1520 : memref<1x32x128xf32, #tpu.memory_space<vmem>> -> memref<32x128xf32, #tpu.memory_space<vmem>>
        %dma_start3A_1522 = arith.constant 0 : i32
        %dma_start3A_1523 = tpu.memref_slice %arg4[%dma_start3A_1522, %multiple_of3A_1517] : memref<32x1000000xf32, #tpu.memory_space<hbm>> -> memref<32x128xf32, #tpu.memory_space<hbm>>
        %dma_start3A_1524 = arith.constant 0 : i32
        %dma_start3A_1525 = arith.constant 0 : i32
        %dma_start3A_1526 = tpu.memref_slice %arg8[%select_n3A_1510, %dma_start3A_1524, %dma_start3A_1525] : memref<16x32x128xf32, #tpu.memory_space<vmem>> -> memref<1x32x128xf32, #tpu.memory_space<vmem>>
        %dma_start3A_1527 = tpu.memref_squeeze %dma_start3A_1526 : memref<1x32x128xf32, #tpu.memory_space<vmem>> -> memref<32x128xf32, #tpu.memory_space<vmem>>
        %dma_start3A_1528 = arith.constant 0 : i32
        %dma_start3A_1529 = tpu.memref_slice %arg4[%dma_start3A_1528, %multiple_of3A_1517] : memref<32x1000000xf32, #tpu.memory_space<hbm>> -> memref<32x128xf32, #tpu.memory_space<hbm>>
        tpu.enqueue_dma source(%dma_start3A_1529 : memref<32x128xf32, #tpu.memory_space<hbm>>) target(%dma_start3A_1527 : memref<32x128xf32, #tpu.memory_space<vmem>>) target_semaphore(%arg11 : memref<!tpu.dma_semaphore, #tpu.memory_space<semaphore_mem>>)
      } else {
      }
      %add3A_431 = arith.constant 2 : i32
      %add3A_432 = arith.addi %mul3A_281, %add3A_431 : i32
      %jit3A_433 = arith.constant 16 : i32
      %eq3A_434 = arith.constant 0 : i32
      %eq3A_435 = arith.cmpi eq, %jit3A_433, %eq3A_434 : i32
      %jit3A_436 = arith.constant 1 : i32
      %select_n3A_437 = arith.select %eq3A_435, %jit3A_436, %jit3A_433 : i32
      %rem3A_438 = arith.remsi %add3A_432, %select_n3A_437 : i32
      %ne3A_439 = arith.constant 0 : i32
      %ne3A_440 = arith.cmpi ne, %rem3A_438, %ne3A_439 : i32
      %lt3A_441 = arith.constant 0 : i32
      %lt3A_442 = arith.cmpi slt, %rem3A_438, %lt3A_441 : i32
      %lt3A_443 = arith.constant 0 : i32
      %lt3A_444 = arith.cmpi slt, %select_n3A_437, %lt3A_443 : i32
      %ne3A_445 = arith.xori %lt3A_442, %lt3A_444 : i1
      %and3A_446 = arith.andi %ne3A_445, %ne3A_440 : i1
      %add3A_447 = arith.addi %rem3A_438, %select_n3A_437 : i32
      %select_n3A_448 = arith.select %and3A_446, %add3A_447, %rem3A_438 : i32
      %slice3A_449 = vector.extract_strided_slice %get3A_283 {offsets = [2], sizes = [1], strides = [1]} : vector<16xi32> to vector<1xi32>
      %squeeze3A_450 = vector.extract %slice3A_449[0] : i32 from vector<1xi32>
      %shift_right_arithmetic3A_451 = arith.constant 7 : i32
      %shift_right_arithmetic3A_452 = arith.shrsi %squeeze3A_450, %shift_right_arithmetic3A_451 : i32
      %shift_left3A_453 = arith.constant 7 : i32
      %shift_left3A_454 = arith.shli %shift_right_arithmetic3A_452, %shift_left3A_453 : i32
      %min3A_455 = arith.constant 999872 : i32
      %min3A_456 = arith.minsi %shift_left3A_454, %min3A_455 : i32
      %sub3A_457 = arith.subi %squeeze3A_450, %min3A_456 : i32
      %broadcast_in_dim3A_458 = vector.broadcast %sub3A_457 : i32 to vector<16xi32>
      %broadcast_in_dim3A_459 = vector.broadcast %add3A_432 : i32 to vector<16xi32>
      %gather3A_460 = tpu.vector_load_idx %arg7[%iota3A, %broadcast_in_dim3A_459] : memref<32x512xf32, #tpu.memory_space<vmem>>[vector<16xi32>, vector<16xi32>], vector<16xf32>,
      %add3A_461 = arith.constant 16 : i32
      %add3A_462 = vector.broadcast %add3A_461 : i32 to vector<16xi32>
      %add3A_463 = arith.addi %iota3A, %add3A_462 : vector<16xi32>
      %gather3A_464 = tpu.vector_load_idx %arg7[%add3A_463, %broadcast_in_dim3A_459] : memref<32x512xf32, #tpu.memory_space<vmem>>[vector<16xi32>, vector<16xi32>], vector<16xf32>,
      %dma_wait3A_465 = arith.constant 0 : i32
      %dma_wait3A_466 = arith.constant 0 : i32
      %dma_wait3A_467 = tpu.memref_slice %arg8[%select_n3A_448, %dma_wait3A_465, %dma_wait3A_466] : memref<16x32x128xf32, #tpu.memory_space<vmem>> -> memref<1x32x128xf32, #tpu.memory_space<vmem>>
      %dma_wait3A_468 = tpu.memref_squeeze %dma_wait3A_467 : memref<1x32x128xf32, #tpu.memory_space<vmem>> -> memref<32x128xf32, #tpu.memory_space<vmem>>
      %dma_wait3A_469 = arith.constant 0 : i32
      %dma_wait3A_470 = arith.constant 0 : i32
      %dma_wait3A_471 = tpu.memref_slice %arg4[%dma_wait3A_469, %dma_wait3A_470] : memref<32x1000000xf32, #tpu.memory_space<hbm>> -> memref<32x128xf32, #tpu.memory_space<hbm>>
      %dma_wait3A_472 = arith.constant 0 : i32
      %dma_wait3A_473 = arith.constant 0 : i32
      %dma_wait3A_474 = tpu.memref_slice %arg8[%select_n3A_448, %dma_wait3A_472, %dma_wait3A_473] : memref<16x32x128xf32, #tpu.memory_space<vmem>> -> memref<1x32x128xf32, #tpu.memory_space<vmem>>
      %dma_wait3A_475 = tpu.memref_squeeze %dma_wait3A_474 : memref<1x32x128xf32, #tpu.memory_space<vmem>> -> memref<32x128xf32, #tpu.memory_space<vmem>>
      %dma_wait3A_476 = arith.constant 0 : i32
      %dma_wait3A_477 = arith.constant 0 : i32
      %dma_wait3A_478 = tpu.memref_slice %arg4[%dma_wait3A_476, %dma_wait3A_477] : memref<32x1000000xf32, #tpu.memory_space<hbm>> -> memref<32x128xf32, #tpu.memory_space<hbm>>
      tpu.wait_dma2 semaphore(%arg11 : memref<!tpu.dma_semaphore, #tpu.memory_space<semaphore_mem>>) src(%dma_wait3A_478 : memref<32x128xf32, #tpu.memory_space<hbm>>) dst(%dma_wait3A_475 : memref<32x128xf32, #tpu.memory_space<vmem>>)
      %gather3A_479 = arith.constant 0 : i32
      %gather3A_480 = arith.constant 0 : i32
      %gather3A_481 = tpu.memref_slice %arg8[%select_n3A_448, %gather3A_479, %gather3A_480] : memref<16x32x128xf32, #tpu.memory_space<vmem>> -> memref<1x32x128xf32, #tpu.memory_space<vmem>>
      %gather3A_482 = tpu.memref_squeeze %gather3A_481 : memref<1x32x128xf32, #tpu.memory_space<vmem>> -> memref<32x128xf32, #tpu.memory_space<vmem>>
      %gather3A_483 = tpu.vector_load_idx %gather3A_482[%iota3A, %broadcast_in_dim3A_458] : memref<32x128xf32, #tpu.memory_space<vmem>>[vector<16xi32>, vector<16xi32>], vector<16xf32>,
      %add3A_484 = arith.constant 16 : i32
      %add3A_485 = vector.broadcast %add3A_484 : i32 to vector<16xi32>
      %add3A_486 = arith.addi %iota3A, %add3A_485 : vector<16xi32>
      %gather3A_487 = arith.constant 0 : i32
      %gather3A_488 = arith.constant 0 : i32
      %gather3A_489 = tpu.memref_slice %arg8[%select_n3A_448, %gather3A_487, %gather3A_488] : memref<16x32x128xf32, #tpu.memory_space<vmem>> -> memref<1x32x128xf32, #tpu.memory_space<vmem>>
      %gather3A_490 = tpu.memref_squeeze %gather3A_489 : memref<1x32x128xf32, #tpu.memory_space<vmem>> -> memref<32x128xf32, #tpu.memory_space<vmem>>
      %gather3A_491 = tpu.vector_load_idx %gather3A_490[%add3A_486, %broadcast_in_dim3A_458] : memref<32x128xf32, #tpu.memory_space<vmem>>[vector<16xi32>, vector<16xi32>], vector<16xf32>,
      %sub3A_492 = arith.subf %gather3A_460, %gather3A_483 : vector<16xf32>
      %sub3A_493 = arith.subf %gather3A_464, %gather3A_491 : vector<16xf32>
      %mul3A_494 = arith.mulf %sub3A_492, %sub3A_492 : vector<16xf32>
      %add3A_495 = arith.addf %add3A_421, %mul3A_494 : vector<16xf32>
      %mul3A_496 = arith.mulf %sub3A_493, %sub3A_493 : vector<16xf32>
      %add3A_497 = arith.addf %add3A_495, %mul3A_496 : vector<16xf32>
      %slice3A_498 = vector.extract_strided_slice %get3A_283 {offsets = [14], sizes = [1], strides = [1]} : vector<16xi32> to vector<1xi32>
      %squeeze3A_499 = vector.extract %slice3A_498[0] : i32 from vector<1xi32>
      %add3A_500 = arith.constant 12 : i32
      %add3A_501 = arith.addi %add3A_432, %add3A_500 : i32
      %lt3A_502 = arith.constant 512 : i32
      %lt3A_503 = arith.cmpi slt, %add3A_501, %lt3A_502 : i32
      %convert_element_type3A_504 = arith.extui %lt3A_503 : i1 to i32
      %cond3A_505 = arith.constant 0 : i32
      %cond3A_506 = arith.cmpi ne, %convert_element_type3A_504, %cond3A_505 : i32
      scf.if %cond3A_506 {
        %jit3A_1495 = arith.constant 16 : i32
        %eq3A_1496 = arith.constant 0 : i32
        %eq3A_1497 = arith.cmpi eq, %jit3A_1495, %eq3A_1496 : i32
        %jit3A_1498 = arith.constant 1 : i32
        %select_n3A_1499 = arith.select %eq3A_1497, %jit3A_1498, %jit3A_1495 : i32
        %rem3A_1500 = arith.remsi %add3A_501, %select_n3A_1499 : i32
        %ne3A_1501 = arith.constant 0 : i32
        %ne3A_1502 = arith.cmpi ne, %rem3A_1500, %ne3A_1501 : i32
        %lt3A_1503 = arith.constant 0 : i32
        %lt3A_1504 = arith.cmpi slt, %rem3A_1500, %lt3A_1503 : i32
        %lt3A_1505 = arith.constant 0 : i32
        %lt3A_1506 = arith.cmpi slt, %select_n3A_1499, %lt3A_1505 : i32
        %ne3A_1507 = arith.xori %lt3A_1504, %lt3A_1506 : i1
        %and3A_1508 = arith.andi %ne3A_1507, %ne3A_1502 : i1
        %add3A_1509 = arith.addi %rem3A_1500, %select_n3A_1499 : i32
        %select_n3A_1510 = arith.select %and3A_1508, %add3A_1509, %rem3A_1500 : i32
        %shift_right_arithmetic3A_1511 = arith.constant 7 : i32
        %shift_right_arithmetic3A_1512 = arith.shrsi %squeeze3A_499, %shift_right_arithmetic3A_1511 : i32
        %shift_left3A_1513 = arith.constant 7 : i32
        %shift_left3A_1514 = arith.shli %shift_right_arithmetic3A_1512, %shift_left3A_1513 : i32
        %min3A_1515 = arith.constant 999872 : i32
        %min3A_1516 = arith.minsi %shift_left3A_1514, %min3A_1515 : i32
        %multiple_of3A_1517 = tpu.assume_multiple %min3A_1516, 128 : i32
        %dma_start3A_1518 = arith.constant 0 : i32
        %dma_start3A_1519 = arith.constant 0 : i32
        %dma_start3A_1520 = tpu.memref_slice %arg8[%select_n3A_1510, %dma_start3A_1518, %dma_start3A_1519] : memref<16x32x128xf32, #tpu.memory_space<vmem>> -> memref<1x32x128xf32, #tpu.memory_space<vmem>>
        %dma_start3A_1521 = tpu.memref_squeeze %dma_start3A_1520 : memref<1x32x128xf32, #tpu.memory_space<vmem>> -> memref<32x128xf32, #tpu.memory_space<vmem>>
        %dma_start3A_1522 = arith.constant 0 : i32
        %dma_start3A_1523 = tpu.memref_slice %arg4[%dma_start3A_1522, %multiple_of3A_1517] : memref<32x1000000xf32, #tpu.memory_space<hbm>> -> memref<32x128xf32, #tpu.memory_space<hbm>>
        %dma_start3A_1524 = arith.constant 0 : i32
        %dma_start3A_1525 = arith.constant 0 : i32
        %dma_start3A_1526 = tpu.memref_slice %arg8[%select_n3A_1510, %dma_start3A_1524, %dma_start3A_1525] : memref<16x32x128xf32, #tpu.memory_space<vmem>> -> memref<1x32x128xf32, #tpu.memory_space<vmem>>
        %dma_start3A_1527 = tpu.memref_squeeze %dma_start3A_1526 : memref<1x32x128xf32, #tpu.memory_space<vmem>> -> memref<32x128xf32, #tpu.memory_space<vmem>>
        %dma_start3A_1528 = arith.constant 0 : i32
        %dma_start3A_1529 = tpu.memref_slice %arg4[%dma_start3A_1528, %multiple_of3A_1517] : memref<32x1000000xf32, #tpu.memory_space<hbm>> -> memref<32x128xf32, #tpu.memory_space<hbm>>
        tpu.enqueue_dma source(%dma_start3A_1529 : memref<32x128xf32, #tpu.memory_space<hbm>>) target(%dma_start3A_1527 : memref<32x128xf32, #tpu.memory_space<vmem>>) target_semaphore(%arg11 : memref<!tpu.dma_semaphore, #tpu.memory_space<semaphore_mem>>)
      } else {
      }
      %add3A_507 = arith.constant 3 : i32
      %add3A_508 = arith.addi %mul3A_281, %add3A_507 : i32
      %jit3A_509 = arith.constant 16 : i32
      %eq3A_510 = arith.constant 0 : i32
      %eq3A_511 = arith.cmpi eq, %jit3A_509, %eq3A_510 : i32
      %jit3A_512 = arith.constant 1 : i32
      %select_n3A_513 = arith.select %eq3A_511, %jit3A_512, %jit3A_509 : i32
      %rem3A_514 = arith.remsi %add3A_508, %select_n3A_513 : i32
      %ne3A_515 = arith.constant 0 : i32
      %ne3A_516 = arith.cmpi ne, %rem3A_514, %ne3A_515 : i32
      %lt3A_517 = arith.constant 0 : i32
      %lt3A_518 = arith.cmpi slt, %rem3A_514, %lt3A_517 : i32
      %lt3A_519 = arith.constant 0 : i32
      %lt3A_520 = arith.cmpi slt, %select_n3A_513, %lt3A_519 : i32
      %ne3A_521 = arith.xori %lt3A_518, %lt3A_520 : i1
      %and3A_522 = arith.andi %ne3A_521, %ne3A_516 : i1
      %add3A_523 = arith.addi %rem3A_514, %select_n3A_513 : i32
      %select_n3A_524 = arith.select %and3A_522, %add3A_523, %rem3A_514 : i32
      %slice3A_525 = vector.extract_strided_slice %get3A_283 {offsets = [3], sizes = [1], strides = [1]} : vector<16xi32> to vector<1xi32>
      %squeeze3A_526 = vector.extract %slice3A_525[0] : i32 from vector<1xi32>
      %shift_right_arithmetic3A_527 = arith.constant 7 : i32
      %shift_right_arithmetic3A_528 = arith.shrsi %squeeze3A_526, %shift_right_arithmetic3A_527 : i32
      %shift_left3A_529 = arith.constant 7 : i32
      %shift_left3A_530 = arith.shli %shift_right_arithmetic3A_528, %shift_left3A_529 : i32
      %min3A_531 = arith.constant 999872 : i32
      %min3A_532 = arith.minsi %shift_left3A_530, %min3A_531 : i32
      %sub3A_533 = arith.subi %squeeze3A_526, %min3A_532 : i32
      %broadcast_in_dim3A_534 = vector.broadcast %sub3A_533 : i32 to vector<16xi32>
      %broadcast_in_dim3A_535 = vector.broadcast %add3A_508 : i32 to vector<16xi32>
      %gather3A_536 = tpu.vector_load_idx %arg7[%iota3A, %broadcast_in_dim3A_535] : memref<32x512xf32, #tpu.memory_space<vmem>>[vector<16xi32>, vector<16xi32>], vector<16xf32>,
      %add3A_537 = arith.constant 16 : i32
      %add3A_538 = vector.broadcast %add3A_537 : i32 to vector<16xi32>
      %add3A_539 = arith.addi %iota3A, %add3A_538 : vector<16xi32>
      %gather3A_540 = tpu.vector_load_idx %arg7[%add3A_539, %broadcast_in_dim3A_535] : memref<32x512xf32, #tpu.memory_space<vmem>>[vector<16xi32>, vector<16xi32>], vector<16xf32>,
      %dma_wait3A_541 = arith.constant 0 : i32
      %dma_wait3A_542 = arith.constant 0 : i32
      %dma_wait3A_543 = tpu.memref_slice %arg8[%select_n3A_524, %dma_wait3A_541, %dma_wait3A_542] : memref<16x32x128xf32, #tpu.memory_space<vmem>> -> memref<1x32x128xf32, #tpu.memory_space<vmem>>
      %dma_wait3A_544 = tpu.memref_squeeze %dma_wait3A_543 : memref<1x32x128xf32, #tpu.memory_space<vmem>> -> memref<32x128xf32, #tpu.memory_space<vmem>>
      %dma_wait3A_545 = arith.constant 0 : i32
      %dma_wait3A_546 = arith.constant 0 : i32
      %dma_wait3A_547 = tpu.memref_slice %arg4[%dma_wait3A_545, %dma_wait3A_546] : memref<32x1000000xf32, #tpu.memory_space<hbm>> -> memref<32x128xf32, #tpu.memory_space<hbm>>
      %dma_wait3A_548 = arith.constant 0 : i32
      %dma_wait3A_549 = arith.constant 0 : i32
      %dma_wait3A_550 = tpu.memref_slice %arg8[%select_n3A_524, %dma_wait3A_548, %dma_wait3A_549] : memref<16x32x128xf32, #tpu.memory_space<vmem>> -> memref<1x32x128xf32, #tpu.memory_space<vmem>>
      %dma_wait3A_551 = tpu.memref_squeeze %dma_wait3A_550 : memref<1x32x128xf32, #tpu.memory_space<vmem>> -> memref<32x128xf32, #tpu.memory_space<vmem>>
      %dma_wait3A_552 = arith.constant 0 : i32
      %dma_wait3A_553 = arith.constant 0 : i32
      %dma_wait3A_554 = tpu.memref_slice %arg4[%dma_wait3A_552, %dma_wait3A_553] : memref<32x1000000xf32, #tpu.memory_space<hbm>> -> memref<32x128xf32, #tpu.memory_space<hbm>>
      tpu.wait_dma2 semaphore(%arg11 : memref<!tpu.dma_semaphore, #tpu.memory_space<semaphore_mem>>) src(%dma_wait3A_554 : memref<32x128xf32, #tpu.memory_space<hbm>>) dst(%dma_wait3A_551 : memref<32x128xf32, #tpu.memory_space<vmem>>)
      %gather3A_555 = arith.constant 0 : i32
      %gather3A_556 = arith.constant 0 : i32
      %gather3A_557 = tpu.memref_slice %arg8[%select_n3A_524, %gather3A_555, %gather3A_556] : memref<16x32x128xf32, #tpu.memory_space<vmem>> -> memref<1x32x128xf32, #tpu.memory_space<vmem>>
      %gather3A_558 = tpu.memref_squeeze %gather3A_557 : memref<1x32x128xf32, #tpu.memory_space<vmem>> -> memref<32x128xf32, #tpu.memory_space<vmem>>
      %gather3A_559 = tpu.vector_load_idx %gather3A_558[%iota3A, %broadcast_in_dim3A_534] : memref<32x128xf32, #tpu.memory_space<vmem>>[vector<16xi32>, vector<16xi32>], vector<16xf32>,
      %add3A_560 = arith.constant 16 : i32
      %add3A_561 = vector.broadcast %add3A_560 : i32 to vector<16xi32>
      %add3A_562 = arith.addi %iota3A, %add3A_561 : vector<16xi32>
      %gather3A_563 = arith.constant 0 : i32
      %gather3A_564 = arith.constant 0 : i32
      %gather3A_565 = tpu.memref_slice %arg8[%select_n3A_524, %gather3A_563, %gather3A_564] : memref<16x32x128xf32, #tpu.memory_space<vmem>> -> memref<1x32x128xf32, #tpu.memory_space<vmem>>
      %gather3A_566 = tpu.memref_squeeze %gather3A_565 : memref<1x32x128xf32, #tpu.memory_space<vmem>> -> memref<32x128xf32, #tpu.memory_space<vmem>>
      %gather3A_567 = tpu.vector_load_idx %gather3A_566[%add3A_562, %broadcast_in_dim3A_534] : memref<32x128xf32, #tpu.memory_space<vmem>>[vector<16xi32>, vector<16xi32>], vector<16xf32>,
      %sub3A_568 = arith.subf %gather3A_536, %gather3A_559 : vector<16xf32>
      %sub3A_569 = arith.subf %gather3A_540, %gather3A_567 : vector<16xf32>
      %mul3A_570 = arith.mulf %sub3A_568, %sub3A_568 : vector<16xf32>
      %add3A_571 = arith.addf %add3A_497, %mul3A_570 : vector<16xf32>
      %mul3A_572 = arith.mulf %sub3A_569, %sub3A_569 : vector<16xf32>
      %add3A_573 = arith.addf %add3A_571, %mul3A_572 : vector<16xf32>
      %slice3A_574 = vector.extract_strided_slice %get3A_283 {offsets = [15], sizes = [1], strides = [1]} : vector<16xi32> to vector<1xi32>
      %squeeze3A_575 = vector.extract %slice3A_574[0] : i32 from vector<1xi32>
      %add3A_576 = arith.constant 12 : i32
      %add3A_577 = arith.addi %add3A_508, %add3A_576 : i32
      %lt3A_578 = arith.constant 512 : i32
      %lt3A_579 = arith.cmpi slt, %add3A_577, %lt3A_578 : i32
      %convert_element_type3A_580 = arith.extui %lt3A_579 : i1 to i32
      %cond3A_581 = arith.constant 0 : i32
      %cond3A_582 = arith.cmpi ne, %convert_element_type3A_580, %cond3A_581 : i32
      scf.if %cond3A_582 {
        %jit3A_1495 = arith.constant 16 : i32
        %eq3A_1496 = arith.constant 0 : i32
        %eq3A_1497 = arith.cmpi eq, %jit3A_1495, %eq3A_1496 : i32
        %jit3A_1498 = arith.constant 1 : i32
        %select_n3A_1499 = arith.select %eq3A_1497, %jit3A_1498, %jit3A_1495 : i32
        %rem3A_1500 = arith.remsi %add3A_577, %select_n3A_1499 : i32
        %ne3A_1501 = arith.constant 0 : i32
        %ne3A_1502 = arith.cmpi ne, %rem3A_1500, %ne3A_1501 : i32
        %lt3A_1503 = arith.constant 0 : i32
        %lt3A_1504 = arith.cmpi slt, %rem3A_1500, %lt3A_1503 : i32
        %lt3A_1505 = arith.constant 0 : i32
        %lt3A_1506 = arith.cmpi slt, %select_n3A_1499, %lt3A_1505 : i32
        %ne3A_1507 = arith.xori %lt3A_1504, %lt3A_1506 : i1
        %and3A_1508 = arith.andi %ne3A_1507, %ne3A_1502 : i1
        %add3A_1509 = arith.addi %rem3A_1500, %select_n3A_1499 : i32
        %select_n3A_1510 = arith.select %and3A_1508, %add3A_1509, %rem3A_1500 : i32
        %shift_right_arithmetic3A_1511 = arith.constant 7 : i32
        %shift_right_arithmetic3A_1512 = arith.shrsi %squeeze3A_575, %shift_right_arithmetic3A_1511 : i32
        %shift_left3A_1513 = arith.constant 7 : i32
        %shift_left3A_1514 = arith.shli %shift_right_arithmetic3A_1512, %shift_left3A_1513 : i32
        %min3A_1515 = arith.constant 999872 : i32
        %min3A_1516 = arith.minsi %shift_left3A_1514, %min3A_1515 : i32
        %multiple_of3A_1517 = tpu.assume_multiple %min3A_1516, 128 : i32
        %dma_start3A_1518 = arith.constant 0 : i32
        %dma_start3A_1519 = arith.constant 0 : i32
        %dma_start3A_1520 = tpu.memref_slice %arg8[%select_n3A_1510, %dma_start3A_1518, %dma_start3A_1519] : memref<16x32x128xf32, #tpu.memory_space<vmem>> -> memref<1x32x128xf32, #tpu.memory_space<vmem>>
        %dma_start3A_1521 = tpu.memref_squeeze %dma_start3A_1520 : memref<1x32x128xf32, #tpu.memory_space<vmem>> -> memref<32x128xf32, #tpu.memory_space<vmem>>
        %dma_start3A_1522 = arith.constant 0 : i32
        %dma_start3A_1523 = tpu.memref_slice %arg4[%dma_start3A_1522, %multiple_of3A_1517] : memref<32x1000000xf32, #tpu.memory_space<hbm>> -> memref<32x128xf32, #tpu.memory_space<hbm>>
        %dma_start3A_1524 = arith.constant 0 : i32
        %dma_start3A_1525 = arith.constant 0 : i32
        %dma_start3A_1526 = tpu.memref_slice %arg8[%select_n3A_1510, %dma_start3A_1524, %dma_start3A_1525] : memref<16x32x128xf32, #tpu.memory_space<vmem>> -> memref<1x32x128xf32, #tpu.memory_space<vmem>>
        %dma_start3A_1527 = tpu.memref_squeeze %dma_start3A_1526 : memref<1x32x128xf32, #tpu.memory_space<vmem>> -> memref<32x128xf32, #tpu.memory_space<vmem>>
        %dma_start3A_1528 = arith.constant 0 : i32
        %dma_start3A_1529 = tpu.memref_slice %arg4[%dma_start3A_1528, %multiple_of3A_1517] : memref<32x1000000xf32, #tpu.memory_space<hbm>> -> memref<32x128xf32, #tpu.memory_space<hbm>>
        tpu.enqueue_dma source(%dma_start3A_1529 : memref<32x128xf32, #tpu.memory_space<hbm>>) target(%dma_start3A_1527 : memref<32x128xf32, #tpu.memory_space<vmem>>) target_semaphore(%arg11 : memref<!tpu.dma_semaphore, #tpu.memory_space<semaphore_mem>>)
      } else {
      }
      %add3A_583 = arith.constant 4 : i32
      %add3A_584 = arith.addi %mul3A_281, %add3A_583 : i32
      %jit3A_585 = arith.constant 16 : i32
      %eq3A_586 = arith.constant 0 : i32
      %eq3A_587 = arith.cmpi eq, %jit3A_585, %eq3A_586 : i32
      %jit3A_588 = arith.constant 1 : i32
      %select_n3A_589 = arith.select %eq3A_587, %jit3A_588, %jit3A_585 : i32
      %rem3A_590 = arith.remsi %add3A_584, %select_n3A_589 : i32
      %ne3A_591 = arith.constant 0 : i32
      %ne3A_592 = arith.cmpi ne, %rem3A_590, %ne3A_591 : i32
      %lt3A_593 = arith.constant 0 : i32
      %lt3A_594 = arith.cmpi slt, %rem3A_590, %lt3A_593 : i32
      %lt3A_595 = arith.constant 0 : i32
      %lt3A_596 = arith.cmpi slt, %select_n3A_589, %lt3A_595 : i32
      %ne3A_597 = arith.xori %lt3A_594, %lt3A_596 : i1
      %and3A_598 = arith.andi %ne3A_597, %ne3A_592 : i1
      %add3A_599 = arith.addi %rem3A_590, %select_n3A_589 : i32
      %select_n3A_600 = arith.select %and3A_598, %add3A_599, %rem3A_590 : i32
      %slice3A_601 = vector.extract_strided_slice %get3A_283 {offsets = [4], sizes = [1], strides = [1]} : vector<16xi32> to vector<1xi32>
      %squeeze3A_602 = vector.extract %slice3A_601[0] : i32 from vector<1xi32>
      %shift_right_arithmetic3A_603 = arith.constant 7 : i32
      %shift_right_arithmetic3A_604 = arith.shrsi %squeeze3A_602, %shift_right_arithmetic3A_603 : i32
      %shift_left3A_605 = arith.constant 7 : i32
      %shift_left3A_606 = arith.shli %shift_right_arithmetic3A_604, %shift_left3A_605 : i32
      %min3A_607 = arith.constant 999872 : i32
      %min3A_608 = arith.minsi %shift_left3A_606, %min3A_607 : i32
      %sub3A_609 = arith.subi %squeeze3A_602, %min3A_608 : i32
      %broadcast_in_dim3A_610 = vector.broadcast %sub3A_609 : i32 to vector<16xi32>
      %broadcast_in_dim3A_611 = vector.broadcast %add3A_584 : i32 to vector<16xi32>
      %gather3A_612 = tpu.vector_load_idx %arg7[%iota3A, %broadcast_in_dim3A_611] : memref<32x512xf32, #tpu.memory_space<vmem>>[vector<16xi32>, vector<16xi32>], vector<16xf32>,
      %add3A_613 = arith.constant 16 : i32
      %add3A_614 = vector.broadcast %add3A_613 : i32 to vector<16xi32>
      %add3A_615 = arith.addi %iota3A, %add3A_614 : vector<16xi32>
      %gather3A_616 = tpu.vector_load_idx %arg7[%add3A_615, %broadcast_in_dim3A_611] : memref<32x512xf32, #tpu.memory_space<vmem>>[vector<16xi32>, vector<16xi32>], vector<16xf32>,
      %dma_wait3A_617 = arith.constant 0 : i32
      %dma_wait3A_618 = arith.constant 0 : i32
      %dma_wait3A_619 = tpu.memref_slice %arg8[%select_n3A_600, %dma_wait3A_617, %dma_wait3A_618] : memref<16x32x128xf32, #tpu.memory_space<vmem>> -> memref<1x32x128xf32, #tpu.memory_space<vmem>>
      %dma_wait3A_620 = tpu.memref_squeeze %dma_wait3A_619 : memref<1x32x128xf32, #tpu.memory_space<vmem>> -> memref<32x128xf32, #tpu.memory_space<vmem>>
      %dma_wait3A_621 = arith.constant 0 : i32
      %dma_wait3A_622 = arith.constant 0 : i32
      %dma_wait3A_623 = tpu.memref_slice %arg4[%dma_wait3A_621, %dma_wait3A_622] : memref<32x1000000xf32, #tpu.memory_space<hbm>> -> memref<32x128xf32, #tpu.memory_space<hbm>>
      %dma_wait3A_624 = arith.constant 0 : i32
      %dma_wait3A_625 = arith.constant 0 : i32
      %dma_wait3A_626 = tpu.memref_slice %arg8[%select_n3A_600, %dma_wait3A_624, %dma_wait3A_625] : memref<16x32x128xf32, #tpu.memory_space<vmem>> -> memref<1x32x128xf32, #tpu.memory_space<vmem>>
      %dma_wait3A_627 = tpu.memref_squeeze %dma_wait3A_626 : memref<1x32x128xf32, #tpu.memory_space<vmem>> -> memref<32x128xf32, #tpu.memory_space<vmem>>
      %dma_wait3A_628 = arith.constant 0 : i32
      %dma_wait3A_629 = arith.constant 0 : i32
      %dma_wait3A_630 = tpu.memref_slice %arg4[%dma_wait3A_628, %dma_wait3A_629] : memref<32x1000000xf32, #tpu.memory_space<hbm>> -> memref<32x128xf32, #tpu.memory_space<hbm>>
      tpu.wait_dma2 semaphore(%arg11 : memref<!tpu.dma_semaphore, #tpu.memory_space<semaphore_mem>>) src(%dma_wait3A_630 : memref<32x128xf32, #tpu.memory_space<hbm>>) dst(%dma_wait3A_627 : memref<32x128xf32, #tpu.memory_space<vmem>>)
      %gather3A_631 = arith.constant 0 : i32
      %gather3A_632 = arith.constant 0 : i32
      %gather3A_633 = tpu.memref_slice %arg8[%select_n3A_600, %gather3A_631, %gather3A_632] : memref<16x32x128xf32, #tpu.memory_space<vmem>> -> memref<1x32x128xf32, #tpu.memory_space<vmem>>
      %gather3A_634 = tpu.memref_squeeze %gather3A_633 : memref<1x32x128xf32, #tpu.memory_space<vmem>> -> memref<32x128xf32, #tpu.memory_space<vmem>>
      %gather3A_635 = tpu.vector_load_idx %gather3A_634[%iota3A, %broadcast_in_dim3A_610] : memref<32x128xf32, #tpu.memory_space<vmem>>[vector<16xi32>, vector<16xi32>], vector<16xf32>,
      %add3A_636 = arith.constant 16 : i32
      %add3A_637 = vector.broadcast %add3A_636 : i32 to vector<16xi32>
      %add3A_638 = arith.addi %iota3A, %add3A_637 : vector<16xi32>
      %gather3A_639 = arith.constant 0 : i32
      %gather3A_640 = arith.constant 0 : i32
      %gather3A_641 = tpu.memref_slice %arg8[%select_n3A_600, %gather3A_639, %gather3A_640] : memref<16x32x128xf32, #tpu.memory_space<vmem>> -> memref<1x32x128xf32, #tpu.memory_space<vmem>>
      %gather3A_642 = tpu.memref_squeeze %gather3A_641 : memref<1x32x128xf32, #tpu.memory_space<vmem>> -> memref<32x128xf32, #tpu.memory_space<vmem>>
      %gather3A_643 = tpu.vector_load_idx %gather3A_642[%add3A_638, %broadcast_in_dim3A_610] : memref<32x128xf32, #tpu.memory_space<vmem>>[vector<16xi32>, vector<16xi32>], vector<16xf32>,
      %sub3A_644 = arith.subf %gather3A_612, %gather3A_635 : vector<16xf32>
      %sub3A_645 = arith.subf %gather3A_616, %gather3A_643 : vector<16xf32>
      %mul3A_646 = arith.mulf %sub3A_644, %sub3A_644 : vector<16xf32>
      %add3A_647 = arith.addf %add3A_573, %mul3A_646 : vector<16xf32>
      %mul3A_648 = arith.mulf %sub3A_645, %sub3A_645 : vector<16xf32>
      %add3A_649 = arith.addf %add3A_647, %mul3A_648 : vector<16xf32>
      %slice3A_650 = vector.extract_strided_slice %get3A_289 {offsets = [0], sizes = [1], strides = [1]} : vector<16xi32> to vector<1xi32>
      %squeeze3A_651 = vector.extract %slice3A_650[0] : i32 from vector<1xi32>
      %add3A_652 = arith.constant 12 : i32
      %add3A_653 = arith.addi %add3A_584, %add3A_652 : i32
      %lt3A_654 = arith.constant 512 : i32
      %lt3A_655 = arith.cmpi slt, %add3A_653, %lt3A_654 : i32
      %convert_element_type3A_656 = arith.extui %lt3A_655 : i1 to i32
      %cond3A_657 = arith.constant 0 : i32
      %cond3A_658 = arith.cmpi ne, %convert_element_type3A_656, %cond3A_657 : i32
      scf.if %cond3A_658 {
        %jit3A_1495 = arith.constant 16 : i32
        %eq3A_1496 = arith.constant 0 : i32
        %eq3A_1497 = arith.cmpi eq, %jit3A_1495, %eq3A_1496 : i32
        %jit3A_1498 = arith.constant 1 : i32
        %select_n3A_1499 = arith.select %eq3A_1497, %jit3A_1498, %jit3A_1495 : i32
        %rem3A_1500 = arith.remsi %add3A_653, %select_n3A_1499 : i32
        %ne3A_1501 = arith.constant 0 : i32
        %ne3A_1502 = arith.cmpi ne, %rem3A_1500, %ne3A_1501 : i32
        %lt3A_1503 = arith.constant 0 : i32
        %lt3A_1504 = arith.cmpi slt, %rem3A_1500, %lt3A_1503 : i32
        %lt3A_1505 = arith.constant 0 : i32
        %lt3A_1506 = arith.cmpi slt, %select_n3A_1499, %lt3A_1505 : i32
        %ne3A_1507 = arith.xori %lt3A_1504, %lt3A_1506 : i1
        %and3A_1508 = arith.andi %ne3A_1507, %ne3A_1502 : i1
        %add3A_1509 = arith.addi %rem3A_1500, %select_n3A_1499 : i32
        %select_n3A_1510 = arith.select %and3A_1508, %add3A_1509, %rem3A_1500 : i32
        %shift_right_arithmetic3A_1511 = arith.constant 7 : i32
        %shift_right_arithmetic3A_1512 = arith.shrsi %squeeze3A_651, %shift_right_arithmetic3A_1511 : i32
        %shift_left3A_1513 = arith.constant 7 : i32
        %shift_left3A_1514 = arith.shli %shift_right_arithmetic3A_1512, %shift_left3A_1513 : i32
        %min3A_1515 = arith.constant 999872 : i32
        %min3A_1516 = arith.minsi %shift_left3A_1514, %min3A_1515 : i32
        %multiple_of3A_1517 = tpu.assume_multiple %min3A_1516, 128 : i32
        %dma_start3A_1518 = arith.constant 0 : i32
        %dma_start3A_1519 = arith.constant 0 : i32
        %dma_start3A_1520 = tpu.memref_slice %arg8[%select_n3A_1510, %dma_start3A_1518, %dma_start3A_1519] : memref<16x32x128xf32, #tpu.memory_space<vmem>> -> memref<1x32x128xf32, #tpu.memory_space<vmem>>
        %dma_start3A_1521 = tpu.memref_squeeze %dma_start3A_1520 : memref<1x32x128xf32, #tpu.memory_space<vmem>> -> memref<32x128xf32, #tpu.memory_space<vmem>>
        %dma_start3A_1522 = arith.constant 0 : i32
        %dma_start3A_1523 = tpu.memref_slice %arg4[%dma_start3A_1522, %multiple_of3A_1517] : memref<32x1000000xf32, #tpu.memory_space<hbm>> -> memref<32x128xf32, #tpu.memory_space<hbm>>
        %dma_start3A_1524 = arith.constant 0 : i32
        %dma_start3A_1525 = arith.constant 0 : i32
        %dma_start3A_1526 = tpu.memref_slice %arg8[%select_n3A_1510, %dma_start3A_1524, %dma_start3A_1525] : memref<16x32x128xf32, #tpu.memory_space<vmem>> -> memref<1x32x128xf32, #tpu.memory_space<vmem>>
        %dma_start3A_1527 = tpu.memref_squeeze %dma_start3A_1526 : memref<1x32x128xf32, #tpu.memory_space<vmem>> -> memref<32x128xf32, #tpu.memory_space<vmem>>
        %dma_start3A_1528 = arith.constant 0 : i32
        %dma_start3A_1529 = tpu.memref_slice %arg4[%dma_start3A_1528, %multiple_of3A_1517] : memref<32x1000000xf32, #tpu.memory_space<hbm>> -> memref<32x128xf32, #tpu.memory_space<hbm>>
        tpu.enqueue_dma source(%dma_start3A_1529 : memref<32x128xf32, #tpu.memory_space<hbm>>) target(%dma_start3A_1527 : memref<32x128xf32, #tpu.memory_space<vmem>>) target_semaphore(%arg11 : memref<!tpu.dma_semaphore, #tpu.memory_space<semaphore_mem>>)
      } else {
      }
      %add3A_659 = arith.constant 5 : i32
      %add3A_660 = arith.addi %mul3A_281, %add3A_659 : i32
      %jit3A_661 = arith.constant 16 : i32
      %eq3A_662 = arith.constant 0 : i32
      %eq3A_663 = arith.cmpi eq, %jit3A_661, %eq3A_662 : i32
      %jit3A_664 = arith.constant 1 : i32
      %select_n3A_665 = arith.select %eq3A_663, %jit3A_664, %jit3A_661 : i32
      %rem3A_666 = arith.remsi %add3A_660, %select_n3A_665 : i32
      %ne3A_667 = arith.constant 0 : i32
      %ne3A_668 = arith.cmpi ne, %rem3A_666, %ne3A_667 : i32
      %lt3A_669 = arith.constant 0 : i32
      %lt3A_670 = arith.cmpi slt, %rem3A_666, %lt3A_669 : i32
      %lt3A_671 = arith.constant 0 : i32
      %lt3A_672 = arith.cmpi slt, %select_n3A_665, %lt3A_671 : i32
      %ne3A_673 = arith.xori %lt3A_670, %lt3A_672 : i1
      %and3A_674 = arith.andi %ne3A_673, %ne3A_668 : i1
      %add3A_675 = arith.addi %rem3A_666, %select_n3A_665 : i32
      %select_n3A_676 = arith.select %and3A_674, %add3A_675, %rem3A_666 : i32
      %slice3A_677 = vector.extract_strided_slice %get3A_283 {offsets = [5], sizes = [1], strides = [1]} : vector<16xi32> to vector<1xi32>
      %squeeze3A_678 = vector.extract %slice3A_677[0] : i32 from vector<1xi32>
      %shift_right_arithmetic3A_679 = arith.constant 7 : i32
      %shift_right_arithmetic3A_680 = arith.shrsi %squeeze3A_678, %shift_right_arithmetic3A_679 : i32
      %shift_left3A_681 = arith.constant 7 : i32
      %shift_left3A_682 = arith.shli %shift_right_arithmetic3A_680, %shift_left3A_681 : i32
      %min3A_683 = arith.constant 999872 : i32
      %min3A_684 = arith.minsi %shift_left3A_682, %min3A_683 : i32
      %sub3A_685 = arith.subi %squeeze3A_678, %min3A_684 : i32
      %broadcast_in_dim3A_686 = vector.broadcast %sub3A_685 : i32 to vector<16xi32>
      %broadcast_in_dim3A_687 = vector.broadcast %add3A_660 : i32 to vector<16xi32>
      %gather3A_688 = tpu.vector_load_idx %arg7[%iota3A, %broadcast_in_dim3A_687] : memref<32x512xf32, #tpu.memory_space<vmem>>[vector<16xi32>, vector<16xi32>], vector<16xf32>,
      %add3A_689 = arith.constant 16 : i32
      %add3A_690 = vector.broadcast %add3A_689 : i32 to vector<16xi32>
      %add3A_691 = arith.addi %iota3A, %add3A_690 : vector<16xi32>
      %gather3A_692 = tpu.vector_load_idx %arg7[%add3A_691, %broadcast_in_dim3A_687] : memref<32x512xf32, #tpu.memory_space<vmem>>[vector<16xi32>, vector<16xi32>], vector<16xf32>,
      %dma_wait3A_693 = arith.constant 0 : i32
      %dma_wait3A_694 = arith.constant 0 : i32
      %dma_wait3A_695 = tpu.memref_slice %arg8[%select_n3A_676, %dma_wait3A_693, %dma_wait3A_694] : memref<16x32x128xf32, #tpu.memory_space<vmem>> -> memref<1x32x128xf32, #tpu.memory_space<vmem>>
      %dma_wait3A_696 = tpu.memref_squeeze %dma_wait3A_695 : memref<1x32x128xf32, #tpu.memory_space<vmem>> -> memref<32x128xf32, #tpu.memory_space<vmem>>
      %dma_wait3A_697 = arith.constant 0 : i32
      %dma_wait3A_698 = arith.constant 0 : i32
      %dma_wait3A_699 = tpu.memref_slice %arg4[%dma_wait3A_697, %dma_wait3A_698] : memref<32x1000000xf32, #tpu.memory_space<hbm>> -> memref<32x128xf32, #tpu.memory_space<hbm>>
      %dma_wait3A_700 = arith.constant 0 : i32
      %dma_wait3A_701 = arith.constant 0 : i32
      %dma_wait3A_702 = tpu.memref_slice %arg8[%select_n3A_676, %dma_wait3A_700, %dma_wait3A_701] : memref<16x32x128xf32, #tpu.memory_space<vmem>> -> memref<1x32x128xf32, #tpu.memory_space<vmem>>
      %dma_wait3A_703 = tpu.memref_squeeze %dma_wait3A_702 : memref<1x32x128xf32, #tpu.memory_space<vmem>> -> memref<32x128xf32, #tpu.memory_space<vmem>>
      %dma_wait3A_704 = arith.constant 0 : i32
      %dma_wait3A_705 = arith.constant 0 : i32
      %dma_wait3A_706 = tpu.memref_slice %arg4[%dma_wait3A_704, %dma_wait3A_705] : memref<32x1000000xf32, #tpu.memory_space<hbm>> -> memref<32x128xf32, #tpu.memory_space<hbm>>
      tpu.wait_dma2 semaphore(%arg11 : memref<!tpu.dma_semaphore, #tpu.memory_space<semaphore_mem>>) src(%dma_wait3A_706 : memref<32x128xf32, #tpu.memory_space<hbm>>) dst(%dma_wait3A_703 : memref<32x128xf32, #tpu.memory_space<vmem>>)
      %gather3A_707 = arith.constant 0 : i32
      %gather3A_708 = arith.constant 0 : i32
      %gather3A_709 = tpu.memref_slice %arg8[%select_n3A_676, %gather3A_707, %gather3A_708] : memref<16x32x128xf32, #tpu.memory_space<vmem>> -> memref<1x32x128xf32, #tpu.memory_space<vmem>>
      %gather3A_710 = tpu.memref_squeeze %gather3A_709 : memref<1x32x128xf32, #tpu.memory_space<vmem>> -> memref<32x128xf32, #tpu.memory_space<vmem>>
      %gather3A_711 = tpu.vector_load_idx %gather3A_710[%iota3A, %broadcast_in_dim3A_686] : memref<32x128xf32, #tpu.memory_space<vmem>>[vector<16xi32>, vector<16xi32>], vector<16xf32>,
      %add3A_712 = arith.constant 16 : i32
      %add3A_713 = vector.broadcast %add3A_712 : i32 to vector<16xi32>
      %add3A_714 = arith.addi %iota3A, %add3A_713 : vector<16xi32>
      %gather3A_715 = arith.constant 0 : i32
      %gather3A_716 = arith.constant 0 : i32
      %gather3A_717 = tpu.memref_slice %arg8[%select_n3A_676, %gather3A_715, %gather3A_716] : memref<16x32x128xf32, #tpu.memory_space<vmem>> -> memref<1x32x128xf32, #tpu.memory_space<vmem>>
      %gather3A_718 = tpu.memref_squeeze %gather3A_717 : memref<1x32x128xf32, #tpu.memory_space<vmem>> -> memref<32x128xf32, #tpu.memory_space<vmem>>
      %gather3A_719 = tpu.vector_load_idx %gather3A_718[%add3A_714, %broadcast_in_dim3A_686] : memref<32x128xf32, #tpu.memory_space<vmem>>[vector<16xi32>, vector<16xi32>], vector<16xf32>,
      %sub3A_720 = arith.subf %gather3A_688, %gather3A_711 : vector<16xf32>
      %sub3A_721 = arith.subf %gather3A_692, %gather3A_719 : vector<16xf32>
      %mul3A_722 = arith.mulf %sub3A_720, %sub3A_720 : vector<16xf32>
      %add3A_723 = arith.addf %add3A_649, %mul3A_722 : vector<16xf32>
      %mul3A_724 = arith.mulf %sub3A_721, %sub3A_721 : vector<16xf32>
      %add3A_725 = arith.addf %add3A_723, %mul3A_724 : vector<16xf32>
      %slice3A_726 = vector.extract_strided_slice %get3A_289 {offsets = [1], sizes = [1], strides = [1]} : vector<16xi32> to vector<1xi32>
      %squeeze3A_727 = vector.extract %slice3A_726[0] : i32 from vector<1xi32>
      %add3A_728 = arith.constant 12 : i32
      %add3A_729 = arith.addi %add3A_660, %add3A_728 : i32
      %lt3A_730 = arith.constant 512 : i32
      %lt3A_731 = arith.cmpi slt, %add3A_729, %lt3A_730 : i32
      %convert_element_type3A_732 = arith.extui %lt3A_731 : i1 to i32
      %cond3A_733 = arith.constant 0 : i32
      %cond3A_734 = arith.cmpi ne, %convert_element_type3A_732, %cond3A_733 : i32
      scf.if %cond3A_734 {
        %jit3A_1495 = arith.constant 16 : i32
        %eq3A_1496 = arith.constant 0 : i32
        %eq3A_1497 = arith.cmpi eq, %jit3A_1495, %eq3A_1496 : i32
        %jit3A_1498 = arith.constant 1 : i32
        %select_n3A_1499 = arith.select %eq3A_1497, %jit3A_1498, %jit3A_1495 : i32
        %rem3A_1500 = arith.remsi %add3A_729, %select_n3A_1499 : i32
        %ne3A_1501 = arith.constant 0 : i32
        %ne3A_1502 = arith.cmpi ne, %rem3A_1500, %ne3A_1501 : i32
        %lt3A_1503 = arith.constant 0 : i32
        %lt3A_1504 = arith.cmpi slt, %rem3A_1500, %lt3A_1503 : i32
        %lt3A_1505 = arith.constant 0 : i32
        %lt3A_1506 = arith.cmpi slt, %select_n3A_1499, %lt3A_1505 : i32
        %ne3A_1507 = arith.xori %lt3A_1504, %lt3A_1506 : i1
        %and3A_1508 = arith.andi %ne3A_1507, %ne3A_1502 : i1
        %add3A_1509 = arith.addi %rem3A_1500, %select_n3A_1499 : i32
        %select_n3A_1510 = arith.select %and3A_1508, %add3A_1509, %rem3A_1500 : i32
        %shift_right_arithmetic3A_1511 = arith.constant 7 : i32
        %shift_right_arithmetic3A_1512 = arith.shrsi %squeeze3A_727, %shift_right_arithmetic3A_1511 : i32
        %shift_left3A_1513 = arith.constant 7 : i32
        %shift_left3A_1514 = arith.shli %shift_right_arithmetic3A_1512, %shift_left3A_1513 : i32
        %min3A_1515 = arith.constant 999872 : i32
        %min3A_1516 = arith.minsi %shift_left3A_1514, %min3A_1515 : i32
        %multiple_of3A_1517 = tpu.assume_multiple %min3A_1516, 128 : i32
        %dma_start3A_1518 = arith.constant 0 : i32
        %dma_start3A_1519 = arith.constant 0 : i32
        %dma_start3A_1520 = tpu.memref_slice %arg8[%select_n3A_1510, %dma_start3A_1518, %dma_start3A_1519] : memref<16x32x128xf32, #tpu.memory_space<vmem>> -> memref<1x32x128xf32, #tpu.memory_space<vmem>>
        %dma_start3A_1521 = tpu.memref_squeeze %dma_start3A_1520 : memref<1x32x128xf32, #tpu.memory_space<vmem>> -> memref<32x128xf32, #tpu.memory_space<vmem>>
        %dma_start3A_1522 = arith.constant 0 : i32
        %dma_start3A_1523 = tpu.memref_slice %arg4[%dma_start3A_1522, %multiple_of3A_1517] : memref<32x1000000xf32, #tpu.memory_space<hbm>> -> memref<32x128xf32, #tpu.memory_space<hbm>>
        %dma_start3A_1524 = arith.constant 0 : i32
        %dma_start3A_1525 = arith.constant 0 : i32
        %dma_start3A_1526 = tpu.memref_slice %arg8[%select_n3A_1510, %dma_start3A_1524, %dma_start3A_1525] : memref<16x32x128xf32, #tpu.memory_space<vmem>> -> memref<1x32x128xf32, #tpu.memory_space<vmem>>
        %dma_start3A_1527 = tpu.memref_squeeze %dma_start3A_1526 : memref<1x32x128xf32, #tpu.memory_space<vmem>> -> memref<32x128xf32, #tpu.memory_space<vmem>>
        %dma_start3A_1528 = arith.constant 0 : i32
        %dma_start3A_1529 = tpu.memref_slice %arg4[%dma_start3A_1528, %multiple_of3A_1517] : memref<32x1000000xf32, #tpu.memory_space<hbm>> -> memref<32x128xf32, #tpu.memory_space<hbm>>
        tpu.enqueue_dma source(%dma_start3A_1529 : memref<32x128xf32, #tpu.memory_space<hbm>>) target(%dma_start3A_1527 : memref<32x128xf32, #tpu.memory_space<vmem>>) target_semaphore(%arg11 : memref<!tpu.dma_semaphore, #tpu.memory_space<semaphore_mem>>)
      } else {
      }
      %add3A_735 = arith.constant 6 : i32
      %add3A_736 = arith.addi %mul3A_281, %add3A_735 : i32
      %jit3A_737 = arith.constant 16 : i32
      %eq3A_738 = arith.constant 0 : i32
      %eq3A_739 = arith.cmpi eq, %jit3A_737, %eq3A_738 : i32
      %jit3A_740 = arith.constant 1 : i32
      %select_n3A_741 = arith.select %eq3A_739, %jit3A_740, %jit3A_737 : i32
      %rem3A_742 = arith.remsi %add3A_736, %select_n3A_741 : i32
      %ne3A_743 = arith.constant 0 : i32
      %ne3A_744 = arith.cmpi ne, %rem3A_742, %ne3A_743 : i32
      %lt3A_745 = arith.constant 0 : i32
      %lt3A_746 = arith.cmpi slt, %rem3A_742, %lt3A_745 : i32
      %lt3A_747 = arith.constant 0 : i32
      %lt3A_748 = arith.cmpi slt, %select_n3A_741, %lt3A_747 : i32
      %ne3A_749 = arith.xori %lt3A_746, %lt3A_748 : i1
      %and3A_750 = arith.andi %ne3A_749, %ne3A_744 : i1
      %add3A_751 = arith.addi %rem3A_742, %select_n3A_741 : i32
      %select_n3A_752 = arith.select %and3A_750, %add3A_751, %rem3A_742 : i32
      %slice3A_753 = vector.extract_strided_slice %get3A_283 {offsets = [6], sizes = [1], strides = [1]} : vector<16xi32> to vector<1xi32>
      %squeeze3A_754 = vector.extract %slice3A_753[0] : i32 from vector<1xi32>
      %shift_right_arithmetic3A_755 = arith.constant 7 : i32
      %shift_right_arithmetic3A_756 = arith.shrsi %squeeze3A_754, %shift_right_arithmetic3A_755 : i32
      %shift_left3A_757 = arith.constant 7 : i32
      %shift_left3A_758 = arith.shli %shift_right_arithmetic3A_756, %shift_left3A_757 : i32
      %min3A_759 = arith.constant 999872 : i32
      %min3A_760 = arith.minsi %shift_left3A_758, %min3A_759 : i32
      %sub3A_761 = arith.subi %squeeze3A_754, %min3A_760 : i32
      %broadcast_in_dim3A_762 = vector.broadcast %sub3A_761 : i32 to vector<16xi32>
      %broadcast_in_dim3A_763 = vector.broadcast %add3A_736 : i32 to vector<16xi32>
      %gather3A_764 = tpu.vector_load_idx %arg7[%iota3A, %broadcast_in_dim3A_763] : memref<32x512xf32, #tpu.memory_space<vmem>>[vector<16xi32>, vector<16xi32>], vector<16xf32>,
      %add3A_765 = arith.constant 16 : i32
      %add3A_766 = vector.broadcast %add3A_765 : i32 to vector<16xi32>
      %add3A_767 = arith.addi %iota3A, %add3A_766 : vector<16xi32>
      %gather3A_768 = tpu.vector_load_idx %arg7[%add3A_767, %broadcast_in_dim3A_763] : memref<32x512xf32, #tpu.memory_space<vmem>>[vector<16xi32>, vector<16xi32>], vector<16xf32>,
      %dma_wait3A_769 = arith.constant 0 : i32
      %dma_wait3A_770 = arith.constant 0 : i32
      %dma_wait3A_771 = tpu.memref_slice %arg8[%select_n3A_752, %dma_wait3A_769, %dma_wait3A_770] : memref<16x32x128xf32, #tpu.memory_space<vmem>> -> memref<1x32x128xf32, #tpu.memory_space<vmem>>
      %dma_wait3A_772 = tpu.memref_squeeze %dma_wait3A_771 : memref<1x32x128xf32, #tpu.memory_space<vmem>> -> memref<32x128xf32, #tpu.memory_space<vmem>>
      %dma_wait3A_773 = arith.constant 0 : i32
      %dma_wait3A_774 = arith.constant 0 : i32
      %dma_wait3A_775 = tpu.memref_slice %arg4[%dma_wait3A_773, %dma_wait3A_774] : memref<32x1000000xf32, #tpu.memory_space<hbm>> -> memref<32x128xf32, #tpu.memory_space<hbm>>
      %dma_wait3A_776 = arith.constant 0 : i32
      %dma_wait3A_777 = arith.constant 0 : i32
      %dma_wait3A_778 = tpu.memref_slice %arg8[%select_n3A_752, %dma_wait3A_776, %dma_wait3A_777] : memref<16x32x128xf32, #tpu.memory_space<vmem>> -> memref<1x32x128xf32, #tpu.memory_space<vmem>>
      %dma_wait3A_779 = tpu.memref_squeeze %dma_wait3A_778 : memref<1x32x128xf32, #tpu.memory_space<vmem>> -> memref<32x128xf32, #tpu.memory_space<vmem>>
      %dma_wait3A_780 = arith.constant 0 : i32
      %dma_wait3A_781 = arith.constant 0 : i32
      %dma_wait3A_782 = tpu.memref_slice %arg4[%dma_wait3A_780, %dma_wait3A_781] : memref<32x1000000xf32, #tpu.memory_space<hbm>> -> memref<32x128xf32, #tpu.memory_space<hbm>>
      tpu.wait_dma2 semaphore(%arg11 : memref<!tpu.dma_semaphore, #tpu.memory_space<semaphore_mem>>) src(%dma_wait3A_782 : memref<32x128xf32, #tpu.memory_space<hbm>>) dst(%dma_wait3A_779 : memref<32x128xf32, #tpu.memory_space<vmem>>)
      %gather3A_783 = arith.constant 0 : i32
      %gather3A_784 = arith.constant 0 : i32
      %gather3A_785 = tpu.memref_slice %arg8[%select_n3A_752, %gather3A_783, %gather3A_784] : memref<16x32x128xf32, #tpu.memory_space<vmem>> -> memref<1x32x128xf32, #tpu.memory_space<vmem>>
      %gather3A_786 = tpu.memref_squeeze %gather3A_785 : memref<1x32x128xf32, #tpu.memory_space<vmem>> -> memref<32x128xf32, #tpu.memory_space<vmem>>
      %gather3A_787 = tpu.vector_load_idx %gather3A_786[%iota3A, %broadcast_in_dim3A_762] : memref<32x128xf32, #tpu.memory_space<vmem>>[vector<16xi32>, vector<16xi32>], vector<16xf32>,
      %add3A_788 = arith.constant 16 : i32
      %add3A_789 = vector.broadcast %add3A_788 : i32 to vector<16xi32>
      %add3A_790 = arith.addi %iota3A, %add3A_789 : vector<16xi32>
      %gather3A_791 = arith.constant 0 : i32
      %gather3A_792 = arith.constant 0 : i32
      %gather3A_793 = tpu.memref_slice %arg8[%select_n3A_752, %gather3A_791, %gather3A_792] : memref<16x32x128xf32, #tpu.memory_space<vmem>> -> memref<1x32x128xf32, #tpu.memory_space<vmem>>
      %gather3A_794 = tpu.memref_squeeze %gather3A_793 : memref<1x32x128xf32, #tpu.memory_space<vmem>> -> memref<32x128xf32, #tpu.memory_space<vmem>>
      %gather3A_795 = tpu.vector_load_idx %gather3A_794[%add3A_790, %broadcast_in_dim3A_762] : memref<32x128xf32, #tpu.memory_space<vmem>>[vector<16xi32>, vector<16xi32>], vector<16xf32>,
      %sub3A_796 = arith.subf %gather3A_764, %gather3A_787 : vector<16xf32>
      %sub3A_797 = arith.subf %gather3A_768, %gather3A_795 : vector<16xf32>
      %mul3A_798 = arith.mulf %sub3A_796, %sub3A_796 : vector<16xf32>
      %add3A_799 = arith.addf %add3A_725, %mul3A_798 : vector<16xf32>
      %mul3A_800 = arith.mulf %sub3A_797, %sub3A_797 : vector<16xf32>
      %add3A_801 = arith.addf %add3A_799, %mul3A_800 : vector<16xf32>
      %slice3A_802 = vector.extract_strided_slice %get3A_289 {offsets = [2], sizes = [1], strides = [1]} : vector<16xi32> to vector<1xi32>
      %squeeze3A_803 = vector.extract %slice3A_802[0] : i32 from vector<1xi32>
      %add3A_804 = arith.constant 12 : i32
      %add3A_805 = arith.addi %add3A_736, %add3A_804 : i32
      %lt3A_806 = arith.constant 512 : i32
      %lt3A_807 = arith.cmpi slt, %add3A_805, %lt3A_806 : i32
      %convert_element_type3A_808 = arith.extui %lt3A_807 : i1 to i32
      %cond3A_809 = arith.constant 0 : i32
      %cond3A_810 = arith.cmpi ne, %convert_element_type3A_808, %cond3A_809 : i32
      scf.if %cond3A_810 {
        %jit3A_1495 = arith.constant 16 : i32
        %eq3A_1496 = arith.constant 0 : i32
        %eq3A_1497 = arith.cmpi eq, %jit3A_1495, %eq3A_1496 : i32
        %jit3A_1498 = arith.constant 1 : i32
        %select_n3A_1499 = arith.select %eq3A_1497, %jit3A_1498, %jit3A_1495 : i32
        %rem3A_1500 = arith.remsi %add3A_805, %select_n3A_1499 : i32
        %ne3A_1501 = arith.constant 0 : i32
        %ne3A_1502 = arith.cmpi ne, %rem3A_1500, %ne3A_1501 : i32
        %lt3A_1503 = arith.constant 0 : i32
        %lt3A_1504 = arith.cmpi slt, %rem3A_1500, %lt3A_1503 : i32
        %lt3A_1505 = arith.constant 0 : i32
        %lt3A_1506 = arith.cmpi slt, %select_n3A_1499, %lt3A_1505 : i32
        %ne3A_1507 = arith.xori %lt3A_1504, %lt3A_1506 : i1
        %and3A_1508 = arith.andi %ne3A_1507, %ne3A_1502 : i1
        %add3A_1509 = arith.addi %rem3A_1500, %select_n3A_1499 : i32
        %select_n3A_1510 = arith.select %and3A_1508, %add3A_1509, %rem3A_1500 : i32
        %shift_right_arithmetic3A_1511 = arith.constant 7 : i32
        %shift_right_arithmetic3A_1512 = arith.shrsi %squeeze3A_803, %shift_right_arithmetic3A_1511 : i32
        %shift_left3A_1513 = arith.constant 7 : i32
        %shift_left3A_1514 = arith.shli %shift_right_arithmetic3A_1512, %shift_left3A_1513 : i32
        %min3A_1515 = arith.constant 999872 : i32
        %min3A_1516 = arith.minsi %shift_left3A_1514, %min3A_1515 : i32
        %multiple_of3A_1517 = tpu.assume_multiple %min3A_1516, 128 : i32
        %dma_start3A_1518 = arith.constant 0 : i32
        %dma_start3A_1519 = arith.constant 0 : i32
        %dma_start3A_1520 = tpu.memref_slice %arg8[%select_n3A_1510, %dma_start3A_1518, %dma_start3A_1519] : memref<16x32x128xf32, #tpu.memory_space<vmem>> -> memref<1x32x128xf32, #tpu.memory_space<vmem>>
        %dma_start3A_1521 = tpu.memref_squeeze %dma_start3A_1520 : memref<1x32x128xf32, #tpu.memory_space<vmem>> -> memref<32x128xf32, #tpu.memory_space<vmem>>
        %dma_start3A_1522 = arith.constant 0 : i32
        %dma_start3A_1523 = tpu.memref_slice %arg4[%dma_start3A_1522, %multiple_of3A_1517] : memref<32x1000000xf32, #tpu.memory_space<hbm>> -> memref<32x128xf32, #tpu.memory_space<hbm>>
        %dma_start3A_1524 = arith.constant 0 : i32
        %dma_start3A_1525 = arith.constant 0 : i32
        %dma_start3A_1526 = tpu.memref_slice %arg8[%select_n3A_1510, %dma_start3A_1524, %dma_start3A_1525] : memref<16x32x128xf32, #tpu.memory_space<vmem>> -> memref<1x32x128xf32, #tpu.memory_space<vmem>>
        %dma_start3A_1527 = tpu.memref_squeeze %dma_start3A_1526 : memref<1x32x128xf32, #tpu.memory_space<vmem>> -> memref<32x128xf32, #tpu.memory_space<vmem>>
        %dma_start3A_1528 = arith.constant 0 : i32
        %dma_start3A_1529 = tpu.memref_slice %arg4[%dma_start3A_1528, %multiple_of3A_1517] : memref<32x1000000xf32, #tpu.memory_space<hbm>> -> memref<32x128xf32, #tpu.memory_space<hbm>>
        tpu.enqueue_dma source(%dma_start3A_1529 : memref<32x128xf32, #tpu.memory_space<hbm>>) target(%dma_start3A_1527 : memref<32x128xf32, #tpu.memory_space<vmem>>) target_semaphore(%arg11 : memref<!tpu.dma_semaphore, #tpu.memory_space<semaphore_mem>>)
      } else {
      }
      %add3A_811 = arith.constant 7 : i32
      %add3A_812 = arith.addi %mul3A_281, %add3A_811 : i32
      %jit3A_813 = arith.constant 16 : i32
      %eq3A_814 = arith.constant 0 : i32
      %eq3A_815 = arith.cmpi eq, %jit3A_813, %eq3A_814 : i32
      %jit3A_816 = arith.constant 1 : i32
      %select_n3A_817 = arith.select %eq3A_815, %jit3A_816, %jit3A_813 : i32
      %rem3A_818 = arith.remsi %add3A_812, %select_n3A_817 : i32
      %ne3A_819 = arith.constant 0 : i32
      %ne3A_820 = arith.cmpi ne, %rem3A_818, %ne3A_819 : i32
      %lt3A_821 = arith.constant 0 : i32
      %lt3A_822 = arith.cmpi slt, %rem3A_818, %lt3A_821 : i32
      %lt3A_823 = arith.constant 0 : i32
      %lt3A_824 = arith.cmpi slt, %select_n3A_817, %lt3A_823 : i32
      %ne3A_825 = arith.xori %lt3A_822, %lt3A_824 : i1
      %and3A_826 = arith.andi %ne3A_825, %ne3A_820 : i1
      %add3A_827 = arith.addi %rem3A_818, %select_n3A_817 : i32
      %select_n3A_828 = arith.select %and3A_826, %add3A_827, %rem3A_818 : i32
      %slice3A_829 = vector.extract_strided_slice %get3A_283 {offsets = [7], sizes = [1], strides = [1]} : vector<16xi32> to vector<1xi32>
      %squeeze3A_830 = vector.extract %slice3A_829[0] : i32 from vector<1xi32>
      %shift_right_arithmetic3A_831 = arith.constant 7 : i32
      %shift_right_arithmetic3A_832 = arith.shrsi %squeeze3A_830, %shift_right_arithmetic3A_831 : i32
      %shift_left3A_833 = arith.constant 7 : i32
      %shift_left3A_834 = arith.shli %shift_right_arithmetic3A_832, %shift_left3A_833 : i32
      %min3A_835 = arith.constant 999872 : i32
      %min3A_836 = arith.minsi %shift_left3A_834, %min3A_835 : i32
      %sub3A_837 = arith.subi %squeeze3A_830, %min3A_836 : i32
      %broadcast_in_dim3A_838 = vector.broadcast %sub3A_837 : i32 to vector<16xi32>
      %broadcast_in_dim3A_839 = vector.broadcast %add3A_812 : i32 to vector<16xi32>
      %gather3A_840 = tpu.vector_load_idx %arg7[%iota3A, %broadcast_in_dim3A_839] : memref<32x512xf32, #tpu.memory_space<vmem>>[vector<16xi32>, vector<16xi32>], vector<16xf32>,
      %add3A_841 = arith.constant 16 : i32
      %add3A_842 = vector.broadcast %add3A_841 : i32 to vector<16xi32>
      %add3A_843 = arith.addi %iota3A, %add3A_842 : vector<16xi32>
      %gather3A_844 = tpu.vector_load_idx %arg7[%add3A_843, %broadcast_in_dim3A_839] : memref<32x512xf32, #tpu.memory_space<vmem>>[vector<16xi32>, vector<16xi32>], vector<16xf32>,
      %dma_wait3A_845 = arith.constant 0 : i32
      %dma_wait3A_846 = arith.constant 0 : i32
      %dma_wait3A_847 = tpu.memref_slice %arg8[%select_n3A_828, %dma_wait3A_845, %dma_wait3A_846] : memref<16x32x128xf32, #tpu.memory_space<vmem>> -> memref<1x32x128xf32, #tpu.memory_space<vmem>>
      %dma_wait3A_848 = tpu.memref_squeeze %dma_wait3A_847 : memref<1x32x128xf32, #tpu.memory_space<vmem>> -> memref<32x128xf32, #tpu.memory_space<vmem>>
      %dma_wait3A_849 = arith.constant 0 : i32
      %dma_wait3A_850 = arith.constant 0 : i32
      %dma_wait3A_851 = tpu.memref_slice %arg4[%dma_wait3A_849, %dma_wait3A_850] : memref<32x1000000xf32, #tpu.memory_space<hbm>> -> memref<32x128xf32, #tpu.memory_space<hbm>>
      %dma_wait3A_852 = arith.constant 0 : i32
      %dma_wait3A_853 = arith.constant 0 : i32
      %dma_wait3A_854 = tpu.memref_slice %arg8[%select_n3A_828, %dma_wait3A_852, %dma_wait3A_853] : memref<16x32x128xf32, #tpu.memory_space<vmem>> -> memref<1x32x128xf32, #tpu.memory_space<vmem>>
      %dma_wait3A_855 = tpu.memref_squeeze %dma_wait3A_854 : memref<1x32x128xf32, #tpu.memory_space<vmem>> -> memref<32x128xf32, #tpu.memory_space<vmem>>
      %dma_wait3A_856 = arith.constant 0 : i32
      %dma_wait3A_857 = arith.constant 0 : i32
      %dma_wait3A_858 = tpu.memref_slice %arg4[%dma_wait3A_856, %dma_wait3A_857] : memref<32x1000000xf32, #tpu.memory_space<hbm>> -> memref<32x128xf32, #tpu.memory_space<hbm>>
      tpu.wait_dma2 semaphore(%arg11 : memref<!tpu.dma_semaphore, #tpu.memory_space<semaphore_mem>>) src(%dma_wait3A_858 : memref<32x128xf32, #tpu.memory_space<hbm>>) dst(%dma_wait3A_855 : memref<32x128xf32, #tpu.memory_space<vmem>>)
      %gather3A_859 = arith.constant 0 : i32
      %gather3A_860 = arith.constant 0 : i32
      %gather3A_861 = tpu.memref_slice %arg8[%select_n3A_828, %gather3A_859, %gather3A_860] : memref<16x32x128xf32, #tpu.memory_space<vmem>> -> memref<1x32x128xf32, #tpu.memory_space<vmem>>
      %gather3A_862 = tpu.memref_squeeze %gather3A_861 : memref<1x32x128xf32, #tpu.memory_space<vmem>> -> memref<32x128xf32, #tpu.memory_space<vmem>>
      %gather3A_863 = tpu.vector_load_idx %gather3A_862[%iota3A, %broadcast_in_dim3A_838] : memref<32x128xf32, #tpu.memory_space<vmem>>[vector<16xi32>, vector<16xi32>], vector<16xf32>,
      %add3A_864 = arith.constant 16 : i32
      %add3A_865 = vector.broadcast %add3A_864 : i32 to vector<16xi32>
      %add3A_866 = arith.addi %iota3A, %add3A_865 : vector<16xi32>
      %gather3A_867 = arith.constant 0 : i32
      %gather3A_868 = arith.constant 0 : i32
      %gather3A_869 = tpu.memref_slice %arg8[%select_n3A_828, %gather3A_867, %gather3A_868] : memref<16x32x128xf32, #tpu.memory_space<vmem>> -> memref<1x32x128xf32, #tpu.memory_space<vmem>>
      %gather3A_870 = tpu.memref_squeeze %gather3A_869 : memref<1x32x128xf32, #tpu.memory_space<vmem>> -> memref<32x128xf32, #tpu.memory_space<vmem>>
      %gather3A_871 = tpu.vector_load_idx %gather3A_870[%add3A_866, %broadcast_in_dim3A_838] : memref<32x128xf32, #tpu.memory_space<vmem>>[vector<16xi32>, vector<16xi32>], vector<16xf32>,
      %sub3A_872 = arith.subf %gather3A_840, %gather3A_863 : vector<16xf32>
      %sub3A_873 = arith.subf %gather3A_844, %gather3A_871 : vector<16xf32>
      %mul3A_874 = arith.mulf %sub3A_872, %sub3A_872 : vector<16xf32>
      %add3A_875 = arith.addf %add3A_801, %mul3A_874 : vector<16xf32>
      %mul3A_876 = arith.mulf %sub3A_873, %sub3A_873 : vector<16xf32>
      %add3A_877 = arith.addf %add3A_875, %mul3A_876 : vector<16xf32>
      %slice3A_878 = vector.extract_strided_slice %get3A_289 {offsets = [3], sizes = [1], strides = [1]} : vector<16xi32> to vector<1xi32>
      %squeeze3A_879 = vector.extract %slice3A_878[0] : i32 from vector<1xi32>
      %add3A_880 = arith.constant 12 : i32
      %add3A_881 = arith.addi %add3A_812, %add3A_880 : i32
      %lt3A_882 = arith.constant 512 : i32
      %lt3A_883 = arith.cmpi slt, %add3A_881, %lt3A_882 : i32
      %convert_element_type3A_884 = arith.extui %lt3A_883 : i1 to i32
      %cond3A_885 = arith.constant 0 : i32
      %cond3A_886 = arith.cmpi ne, %convert_element_type3A_884, %cond3A_885 : i32
      scf.if %cond3A_886 {
        %jit3A_1495 = arith.constant 16 : i32
        %eq3A_1496 = arith.constant 0 : i32
        %eq3A_1497 = arith.cmpi eq, %jit3A_1495, %eq3A_1496 : i32
        %jit3A_1498 = arith.constant 1 : i32
        %select_n3A_1499 = arith.select %eq3A_1497, %jit3A_1498, %jit3A_1495 : i32
        %rem3A_1500 = arith.remsi %add3A_881, %select_n3A_1499 : i32
        %ne3A_1501 = arith.constant 0 : i32
        %ne3A_1502 = arith.cmpi ne, %rem3A_1500, %ne3A_1501 : i32
        %lt3A_1503 = arith.constant 0 : i32
        %lt3A_1504 = arith.cmpi slt, %rem3A_1500, %lt3A_1503 : i32
        %lt3A_1505 = arith.constant 0 : i32
        %lt3A_1506 = arith.cmpi slt, %select_n3A_1499, %lt3A_1505 : i32
        %ne3A_1507 = arith.xori %lt3A_1504, %lt3A_1506 : i1
        %and3A_1508 = arith.andi %ne3A_1507, %ne3A_1502 : i1
        %add3A_1509 = arith.addi %rem3A_1500, %select_n3A_1499 : i32
        %select_n3A_1510 = arith.select %and3A_1508, %add3A_1509, %rem3A_1500 : i32
        %shift_right_arithmetic3A_1511 = arith.constant 7 : i32
        %shift_right_arithmetic3A_1512 = arith.shrsi %squeeze3A_879, %shift_right_arithmetic3A_1511 : i32
        %shift_left3A_1513 = arith.constant 7 : i32
        %shift_left3A_1514 = arith.shli %shift_right_arithmetic3A_1512, %shift_left3A_1513 : i32
        %min3A_1515 = arith.constant 999872 : i32
        %min3A_1516 = arith.minsi %shift_left3A_1514, %min3A_1515 : i32
        %multiple_of3A_1517 = tpu.assume_multiple %min3A_1516, 128 : i32
        %dma_start3A_1518 = arith.constant 0 : i32
        %dma_start3A_1519 = arith.constant 0 : i32
        %dma_start3A_1520 = tpu.memref_slice %arg8[%select_n3A_1510, %dma_start3A_1518, %dma_start3A_1519] : memref<16x32x128xf32, #tpu.memory_space<vmem>> -> memref<1x32x128xf32, #tpu.memory_space<vmem>>
        %dma_start3A_1521 = tpu.memref_squeeze %dma_start3A_1520 : memref<1x32x128xf32, #tpu.memory_space<vmem>> -> memref<32x128xf32, #tpu.memory_space<vmem>>
        %dma_start3A_1522 = arith.constant 0 : i32
        %dma_start3A_1523 = tpu.memref_slice %arg4[%dma_start3A_1522, %multiple_of3A_1517] : memref<32x1000000xf32, #tpu.memory_space<hbm>> -> memref<32x128xf32, #tpu.memory_space<hbm>>
        %dma_start3A_1524 = arith.constant 0 : i32
        %dma_start3A_1525 = arith.constant 0 : i32
        %dma_start3A_1526 = tpu.memref_slice %arg8[%select_n3A_1510, %dma_start3A_1524, %dma_start3A_1525] : memref<16x32x128xf32, #tpu.memory_space<vmem>> -> memref<1x32x128xf32, #tpu.memory_space<vmem>>
        %dma_start3A_1527 = tpu.memref_squeeze %dma_start3A_1526 : memref<1x32x128xf32, #tpu.memory_space<vmem>> -> memref<32x128xf32, #tpu.memory_space<vmem>>
        %dma_start3A_1528 = arith.constant 0 : i32
        %dma_start3A_1529 = tpu.memref_slice %arg4[%dma_start3A_1528, %multiple_of3A_1517] : memref<32x1000000xf32, #tpu.memory_space<hbm>> -> memref<32x128xf32, #tpu.memory_space<hbm>>
        tpu.enqueue_dma source(%dma_start3A_1529 : memref<32x128xf32, #tpu.memory_space<hbm>>) target(%dma_start3A_1527 : memref<32x128xf32, #tpu.memory_space<vmem>>) target_semaphore(%arg11 : memref<!tpu.dma_semaphore, #tpu.memory_space<semaphore_mem>>)
      } else {
      }
      %add3A_887 = arith.constant 8 : i32
      %add3A_888 = arith.addi %mul3A_281, %add3A_887 : i32
      %jit3A_889 = arith.constant 16 : i32
      %eq3A_890 = arith.constant 0 : i32
      %eq3A_891 = arith.cmpi eq, %jit3A_889, %eq3A_890 : i32
      %jit3A_892 = arith.constant 1 : i32
      %select_n3A_893 = arith.select %eq3A_891, %jit3A_892, %jit3A_889 : i32
      %rem3A_894 = arith.remsi %add3A_888, %select_n3A_893 : i32
      %ne3A_895 = arith.constant 0 : i32
      %ne3A_896 = arith.cmpi ne, %rem3A_894, %ne3A_895 : i32
      %lt3A_897 = arith.constant 0 : i32
      %lt3A_898 = arith.cmpi slt, %rem3A_894, %lt3A_897 : i32
      %lt3A_899 = arith.constant 0 : i32
      %lt3A_900 = arith.cmpi slt, %select_n3A_893, %lt3A_899 : i32
      %ne3A_901 = arith.xori %lt3A_898, %lt3A_900 : i1
      %and3A_902 = arith.andi %ne3A_901, %ne3A_896 : i1
      %add3A_903 = arith.addi %rem3A_894, %select_n3A_893 : i32
      %select_n3A_904 = arith.select %and3A_902, %add3A_903, %rem3A_894 : i32
      %slice3A_905 = vector.extract_strided_slice %get3A_283 {offsets = [8], sizes = [1], strides = [1]} : vector<16xi32> to vector<1xi32>
      %squeeze3A_906 = vector.extract %slice3A_905[0] : i32 from vector<1xi32>
      %shift_right_arithmetic3A_907 = arith.constant 7 : i32
      %shift_right_arithmetic3A_908 = arith.shrsi %squeeze3A_906, %shift_right_arithmetic3A_907 : i32
      %shift_left3A_909 = arith.constant 7 : i32
      %shift_left3A_910 = arith.shli %shift_right_arithmetic3A_908, %shift_left3A_909 : i32
      %min3A_911 = arith.constant 999872 : i32
      %min3A_912 = arith.minsi %shift_left3A_910, %min3A_911 : i32
      %sub3A_913 = arith.subi %squeeze3A_906, %min3A_912 : i32
      %broadcast_in_dim3A_914 = vector.broadcast %sub3A_913 : i32 to vector<16xi32>
      %broadcast_in_dim3A_915 = vector.broadcast %add3A_888 : i32 to vector<16xi32>
      %gather3A_916 = tpu.vector_load_idx %arg7[%iota3A, %broadcast_in_dim3A_915] : memref<32x512xf32, #tpu.memory_space<vmem>>[vector<16xi32>, vector<16xi32>], vector<16xf32>,
      %add3A_917 = arith.constant 16 : i32
      %add3A_918 = vector.broadcast %add3A_917 : i32 to vector<16xi32>
      %add3A_919 = arith.addi %iota3A, %add3A_918 : vector<16xi32>
      %gather3A_920 = tpu.vector_load_idx %arg7[%add3A_919, %broadcast_in_dim3A_915] : memref<32x512xf32, #tpu.memory_space<vmem>>[vector<16xi32>, vector<16xi32>], vector<16xf32>,
      %dma_wait3A_921 = arith.constant 0 : i32
      %dma_wait3A_922 = arith.constant 0 : i32
      %dma_wait3A_923 = tpu.memref_slice %arg8[%select_n3A_904, %dma_wait3A_921, %dma_wait3A_922] : memref<16x32x128xf32, #tpu.memory_space<vmem>> -> memref<1x32x128xf32, #tpu.memory_space<vmem>>
      %dma_wait3A_924 = tpu.memref_squeeze %dma_wait3A_923 : memref<1x32x128xf32, #tpu.memory_space<vmem>> -> memref<32x128xf32, #tpu.memory_space<vmem>>
      %dma_wait3A_925 = arith.constant 0 : i32
      %dma_wait3A_926 = arith.constant 0 : i32
      %dma_wait3A_927 = tpu.memref_slice %arg4[%dma_wait3A_925, %dma_wait3A_926] : memref<32x1000000xf32, #tpu.memory_space<hbm>> -> memref<32x128xf32, #tpu.memory_space<hbm>>
      %dma_wait3A_928 = arith.constant 0 : i32
      %dma_wait3A_929 = arith.constant 0 : i32
      %dma_wait3A_930 = tpu.memref_slice %arg8[%select_n3A_904, %dma_wait3A_928, %dma_wait3A_929] : memref<16x32x128xf32, #tpu.memory_space<vmem>> -> memref<1x32x128xf32, #tpu.memory_space<vmem>>
      %dma_wait3A_931 = tpu.memref_squeeze %dma_wait3A_930 : memref<1x32x128xf32, #tpu.memory_space<vmem>> -> memref<32x128xf32, #tpu.memory_space<vmem>>
      %dma_wait3A_932 = arith.constant 0 : i32
      %dma_wait3A_933 = arith.constant 0 : i32
      %dma_wait3A_934 = tpu.memref_slice %arg4[%dma_wait3A_932, %dma_wait3A_933] : memref<32x1000000xf32, #tpu.memory_space<hbm>> -> memref<32x128xf32, #tpu.memory_space<hbm>>
      tpu.wait_dma2 semaphore(%arg11 : memref<!tpu.dma_semaphore, #tpu.memory_space<semaphore_mem>>) src(%dma_wait3A_934 : memref<32x128xf32, #tpu.memory_space<hbm>>) dst(%dma_wait3A_931 : memref<32x128xf32, #tpu.memory_space<vmem>>)
      %gather3A_935 = arith.constant 0 : i32
      %gather3A_936 = arith.constant 0 : i32
      %gather3A_937 = tpu.memref_slice %arg8[%select_n3A_904, %gather3A_935, %gather3A_936] : memref<16x32x128xf32, #tpu.memory_space<vmem>> -> memref<1x32x128xf32, #tpu.memory_space<vmem>>
      %gather3A_938 = tpu.memref_squeeze %gather3A_937 : memref<1x32x128xf32, #tpu.memory_space<vmem>> -> memref<32x128xf32, #tpu.memory_space<vmem>>
      %gather3A_939 = tpu.vector_load_idx %gather3A_938[%iota3A, %broadcast_in_dim3A_914] : memref<32x128xf32, #tpu.memory_space<vmem>>[vector<16xi32>, vector<16xi32>], vector<16xf32>,
      %add3A_940 = arith.constant 16 : i32
      %add3A_941 = vector.broadcast %add3A_940 : i32 to vector<16xi32>
      %add3A_942 = arith.addi %iota3A, %add3A_941 : vector<16xi32>
      %gather3A_943 = arith.constant 0 : i32
      %gather3A_944 = arith.constant 0 : i32
      %gather3A_945 = tpu.memref_slice %arg8[%select_n3A_904, %gather3A_943, %gather3A_944] : memref<16x32x128xf32, #tpu.memory_space<vmem>> -> memref<1x32x128xf32, #tpu.memory_space<vmem>>
      %gather3A_946 = tpu.memref_squeeze %gather3A_945 : memref<1x32x128xf32, #tpu.memory_space<vmem>> -> memref<32x128xf32, #tpu.memory_space<vmem>>
      %gather3A_947 = tpu.vector_load_idx %gather3A_946[%add3A_942, %broadcast_in_dim3A_914] : memref<32x128xf32, #tpu.memory_space<vmem>>[vector<16xi32>, vector<16xi32>], vector<16xf32>,
      %sub3A_948 = arith.subf %gather3A_916, %gather3A_939 : vector<16xf32>
      %sub3A_949 = arith.subf %gather3A_920, %gather3A_947 : vector<16xf32>
      %mul3A_950 = arith.mulf %sub3A_948, %sub3A_948 : vector<16xf32>
      %add3A_951 = arith.addf %add3A_877, %mul3A_950 : vector<16xf32>
      %mul3A_952 = arith.mulf %sub3A_949, %sub3A_949 : vector<16xf32>
      %add3A_953 = arith.addf %add3A_951, %mul3A_952 : vector<16xf32>
      %slice3A_954 = vector.extract_strided_slice %get3A_289 {offsets = [4], sizes = [1], strides = [1]} : vector<16xi32> to vector<1xi32>
      %squeeze3A_955 = vector.extract %slice3A_954[0] : i32 from vector<1xi32>
      %add3A_956 = arith.constant 12 : i32
      %add3A_957 = arith.addi %add3A_888, %add3A_956 : i32
      %lt3A_958 = arith.constant 512 : i32
      %lt3A_959 = arith.cmpi slt, %add3A_957, %lt3A_958 : i32
      %convert_element_type3A_960 = arith.extui %lt3A_959 : i1 to i32
      %cond3A_961 = arith.constant 0 : i32
      %cond3A_962 = arith.cmpi ne, %convert_element_type3A_960, %cond3A_961 : i32
      scf.if %cond3A_962 {
        %jit3A_1495 = arith.constant 16 : i32
        %eq3A_1496 = arith.constant 0 : i32
        %eq3A_1497 = arith.cmpi eq, %jit3A_1495, %eq3A_1496 : i32
        %jit3A_1498 = arith.constant 1 : i32
        %select_n3A_1499 = arith.select %eq3A_1497, %jit3A_1498, %jit3A_1495 : i32
        %rem3A_1500 = arith.remsi %add3A_957, %select_n3A_1499 : i32
        %ne3A_1501 = arith.constant 0 : i32
        %ne3A_1502 = arith.cmpi ne, %rem3A_1500, %ne3A_1501 : i32
        %lt3A_1503 = arith.constant 0 : i32
        %lt3A_1504 = arith.cmpi slt, %rem3A_1500, %lt3A_1503 : i32
        %lt3A_1505 = arith.constant 0 : i32
        %lt3A_1506 = arith.cmpi slt, %select_n3A_1499, %lt3A_1505 : i32
        %ne3A_1507 = arith.xori %lt3A_1504, %lt3A_1506 : i1
        %and3A_1508 = arith.andi %ne3A_1507, %ne3A_1502 : i1
        %add3A_1509 = arith.addi %rem3A_1500, %select_n3A_1499 : i32
        %select_n3A_1510 = arith.select %and3A_1508, %add3A_1509, %rem3A_1500 : i32
        %shift_right_arithmetic3A_1511 = arith.constant 7 : i32
        %shift_right_arithmetic3A_1512 = arith.shrsi %squeeze3A_955, %shift_right_arithmetic3A_1511 : i32
        %shift_left3A_1513 = arith.constant 7 : i32
        %shift_left3A_1514 = arith.shli %shift_right_arithmetic3A_1512, %shift_left3A_1513 : i32
        %min3A_1515 = arith.constant 999872 : i32
        %min3A_1516 = arith.minsi %shift_left3A_1514, %min3A_1515 : i32
        %multiple_of3A_1517 = tpu.assume_multiple %min3A_1516, 128 : i32
        %dma_start3A_1518 = arith.constant 0 : i32
        %dma_start3A_1519 = arith.constant 0 : i32
        %dma_start3A_1520 = tpu.memref_slice %arg8[%select_n3A_1510, %dma_start3A_1518, %dma_start3A_1519] : memref<16x32x128xf32, #tpu.memory_space<vmem>> -> memref<1x32x128xf32, #tpu.memory_space<vmem>>
        %dma_start3A_1521 = tpu.memref_squeeze %dma_start3A_1520 : memref<1x32x128xf32, #tpu.memory_space<vmem>> -> memref<32x128xf32, #tpu.memory_space<vmem>>
        %dma_start3A_1522 = arith.constant 0 : i32
        %dma_start3A_1523 = tpu.memref_slice %arg4[%dma_start3A_1522, %multiple_of3A_1517] : memref<32x1000000xf32, #tpu.memory_space<hbm>> -> memref<32x128xf32, #tpu.memory_space<hbm>>
        %dma_start3A_1524 = arith.constant 0 : i32
        %dma_start3A_1525 = arith.constant 0 : i32
        %dma_start3A_1526 = tpu.memref_slice %arg8[%select_n3A_1510, %dma_start3A_1524, %dma_start3A_1525] : memref<16x32x128xf32, #tpu.memory_space<vmem>> -> memref<1x32x128xf32, #tpu.memory_space<vmem>>
        %dma_start3A_1527 = tpu.memref_squeeze %dma_start3A_1526 : memref<1x32x128xf32, #tpu.memory_space<vmem>> -> memref<32x128xf32, #tpu.memory_space<vmem>>
        %dma_start3A_1528 = arith.constant 0 : i32
        %dma_start3A_1529 = tpu.memref_slice %arg4[%dma_start3A_1528, %multiple_of3A_1517] : memref<32x1000000xf32, #tpu.memory_space<hbm>> -> memref<32x128xf32, #tpu.memory_space<hbm>>
        tpu.enqueue_dma source(%dma_start3A_1529 : memref<32x128xf32, #tpu.memory_space<hbm>>) target(%dma_start3A_1527 : memref<32x128xf32, #tpu.memory_space<vmem>>) target_semaphore(%arg11 : memref<!tpu.dma_semaphore, #tpu.memory_space<semaphore_mem>>)
      } else {
      }
      %add3A_963 = arith.constant 9 : i32
      %add3A_964 = arith.addi %mul3A_281, %add3A_963 : i32
      %jit3A_965 = arith.constant 16 : i32
      %eq3A_966 = arith.constant 0 : i32
      %eq3A_967 = arith.cmpi eq, %jit3A_965, %eq3A_966 : i32
      %jit3A_968 = arith.constant 1 : i32
      %select_n3A_969 = arith.select %eq3A_967, %jit3A_968, %jit3A_965 : i32
      %rem3A_970 = arith.remsi %add3A_964, %select_n3A_969 : i32
      %ne3A_971 = arith.constant 0 : i32
      %ne3A_972 = arith.cmpi ne, %rem3A_970, %ne3A_971 : i32
      %lt3A_973 = arith.constant 0 : i32
      %lt3A_974 = arith.cmpi slt, %rem3A_970, %lt3A_973 : i32
      %lt3A_975 = arith.constant 0 : i32
      %lt3A_976 = arith.cmpi slt, %select_n3A_969, %lt3A_975 : i32
      %ne3A_977 = arith.xori %lt3A_974, %lt3A_976 : i1
      %and3A_978 = arith.andi %ne3A_977, %ne3A_972 : i1
      %add3A_979 = arith.addi %rem3A_970, %select_n3A_969 : i32
      %select_n3A_980 = arith.select %and3A_978, %add3A_979, %rem3A_970 : i32
      %slice3A_981 = vector.extract_strided_slice %get3A_283 {offsets = [9], sizes = [1], strides = [1]} : vector<16xi32> to vector<1xi32>
      %squeeze3A_982 = vector.extract %slice3A_981[0] : i32 from vector<1xi32>
      %shift_right_arithmetic3A_983 = arith.constant 7 : i32
      %shift_right_arithmetic3A_984 = arith.shrsi %squeeze3A_982, %shift_right_arithmetic3A_983 : i32
      %shift_left3A_985 = arith.constant 7 : i32
      %shift_left3A_986 = arith.shli %shift_right_arithmetic3A_984, %shift_left3A_985 : i32
      %min3A_987 = arith.constant 999872 : i32
      %min3A_988 = arith.minsi %shift_left3A_986, %min3A_987 : i32
      %sub3A_989 = arith.subi %squeeze3A_982, %min3A_988 : i32
      %broadcast_in_dim3A_990 = vector.broadcast %sub3A_989 : i32 to vector<16xi32>
      %broadcast_in_dim3A_991 = vector.broadcast %add3A_964 : i32 to vector<16xi32>
      %gather3A_992 = tpu.vector_load_idx %arg7[%iota3A, %broadcast_in_dim3A_991] : memref<32x512xf32, #tpu.memory_space<vmem>>[vector<16xi32>, vector<16xi32>], vector<16xf32>,
      %add3A_993 = arith.constant 16 : i32
      %add3A_994 = vector.broadcast %add3A_993 : i32 to vector<16xi32>
      %add3A_995 = arith.addi %iota3A, %add3A_994 : vector<16xi32>
      %gather3A_996 = tpu.vector_load_idx %arg7[%add3A_995, %broadcast_in_dim3A_991] : memref<32x512xf32, #tpu.memory_space<vmem>>[vector<16xi32>, vector<16xi32>], vector<16xf32>,
      %dma_wait3A_997 = arith.constant 0 : i32
      %dma_wait3A_998 = arith.constant 0 : i32
      %dma_wait3A_999 = tpu.memref_slice %arg8[%select_n3A_980, %dma_wait3A_997, %dma_wait3A_998] : memref<16x32x128xf32, #tpu.memory_space<vmem>> -> memref<1x32x128xf32, #tpu.memory_space<vmem>>
      %dma_wait3A_1000 = tpu.memref_squeeze %dma_wait3A_999 : memref<1x32x128xf32, #tpu.memory_space<vmem>> -> memref<32x128xf32, #tpu.memory_space<vmem>>
      %dma_wait3A_1001 = arith.constant 0 : i32
      %dma_wait3A_1002 = arith.constant 0 : i32
      %dma_wait3A_1003 = tpu.memref_slice %arg4[%dma_wait3A_1001, %dma_wait3A_1002] : memref<32x1000000xf32, #tpu.memory_space<hbm>> -> memref<32x128xf32, #tpu.memory_space<hbm>>
      %dma_wait3A_1004 = arith.constant 0 : i32
      %dma_wait3A_1005 = arith.constant 0 : i32
      %dma_wait3A_1006 = tpu.memref_slice %arg8[%select_n3A_980, %dma_wait3A_1004, %dma_wait3A_1005] : memref<16x32x128xf32, #tpu.memory_space<vmem>> -> memref<1x32x128xf32, #tpu.memory_space<vmem>>
      %dma_wait3A_1007 = tpu.memref_squeeze %dma_wait3A_1006 : memref<1x32x128xf32, #tpu.memory_space<vmem>> -> memref<32x128xf32, #tpu.memory_space<vmem>>
      %dma_wait3A_1008 = arith.constant 0 : i32
      %dma_wait3A_1009 = arith.constant 0 : i32
      %dma_wait3A_1010 = tpu.memref_slice %arg4[%dma_wait3A_1008, %dma_wait3A_1009] : memref<32x1000000xf32, #tpu.memory_space<hbm>> -> memref<32x128xf32, #tpu.memory_space<hbm>>
      tpu.wait_dma2 semaphore(%arg11 : memref<!tpu.dma_semaphore, #tpu.memory_space<semaphore_mem>>) src(%dma_wait3A_1010 : memref<32x128xf32, #tpu.memory_space<hbm>>) dst(%dma_wait3A_1007 : memref<32x128xf32, #tpu.memory_space<vmem>>)
      %gather3A_1011 = arith.constant 0 : i32
      %gather3A_1012 = arith.constant 0 : i32
      %gather3A_1013 = tpu.memref_slice %arg8[%select_n3A_980, %gather3A_1011, %gather3A_1012] : memref<16x32x128xf32, #tpu.memory_space<vmem>> -> memref<1x32x128xf32, #tpu.memory_space<vmem>>
      %gather3A_1014 = tpu.memref_squeeze %gather3A_1013 : memref<1x32x128xf32, #tpu.memory_space<vmem>> -> memref<32x128xf32, #tpu.memory_space<vmem>>
      %gather3A_1015 = tpu.vector_load_idx %gather3A_1014[%iota3A, %broadcast_in_dim3A_990] : memref<32x128xf32, #tpu.memory_space<vmem>>[vector<16xi32>, vector<16xi32>], vector<16xf32>,
      %add3A_1016 = arith.constant 16 : i32
      %add3A_1017 = vector.broadcast %add3A_1016 : i32 to vector<16xi32>
      %add3A_1018 = arith.addi %iota3A, %add3A_1017 : vector<16xi32>
      %gather3A_1019 = arith.constant 0 : i32
      %gather3A_1020 = arith.constant 0 : i32
      %gather3A_1021 = tpu.memref_slice %arg8[%select_n3A_980, %gather3A_1019, %gather3A_1020] : memref<16x32x128xf32, #tpu.memory_space<vmem>> -> memref<1x32x128xf32, #tpu.memory_space<vmem>>
      %gather3A_1022 = tpu.memref_squeeze %gather3A_1021 : memref<1x32x128xf32, #tpu.memory_space<vmem>> -> memref<32x128xf32, #tpu.memory_space<vmem>>
      %gather3A_1023 = tpu.vector_load_idx %gather3A_1022[%add3A_1018, %broadcast_in_dim3A_990] : memref<32x128xf32, #tpu.memory_space<vmem>>[vector<16xi32>, vector<16xi32>], vector<16xf32>,
      %sub3A_1024 = arith.subf %gather3A_992, %gather3A_1015 : vector<16xf32>
      %sub3A_1025 = arith.subf %gather3A_996, %gather3A_1023 : vector<16xf32>
      %mul3A_1026 = arith.mulf %sub3A_1024, %sub3A_1024 : vector<16xf32>
      %add3A_1027 = arith.addf %add3A_953, %mul3A_1026 : vector<16xf32>
      %mul3A_1028 = arith.mulf %sub3A_1025, %sub3A_1025 : vector<16xf32>
      %add3A_1029 = arith.addf %add3A_1027, %mul3A_1028 : vector<16xf32>
      %slice3A_1030 = vector.extract_strided_slice %get3A_289 {offsets = [5], sizes = [1], strides = [1]} : vector<16xi32> to vector<1xi32>
      %squeeze3A_1031 = vector.extract %slice3A_1030[0] : i32 from vector<1xi32>
      %add3A_1032 = arith.constant 12 : i32
      %add3A_1033 = arith.addi %add3A_964, %add3A_1032 : i32
      %lt3A_1034 = arith.constant 512 : i32
      %lt3A_1035 = arith.cmpi slt, %add3A_1033, %lt3A_1034 : i32
      %convert_element_type3A_1036 = arith.extui %lt3A_1035 : i1 to i32
      %cond3A_1037 = arith.constant 0 : i32
      %cond3A_1038 = arith.cmpi ne, %convert_element_type3A_1036, %cond3A_1037 : i32
      scf.if %cond3A_1038 {
        %jit3A_1495 = arith.constant 16 : i32
        %eq3A_1496 = arith.constant 0 : i32
        %eq3A_1497 = arith.cmpi eq, %jit3A_1495, %eq3A_1496 : i32
        %jit3A_1498 = arith.constant 1 : i32
        %select_n3A_1499 = arith.select %eq3A_1497, %jit3A_1498, %jit3A_1495 : i32
        %rem3A_1500 = arith.remsi %add3A_1033, %select_n3A_1499 : i32
        %ne3A_1501 = arith.constant 0 : i32
        %ne3A_1502 = arith.cmpi ne, %rem3A_1500, %ne3A_1501 : i32
        %lt3A_1503 = arith.constant 0 : i32
        %lt3A_1504 = arith.cmpi slt, %rem3A_1500, %lt3A_1503 : i32
        %lt3A_1505 = arith.constant 0 : i32
        %lt3A_1506 = arith.cmpi slt, %select_n3A_1499, %lt3A_1505 : i32
        %ne3A_1507 = arith.xori %lt3A_1504, %lt3A_1506 : i1
        %and3A_1508 = arith.andi %ne3A_1507, %ne3A_1502 : i1
        %add3A_1509 = arith.addi %rem3A_1500, %select_n3A_1499 : i32
        %select_n3A_1510 = arith.select %and3A_1508, %add3A_1509, %rem3A_1500 : i32
        %shift_right_arithmetic3A_1511 = arith.constant 7 : i32
        %shift_right_arithmetic3A_1512 = arith.shrsi %squeeze3A_1031, %shift_right_arithmetic3A_1511 : i32
        %shift_left3A_1513 = arith.constant 7 : i32
        %shift_left3A_1514 = arith.shli %shift_right_arithmetic3A_1512, %shift_left3A_1513 : i32
        %min3A_1515 = arith.constant 999872 : i32
        %min3A_1516 = arith.minsi %shift_left3A_1514, %min3A_1515 : i32
        %multiple_of3A_1517 = tpu.assume_multiple %min3A_1516, 128 : i32
        %dma_start3A_1518 = arith.constant 0 : i32
        %dma_start3A_1519 = arith.constant 0 : i32
        %dma_start3A_1520 = tpu.memref_slice %arg8[%select_n3A_1510, %dma_start3A_1518, %dma_start3A_1519] : memref<16x32x128xf32, #tpu.memory_space<vmem>> -> memref<1x32x128xf32, #tpu.memory_space<vmem>>
        %dma_start3A_1521 = tpu.memref_squeeze %dma_start3A_1520 : memref<1x32x128xf32, #tpu.memory_space<vmem>> -> memref<32x128xf32, #tpu.memory_space<vmem>>
        %dma_start3A_1522 = arith.constant 0 : i32
        %dma_start3A_1523 = tpu.memref_slice %arg4[%dma_start3A_1522, %multiple_of3A_1517] : memref<32x1000000xf32, #tpu.memory_space<hbm>> -> memref<32x128xf32, #tpu.memory_space<hbm>>
        %dma_start3A_1524 = arith.constant 0 : i32
        %dma_start3A_1525 = arith.constant 0 : i32
        %dma_start3A_1526 = tpu.memref_slice %arg8[%select_n3A_1510, %dma_start3A_1524, %dma_start3A_1525] : memref<16x32x128xf32, #tpu.memory_space<vmem>> -> memref<1x32x128xf32, #tpu.memory_space<vmem>>
        %dma_start3A_1527 = tpu.memref_squeeze %dma_start3A_1526 : memref<1x32x128xf32, #tpu.memory_space<vmem>> -> memref<32x128xf32, #tpu.memory_space<vmem>>
        %dma_start3A_1528 = arith.constant 0 : i32
        %dma_start3A_1529 = tpu.memref_slice %arg4[%dma_start3A_1528, %multiple_of3A_1517] : memref<32x1000000xf32, #tpu.memory_space<hbm>> -> memref<32x128xf32, #tpu.memory_space<hbm>>
        tpu.enqueue_dma source(%dma_start3A_1529 : memref<32x128xf32, #tpu.memory_space<hbm>>) target(%dma_start3A_1527 : memref<32x128xf32, #tpu.memory_space<vmem>>) target_semaphore(%arg11 : memref<!tpu.dma_semaphore, #tpu.memory_space<semaphore_mem>>)
      } else {
      }
      %add3A_1039 = arith.constant 10 : i32
      %add3A_1040 = arith.addi %mul3A_281, %add3A_1039 : i32
      %jit3A_1041 = arith.constant 16 : i32
      %eq3A_1042 = arith.constant 0 : i32
      %eq3A_1043 = arith.cmpi eq, %jit3A_1041, %eq3A_1042 : i32
      %jit3A_1044 = arith.constant 1 : i32
      %select_n3A_1045 = arith.select %eq3A_1043, %jit3A_1044, %jit3A_1041 : i32
      %rem3A_1046 = arith.remsi %add3A_1040, %select_n3A_1045 : i32
      %ne3A_1047 = arith.constant 0 : i32
      %ne3A_1048 = arith.cmpi ne, %rem3A_1046, %ne3A_1047 : i32
      %lt3A_1049 = arith.constant 0 : i32
      %lt3A_1050 = arith.cmpi slt, %rem3A_1046, %lt3A_1049 : i32
      %lt3A_1051 = arith.constant 0 : i32
      %lt3A_1052 = arith.cmpi slt, %select_n3A_1045, %lt3A_1051 : i32
      %ne3A_1053 = arith.xori %lt3A_1050, %lt3A_1052 : i1
      %and3A_1054 = arith.andi %ne3A_1053, %ne3A_1048 : i1
      %add3A_1055 = arith.addi %rem3A_1046, %select_n3A_1045 : i32
      %select_n3A_1056 = arith.select %and3A_1054, %add3A_1055, %rem3A_1046 : i32
      %slice3A_1057 = vector.extract_strided_slice %get3A_283 {offsets = [10], sizes = [1], strides = [1]} : vector<16xi32> to vector<1xi32>
      %squeeze3A_1058 = vector.extract %slice3A_1057[0] : i32 from vector<1xi32>
      %shift_right_arithmetic3A_1059 = arith.constant 7 : i32
      %shift_right_arithmetic3A_1060 = arith.shrsi %squeeze3A_1058, %shift_right_arithmetic3A_1059 : i32
      %shift_left3A_1061 = arith.constant 7 : i32
      %shift_left3A_1062 = arith.shli %shift_right_arithmetic3A_1060, %shift_left3A_1061 : i32
      %min3A_1063 = arith.constant 999872 : i32
      %min3A_1064 = arith.minsi %shift_left3A_1062, %min3A_1063 : i32
      %sub3A_1065 = arith.subi %squeeze3A_1058, %min3A_1064 : i32
      %broadcast_in_dim3A_1066 = vector.broadcast %sub3A_1065 : i32 to vector<16xi32>
      %broadcast_in_dim3A_1067 = vector.broadcast %add3A_1040 : i32 to vector<16xi32>
      %gather3A_1068 = tpu.vector_load_idx %arg7[%iota3A, %broadcast_in_dim3A_1067] : memref<32x512xf32, #tpu.memory_space<vmem>>[vector<16xi32>, vector<16xi32>], vector<16xf32>,
      %add3A_1069 = arith.constant 16 : i32
      %add3A_1070 = vector.broadcast %add3A_1069 : i32 to vector<16xi32>
      %add3A_1071 = arith.addi %iota3A, %add3A_1070 : vector<16xi32>
      %gather3A_1072 = tpu.vector_load_idx %arg7[%add3A_1071, %broadcast_in_dim3A_1067] : memref<32x512xf32, #tpu.memory_space<vmem>>[vector<16xi32>, vector<16xi32>], vector<16xf32>,
      %dma_wait3A_1073 = arith.constant 0 : i32
      %dma_wait3A_1074 = arith.constant 0 : i32
      %dma_wait3A_1075 = tpu.memref_slice %arg8[%select_n3A_1056, %dma_wait3A_1073, %dma_wait3A_1074] : memref<16x32x128xf32, #tpu.memory_space<vmem>> -> memref<1x32x128xf32, #tpu.memory_space<vmem>>
      %dma_wait3A_1076 = tpu.memref_squeeze %dma_wait3A_1075 : memref<1x32x128xf32, #tpu.memory_space<vmem>> -> memref<32x128xf32, #tpu.memory_space<vmem>>
      %dma_wait3A_1077 = arith.constant 0 : i32
      %dma_wait3A_1078 = arith.constant 0 : i32
      %dma_wait3A_1079 = tpu.memref_slice %arg4[%dma_wait3A_1077, %dma_wait3A_1078] : memref<32x1000000xf32, #tpu.memory_space<hbm>> -> memref<32x128xf32, #tpu.memory_space<hbm>>
      %dma_wait3A_1080 = arith.constant 0 : i32
      %dma_wait3A_1081 = arith.constant 0 : i32
      %dma_wait3A_1082 = tpu.memref_slice %arg8[%select_n3A_1056, %dma_wait3A_1080, %dma_wait3A_1081] : memref<16x32x128xf32, #tpu.memory_space<vmem>> -> memref<1x32x128xf32, #tpu.memory_space<vmem>>
      %dma_wait3A_1083 = tpu.memref_squeeze %dma_wait3A_1082 : memref<1x32x128xf32, #tpu.memory_space<vmem>> -> memref<32x128xf32, #tpu.memory_space<vmem>>
      %dma_wait3A_1084 = arith.constant 0 : i32
      %dma_wait3A_1085 = arith.constant 0 : i32
      %dma_wait3A_1086 = tpu.memref_slice %arg4[%dma_wait3A_1084, %dma_wait3A_1085] : memref<32x1000000xf32, #tpu.memory_space<hbm>> -> memref<32x128xf32, #tpu.memory_space<hbm>>
      tpu.wait_dma2 semaphore(%arg11 : memref<!tpu.dma_semaphore, #tpu.memory_space<semaphore_mem>>) src(%dma_wait3A_1086 : memref<32x128xf32, #tpu.memory_space<hbm>>) dst(%dma_wait3A_1083 : memref<32x128xf32, #tpu.memory_space<vmem>>)
      %gather3A_1087 = arith.constant 0 : i32
      %gather3A_1088 = arith.constant 0 : i32
      %gather3A_1089 = tpu.memref_slice %arg8[%select_n3A_1056, %gather3A_1087, %gather3A_1088] : memref<16x32x128xf32, #tpu.memory_space<vmem>> -> memref<1x32x128xf32, #tpu.memory_space<vmem>>
      %gather3A_1090 = tpu.memref_squeeze %gather3A_1089 : memref<1x32x128xf32, #tpu.memory_space<vmem>> -> memref<32x128xf32, #tpu.memory_space<vmem>>
      %gather3A_1091 = tpu.vector_load_idx %gather3A_1090[%iota3A, %broadcast_in_dim3A_1066] : memref<32x128xf32, #tpu.memory_space<vmem>>[vector<16xi32>, vector<16xi32>], vector<16xf32>,
      %add3A_1092 = arith.constant 16 : i32
      %add3A_1093 = vector.broadcast %add3A_1092 : i32 to vector<16xi32>
      %add3A_1094 = arith.addi %iota3A, %add3A_1093 : vector<16xi32>
      %gather3A_1095 = arith.constant 0 : i32
      %gather3A_1096 = arith.constant 0 : i32
      %gather3A_1097 = tpu.memref_slice %arg8[%select_n3A_1056, %gather3A_1095, %gather3A_1096] : memref<16x32x128xf32, #tpu.memory_space<vmem>> -> memref<1x32x128xf32, #tpu.memory_space<vmem>>
      %gather3A_1098 = tpu.memref_squeeze %gather3A_1097 : memref<1x32x128xf32, #tpu.memory_space<vmem>> -> memref<32x128xf32, #tpu.memory_space<vmem>>
      %gather3A_1099 = tpu.vector_load_idx %gather3A_1098[%add3A_1094, %broadcast_in_dim3A_1066] : memref<32x128xf32, #tpu.memory_space<vmem>>[vector<16xi32>, vector<16xi32>], vector<16xf32>,
      %sub3A_1100 = arith.subf %gather3A_1068, %gather3A_1091 : vector<16xf32>
      %sub3A_1101 = arith.subf %gather3A_1072, %gather3A_1099 : vector<16xf32>
      %mul3A_1102 = arith.mulf %sub3A_1100, %sub3A_1100 : vector<16xf32>
      %add3A_1103 = arith.addf %add3A_1029, %mul3A_1102 : vector<16xf32>
      %mul3A_1104 = arith.mulf %sub3A_1101, %sub3A_1101 : vector<16xf32>
      %add3A_1105 = arith.addf %add3A_1103, %mul3A_1104 : vector<16xf32>
      %slice3A_1106 = vector.extract_strided_slice %get3A_289 {offsets = [6], sizes = [1], strides = [1]} : vector<16xi32> to vector<1xi32>
      %squeeze3A_1107 = vector.extract %slice3A_1106[0] : i32 from vector<1xi32>
      %add3A_1108 = arith.constant 12 : i32
      %add3A_1109 = arith.addi %add3A_1040, %add3A_1108 : i32
      %lt3A_1110 = arith.constant 512 : i32
      %lt3A_1111 = arith.cmpi slt, %add3A_1109, %lt3A_1110 : i32
      %convert_element_type3A_1112 = arith.extui %lt3A_1111 : i1 to i32
      %cond3A_1113 = arith.constant 0 : i32
      %cond3A_1114 = arith.cmpi ne, %convert_element_type3A_1112, %cond3A_1113 : i32
      scf.if %cond3A_1114 {
        %jit3A_1495 = arith.constant 16 : i32
        %eq3A_1496 = arith.constant 0 : i32
        %eq3A_1497 = arith.cmpi eq, %jit3A_1495, %eq3A_1496 : i32
        %jit3A_1498 = arith.constant 1 : i32
        %select_n3A_1499 = arith.select %eq3A_1497, %jit3A_1498, %jit3A_1495 : i32
        %rem3A_1500 = arith.remsi %add3A_1109, %select_n3A_1499 : i32
        %ne3A_1501 = arith.constant 0 : i32
        %ne3A_1502 = arith.cmpi ne, %rem3A_1500, %ne3A_1501 : i32
        %lt3A_1503 = arith.constant 0 : i32
        %lt3A_1504 = arith.cmpi slt, %rem3A_1500, %lt3A_1503 : i32
        %lt3A_1505 = arith.constant 0 : i32
        %lt3A_1506 = arith.cmpi slt, %select_n3A_1499, %lt3A_1505 : i32
        %ne3A_1507 = arith.xori %lt3A_1504, %lt3A_1506 : i1
        %and3A_1508 = arith.andi %ne3A_1507, %ne3A_1502 : i1
        %add3A_1509 = arith.addi %rem3A_1500, %select_n3A_1499 : i32
        %select_n3A_1510 = arith.select %and3A_1508, %add3A_1509, %rem3A_1500 : i32
        %shift_right_arithmetic3A_1511 = arith.constant 7 : i32
        %shift_right_arithmetic3A_1512 = arith.shrsi %squeeze3A_1107, %shift_right_arithmetic3A_1511 : i32
        %shift_left3A_1513 = arith.constant 7 : i32
        %shift_left3A_1514 = arith.shli %shift_right_arithmetic3A_1512, %shift_left3A_1513 : i32
        %min3A_1515 = arith.constant 999872 : i32
        %min3A_1516 = arith.minsi %shift_left3A_1514, %min3A_1515 : i32
        %multiple_of3A_1517 = tpu.assume_multiple %min3A_1516, 128 : i32
        %dma_start3A_1518 = arith.constant 0 : i32
        %dma_start3A_1519 = arith.constant 0 : i32
        %dma_start3A_1520 = tpu.memref_slice %arg8[%select_n3A_1510, %dma_start3A_1518, %dma_start3A_1519] : memref<16x32x128xf32, #tpu.memory_space<vmem>> -> memref<1x32x128xf32, #tpu.memory_space<vmem>>
        %dma_start3A_1521 = tpu.memref_squeeze %dma_start3A_1520 : memref<1x32x128xf32, #tpu.memory_space<vmem>> -> memref<32x128xf32, #tpu.memory_space<vmem>>
        %dma_start3A_1522 = arith.constant 0 : i32
        %dma_start3A_1523 = tpu.memref_slice %arg4[%dma_start3A_1522, %multiple_of3A_1517] : memref<32x1000000xf32, #tpu.memory_space<hbm>> -> memref<32x128xf32, #tpu.memory_space<hbm>>
        %dma_start3A_1524 = arith.constant 0 : i32
        %dma_start3A_1525 = arith.constant 0 : i32
        %dma_start3A_1526 = tpu.memref_slice %arg8[%select_n3A_1510, %dma_start3A_1524, %dma_start3A_1525] : memref<16x32x128xf32, #tpu.memory_space<vmem>> -> memref<1x32x128xf32, #tpu.memory_space<vmem>>
        %dma_start3A_1527 = tpu.memref_squeeze %dma_start3A_1526 : memref<1x32x128xf32, #tpu.memory_space<vmem>> -> memref<32x128xf32, #tpu.memory_space<vmem>>
        %dma_start3A_1528 = arith.constant 0 : i32
        %dma_start3A_1529 = tpu.memref_slice %arg4[%dma_start3A_1528, %multiple_of3A_1517] : memref<32x1000000xf32, #tpu.memory_space<hbm>> -> memref<32x128xf32, #tpu.memory_space<hbm>>
        tpu.enqueue_dma source(%dma_start3A_1529 : memref<32x128xf32, #tpu.memory_space<hbm>>) target(%dma_start3A_1527 : memref<32x128xf32, #tpu.memory_space<vmem>>) target_semaphore(%arg11 : memref<!tpu.dma_semaphore, #tpu.memory_space<semaphore_mem>>)
      } else {
      }
      %add3A_1115 = arith.constant 11 : i32
      %add3A_1116 = arith.addi %mul3A_281, %add3A_1115 : i32
      %jit3A_1117 = arith.constant 16 : i32
      %eq3A_1118 = arith.constant 0 : i32
      %eq3A_1119 = arith.cmpi eq, %jit3A_1117, %eq3A_1118 : i32
      %jit3A_1120 = arith.constant 1 : i32
      %select_n3A_1121 = arith.select %eq3A_1119, %jit3A_1120, %jit3A_1117 : i32
      %rem3A_1122 = arith.remsi %add3A_1116, %select_n3A_1121 : i32
      %ne3A_1123 = arith.constant 0 : i32
      %ne3A_1124 = arith.cmpi ne, %rem3A_1122, %ne3A_1123 : i32
      %lt3A_1125 = arith.constant 0 : i32
      %lt3A_1126 = arith.cmpi slt, %rem3A_1122, %lt3A_1125 : i32
      %lt3A_1127 = arith.constant 0 : i32
      %lt3A_1128 = arith.cmpi slt, %select_n3A_1121, %lt3A_1127 : i32
      %ne3A_1129 = arith.xori %lt3A_1126, %lt3A_1128 : i1
      %and3A_1130 = arith.andi %ne3A_1129, %ne3A_1124 : i1
      %add3A_1131 = arith.addi %rem3A_1122, %select_n3A_1121 : i32
      %select_n3A_1132 = arith.select %and3A_1130, %add3A_1131, %rem3A_1122 : i32
      %slice3A_1133 = vector.extract_strided_slice %get3A_283 {offsets = [11], sizes = [1], strides = [1]} : vector<16xi32> to vector<1xi32>
      %squeeze3A_1134 = vector.extract %slice3A_1133[0] : i32 from vector<1xi32>
      %shift_right_arithmetic3A_1135 = arith.constant 7 : i32
      %shift_right_arithmetic3A_1136 = arith.shrsi %squeeze3A_1134, %shift_right_arithmetic3A_1135 : i32
      %shift_left3A_1137 = arith.constant 7 : i32
      %shift_left3A_1138 = arith.shli %shift_right_arithmetic3A_1136, %shift_left3A_1137 : i32
      %min3A_1139 = arith.constant 999872 : i32
      %min3A_1140 = arith.minsi %shift_left3A_1138, %min3A_1139 : i32
      %sub3A_1141 = arith.subi %squeeze3A_1134, %min3A_1140 : i32
      %broadcast_in_dim3A_1142 = vector.broadcast %sub3A_1141 : i32 to vector<16xi32>
      %broadcast_in_dim3A_1143 = vector.broadcast %add3A_1116 : i32 to vector<16xi32>
      %gather3A_1144 = tpu.vector_load_idx %arg7[%iota3A, %broadcast_in_dim3A_1143] : memref<32x512xf32, #tpu.memory_space<vmem>>[vector<16xi32>, vector<16xi32>], vector<16xf32>,
      %add3A_1145 = arith.constant 16 : i32
      %add3A_1146 = vector.broadcast %add3A_1145 : i32 to vector<16xi32>
      %add3A_1147 = arith.addi %iota3A, %add3A_1146 : vector<16xi32>
      %gather3A_1148 = tpu.vector_load_idx %arg7[%add3A_1147, %broadcast_in_dim3A_1143] : memref<32x512xf32, #tpu.memory_space<vmem>>[vector<16xi32>, vector<16xi32>], vector<16xf32>,
      %dma_wait3A_1149 = arith.constant 0 : i32
      %dma_wait3A_1150 = arith.constant 0 : i32
      %dma_wait3A_1151 = tpu.memref_slice %arg8[%select_n3A_1132, %dma_wait3A_1149, %dma_wait3A_1150] : memref<16x32x128xf32, #tpu.memory_space<vmem>> -> memref<1x32x128xf32, #tpu.memory_space<vmem>>
      %dma_wait3A_1152 = tpu.memref_squeeze %dma_wait3A_1151 : memref<1x32x128xf32, #tpu.memory_space<vmem>> -> memref<32x128xf32, #tpu.memory_space<vmem>>
      %dma_wait3A_1153 = arith.constant 0 : i32
      %dma_wait3A_1154 = arith.constant 0 : i32
      %dma_wait3A_1155 = tpu.memref_slice %arg4[%dma_wait3A_1153, %dma_wait3A_1154] : memref<32x1000000xf32, #tpu.memory_space<hbm>> -> memref<32x128xf32, #tpu.memory_space<hbm>>
      %dma_wait3A_1156 = arith.constant 0 : i32
      %dma_wait3A_1157 = arith.constant 0 : i32
      %dma_wait3A_1158 = tpu.memref_slice %arg8[%select_n3A_1132, %dma_wait3A_1156, %dma_wait3A_1157] : memref<16x32x128xf32, #tpu.memory_space<vmem>> -> memref<1x32x128xf32, #tpu.memory_space<vmem>>
      %dma_wait3A_1159 = tpu.memref_squeeze %dma_wait3A_1158 : memref<1x32x128xf32, #tpu.memory_space<vmem>> -> memref<32x128xf32, #tpu.memory_space<vmem>>
      %dma_wait3A_1160 = arith.constant 0 : i32
      %dma_wait3A_1161 = arith.constant 0 : i32
      %dma_wait3A_1162 = tpu.memref_slice %arg4[%dma_wait3A_1160, %dma_wait3A_1161] : memref<32x1000000xf32, #tpu.memory_space<hbm>> -> memref<32x128xf32, #tpu.memory_space<hbm>>
      tpu.wait_dma2 semaphore(%arg11 : memref<!tpu.dma_semaphore, #tpu.memory_space<semaphore_mem>>) src(%dma_wait3A_1162 : memref<32x128xf32, #tpu.memory_space<hbm>>) dst(%dma_wait3A_1159 : memref<32x128xf32, #tpu.memory_space<vmem>>)
      %gather3A_1163 = arith.constant 0 : i32
      %gather3A_1164 = arith.constant 0 : i32
      %gather3A_1165 = tpu.memref_slice %arg8[%select_n3A_1132, %gather3A_1163, %gather3A_1164] : memref<16x32x128xf32, #tpu.memory_space<vmem>> -> memref<1x32x128xf32, #tpu.memory_space<vmem>>
      %gather3A_1166 = tpu.memref_squeeze %gather3A_1165 : memref<1x32x128xf32, #tpu.memory_space<vmem>> -> memref<32x128xf32, #tpu.memory_space<vmem>>
      %gather3A_1167 = tpu.vector_load_idx %gather3A_1166[%iota3A, %broadcast_in_dim3A_1142] : memref<32x128xf32, #tpu.memory_space<vmem>>[vector<16xi32>, vector<16xi32>], vector<16xf32>,
      %add3A_1168 = arith.constant 16 : i32
      %add3A_1169 = vector.broadcast %add3A_1168 : i32 to vector<16xi32>
      %add3A_1170 = arith.addi %iota3A, %add3A_1169 : vector<16xi32>
      %gather3A_1171 = arith.constant 0 : i32
      %gather3A_1172 = arith.constant 0 : i32
      %gather3A_1173 = tpu.memref_slice %arg8[%select_n3A_1132, %gather3A_1171, %gather3A_1172] : memref<16x32x128xf32, #tpu.memory_space<vmem>> -> memref<1x32x128xf32, #tpu.memory_space<vmem>>
      %gather3A_1174 = tpu.memref_squeeze %gather3A_1173 : memref<1x32x128xf32, #tpu.memory_space<vmem>> -> memref<32x128xf32, #tpu.memory_space<vmem>>
      %gather3A_1175 = tpu.vector_load_idx %gather3A_1174[%add3A_1170, %broadcast_in_dim3A_1142] : memref<32x128xf32, #tpu.memory_space<vmem>>[vector<16xi32>, vector<16xi32>], vector<16xf32>,
      %sub3A_1176 = arith.subf %gather3A_1144, %gather3A_1167 : vector<16xf32>
      %sub3A_1177 = arith.subf %gather3A_1148, %gather3A_1175 : vector<16xf32>
      %mul3A_1178 = arith.mulf %sub3A_1176, %sub3A_1176 : vector<16xf32>
      %add3A_1179 = arith.addf %add3A_1105, %mul3A_1178 : vector<16xf32>
      %mul3A_1180 = arith.mulf %sub3A_1177, %sub3A_1177 : vector<16xf32>
      %add3A_1181 = arith.addf %add3A_1179, %mul3A_1180 : vector<16xf32>
      %slice3A_1182 = vector.extract_strided_slice %get3A_289 {offsets = [7], sizes = [1], strides = [1]} : vector<16xi32> to vector<1xi32>
      %squeeze3A_1183 = vector.extract %slice3A_1182[0] : i32 from vector<1xi32>
      %add3A_1184 = arith.constant 12 : i32
      %add3A_1185 = arith.addi %add3A_1116, %add3A_1184 : i32
      %lt3A_1186 = arith.constant 512 : i32
      %lt3A_1187 = arith.cmpi slt, %add3A_1185, %lt3A_1186 : i32
      %convert_element_type3A_1188 = arith.extui %lt3A_1187 : i1 to i32
      %cond3A_1189 = arith.constant 0 : i32
      %cond3A_1190 = arith.cmpi ne, %convert_element_type3A_1188, %cond3A_1189 : i32
      scf.if %cond3A_1190 {
        %jit3A_1495 = arith.constant 16 : i32
        %eq3A_1496 = arith.constant 0 : i32
        %eq3A_1497 = arith.cmpi eq, %jit3A_1495, %eq3A_1496 : i32
        %jit3A_1498 = arith.constant 1 : i32
        %select_n3A_1499 = arith.select %eq3A_1497, %jit3A_1498, %jit3A_1495 : i32
        %rem3A_1500 = arith.remsi %add3A_1185, %select_n3A_1499 : i32
        %ne3A_1501 = arith.constant 0 : i32
        %ne3A_1502 = arith.cmpi ne, %rem3A_1500, %ne3A_1501 : i32
        %lt3A_1503 = arith.constant 0 : i32
        %lt3A_1504 = arith.cmpi slt, %rem3A_1500, %lt3A_1503 : i32
        %lt3A_1505 = arith.constant 0 : i32
        %lt3A_1506 = arith.cmpi slt, %select_n3A_1499, %lt3A_1505 : i32
        %ne3A_1507 = arith.xori %lt3A_1504, %lt3A_1506 : i1
        %and3A_1508 = arith.andi %ne3A_1507, %ne3A_1502 : i1
        %add3A_1509 = arith.addi %rem3A_1500, %select_n3A_1499 : i32
        %select_n3A_1510 = arith.select %and3A_1508, %add3A_1509, %rem3A_1500 : i32
        %shift_right_arithmetic3A_1511 = arith.constant 7 : i32
        %shift_right_arithmetic3A_1512 = arith.shrsi %squeeze3A_1183, %shift_right_arithmetic3A_1511 : i32
        %shift_left3A_1513 = arith.constant 7 : i32
        %shift_left3A_1514 = arith.shli %shift_right_arithmetic3A_1512, %shift_left3A_1513 : i32
        %min3A_1515 = arith.constant 999872 : i32
        %min3A_1516 = arith.minsi %shift_left3A_1514, %min3A_1515 : i32
        %multiple_of3A_1517 = tpu.assume_multiple %min3A_1516, 128 : i32
        %dma_start3A_1518 = arith.constant 0 : i32
        %dma_start3A_1519 = arith.constant 0 : i32
        %dma_start3A_1520 = tpu.memref_slice %arg8[%select_n3A_1510, %dma_start3A_1518, %dma_start3A_1519] : memref<16x32x128xf32, #tpu.memory_space<vmem>> -> memref<1x32x128xf32, #tpu.memory_space<vmem>>
        %dma_start3A_1521 = tpu.memref_squeeze %dma_start3A_1520 : memref<1x32x128xf32, #tpu.memory_space<vmem>> -> memref<32x128xf32, #tpu.memory_space<vmem>>
        %dma_start3A_1522 = arith.constant 0 : i32
        %dma_start3A_1523 = tpu.memref_slice %arg4[%dma_start3A_1522, %multiple_of3A_1517] : memref<32x1000000xf32, #tpu.memory_space<hbm>> -> memref<32x128xf32, #tpu.memory_space<hbm>>
        %dma_start3A_1524 = arith.constant 0 : i32
        %dma_start3A_1525 = arith.constant 0 : i32
        %dma_start3A_1526 = tpu.memref_slice %arg8[%select_n3A_1510, %dma_start3A_1524, %dma_start3A_1525] : memref<16x32x128xf32, #tpu.memory_space<vmem>> -> memref<1x32x128xf32, #tpu.memory_space<vmem>>
        %dma_start3A_1527 = tpu.memref_squeeze %dma_start3A_1526 : memref<1x32x128xf32, #tpu.memory_space<vmem>> -> memref<32x128xf32, #tpu.memory_space<vmem>>
        %dma_start3A_1528 = arith.constant 0 : i32
        %dma_start3A_1529 = tpu.memref_slice %arg4[%dma_start3A_1528, %multiple_of3A_1517] : memref<32x1000000xf32, #tpu.memory_space<hbm>> -> memref<32x128xf32, #tpu.memory_space<hbm>>
        tpu.enqueue_dma source(%dma_start3A_1529 : memref<32x128xf32, #tpu.memory_space<hbm>>) target(%dma_start3A_1527 : memref<32x128xf32, #tpu.memory_space<vmem>>) target_semaphore(%arg11 : memref<!tpu.dma_semaphore, #tpu.memory_space<semaphore_mem>>)
      } else {
      }
      %add3A_1191 = arith.constant 12 : i32
      %add3A_1192 = arith.addi %mul3A_281, %add3A_1191 : i32
      %jit3A_1193 = arith.constant 16 : i32
      %eq3A_1194 = arith.constant 0 : i32
      %eq3A_1195 = arith.cmpi eq, %jit3A_1193, %eq3A_1194 : i32
      %jit3A_1196 = arith.constant 1 : i32
      %select_n3A_1197 = arith.select %eq3A_1195, %jit3A_1196, %jit3A_1193 : i32
      %rem3A_1198 = arith.remsi %add3A_1192, %select_n3A_1197 : i32
      %ne3A_1199 = arith.constant 0 : i32
      %ne3A_1200 = arith.cmpi ne, %rem3A_1198, %ne3A_1199 : i32
      %lt3A_1201 = arith.constant 0 : i32
      %lt3A_1202 = arith.cmpi slt, %rem3A_1198, %lt3A_1201 : i32
      %lt3A_1203 = arith.constant 0 : i32
      %lt3A_1204 = arith.cmpi slt, %select_n3A_1197, %lt3A_1203 : i32
      %ne3A_1205 = arith.xori %lt3A_1202, %lt3A_1204 : i1
      %and3A_1206 = arith.andi %ne3A_1205, %ne3A_1200 : i1
      %add3A_1207 = arith.addi %rem3A_1198, %select_n3A_1197 : i32
      %select_n3A_1208 = arith.select %and3A_1206, %add3A_1207, %rem3A_1198 : i32
      %slice3A_1209 = vector.extract_strided_slice %get3A_283 {offsets = [12], sizes = [1], strides = [1]} : vector<16xi32> to vector<1xi32>
      %squeeze3A_1210 = vector.extract %slice3A_1209[0] : i32 from vector<1xi32>
      %shift_right_arithmetic3A_1211 = arith.constant 7 : i32
      %shift_right_arithmetic3A_1212 = arith.shrsi %squeeze3A_1210, %shift_right_arithmetic3A_1211 : i32
      %shift_left3A_1213 = arith.constant 7 : i32
      %shift_left3A_1214 = arith.shli %shift_right_arithmetic3A_1212, %shift_left3A_1213 : i32
      %min3A_1215 = arith.constant 999872 : i32
      %min3A_1216 = arith.minsi %shift_left3A_1214, %min3A_1215 : i32
      %sub3A_1217 = arith.subi %squeeze3A_1210, %min3A_1216 : i32
      %broadcast_in_dim3A_1218 = vector.broadcast %sub3A_1217 : i32 to vector<16xi32>
      %broadcast_in_dim3A_1219 = vector.broadcast %add3A_1192 : i32 to vector<16xi32>
      %gather3A_1220 = tpu.vector_load_idx %arg7[%iota3A, %broadcast_in_dim3A_1219] : memref<32x512xf32, #tpu.memory_space<vmem>>[vector<16xi32>, vector<16xi32>], vector<16xf32>,
      %add3A_1221 = arith.constant 16 : i32
      %add3A_1222 = vector.broadcast %add3A_1221 : i32 to vector<16xi32>
      %add3A_1223 = arith.addi %iota3A, %add3A_1222 : vector<16xi32>
      %gather3A_1224 = tpu.vector_load_idx %arg7[%add3A_1223, %broadcast_in_dim3A_1219] : memref<32x512xf32, #tpu.memory_space<vmem>>[vector<16xi32>, vector<16xi32>], vector<16xf32>,
      %dma_wait3A_1225 = arith.constant 0 : i32
      %dma_wait3A_1226 = arith.constant 0 : i32
      %dma_wait3A_1227 = tpu.memref_slice %arg8[%select_n3A_1208, %dma_wait3A_1225, %dma_wait3A_1226] : memref<16x32x128xf32, #tpu.memory_space<vmem>> -> memref<1x32x128xf32, #tpu.memory_space<vmem>>
      %dma_wait3A_1228 = tpu.memref_squeeze %dma_wait3A_1227 : memref<1x32x128xf32, #tpu.memory_space<vmem>> -> memref<32x128xf32, #tpu.memory_space<vmem>>
      %dma_wait3A_1229 = arith.constant 0 : i32
      %dma_wait3A_1230 = arith.constant 0 : i32
      %dma_wait3A_1231 = tpu.memref_slice %arg4[%dma_wait3A_1229, %dma_wait3A_1230] : memref<32x1000000xf32, #tpu.memory_space<hbm>> -> memref<32x128xf32, #tpu.memory_space<hbm>>
      %dma_wait3A_1232 = arith.constant 0 : i32
      %dma_wait3A_1233 = arith.constant 0 : i32
      %dma_wait3A_1234 = tpu.memref_slice %arg8[%select_n3A_1208, %dma_wait3A_1232, %dma_wait3A_1233] : memref<16x32x128xf32, #tpu.memory_space<vmem>> -> memref<1x32x128xf32, #tpu.memory_space<vmem>>
      %dma_wait3A_1235 = tpu.memref_squeeze %dma_wait3A_1234 : memref<1x32x128xf32, #tpu.memory_space<vmem>> -> memref<32x128xf32, #tpu.memory_space<vmem>>
      %dma_wait3A_1236 = arith.constant 0 : i32
      %dma_wait3A_1237 = arith.constant 0 : i32
      %dma_wait3A_1238 = tpu.memref_slice %arg4[%dma_wait3A_1236, %dma_wait3A_1237] : memref<32x1000000xf32, #tpu.memory_space<hbm>> -> memref<32x128xf32, #tpu.memory_space<hbm>>
      tpu.wait_dma2 semaphore(%arg11 : memref<!tpu.dma_semaphore, #tpu.memory_space<semaphore_mem>>) src(%dma_wait3A_1238 : memref<32x128xf32, #tpu.memory_space<hbm>>) dst(%dma_wait3A_1235 : memref<32x128xf32, #tpu.memory_space<vmem>>)
      %gather3A_1239 = arith.constant 0 : i32
      %gather3A_1240 = arith.constant 0 : i32
      %gather3A_1241 = tpu.memref_slice %arg8[%select_n3A_1208, %gather3A_1239, %gather3A_1240] : memref<16x32x128xf32, #tpu.memory_space<vmem>> -> memref<1x32x128xf32, #tpu.memory_space<vmem>>
      %gather3A_1242 = tpu.memref_squeeze %gather3A_1241 : memref<1x32x128xf32, #tpu.memory_space<vmem>> -> memref<32x128xf32, #tpu.memory_space<vmem>>
      %gather3A_1243 = tpu.vector_load_idx %gather3A_1242[%iota3A, %broadcast_in_dim3A_1218] : memref<32x128xf32, #tpu.memory_space<vmem>>[vector<16xi32>, vector<16xi32>], vector<16xf32>,
      %add3A_1244 = arith.constant 16 : i32
      %add3A_1245 = vector.broadcast %add3A_1244 : i32 to vector<16xi32>
      %add3A_1246 = arith.addi %iota3A, %add3A_1245 : vector<16xi32>
      %gather3A_1247 = arith.constant 0 : i32
      %gather3A_1248 = arith.constant 0 : i32
      %gather3A_1249 = tpu.memref_slice %arg8[%select_n3A_1208, %gather3A_1247, %gather3A_1248] : memref<16x32x128xf32, #tpu.memory_space<vmem>> -> memref<1x32x128xf32, #tpu.memory_space<vmem>>
      %gather3A_1250 = tpu.memref_squeeze %gather3A_1249 : memref<1x32x128xf32, #tpu.memory_space<vmem>> -> memref<32x128xf32, #tpu.memory_space<vmem>>
      %gather3A_1251 = tpu.vector_load_idx %gather3A_1250[%add3A_1246, %broadcast_in_dim3A_1218] : memref<32x128xf32, #tpu.memory_space<vmem>>[vector<16xi32>, vector<16xi32>], vector<16xf32>,
      %sub3A_1252 = arith.subf %gather3A_1220, %gather3A_1243 : vector<16xf32>
      %sub3A_1253 = arith.subf %gather3A_1224, %gather3A_1251 : vector<16xf32>
      %mul3A_1254 = arith.mulf %sub3A_1252, %sub3A_1252 : vector<16xf32>
      %add3A_1255 = arith.addf %add3A_1181, %mul3A_1254 : vector<16xf32>
      %mul3A_1256 = arith.mulf %sub3A_1253, %sub3A_1253 : vector<16xf32>
      %add3A_1257 = arith.addf %add3A_1255, %mul3A_1256 : vector<16xf32>
      %slice3A_1258 = vector.extract_strided_slice %get3A_289 {offsets = [8], sizes = [1], strides = [1]} : vector<16xi32> to vector<1xi32>
      %squeeze3A_1259 = vector.extract %slice3A_1258[0] : i32 from vector<1xi32>
      %add3A_1260 = arith.constant 12 : i32
      %add3A_1261 = arith.addi %add3A_1192, %add3A_1260 : i32
      %lt3A_1262 = arith.constant 512 : i32
      %lt3A_1263 = arith.cmpi slt, %add3A_1261, %lt3A_1262 : i32
      %convert_element_type3A_1264 = arith.extui %lt3A_1263 : i1 to i32
      %cond3A_1265 = arith.constant 0 : i32
      %cond3A_1266 = arith.cmpi ne, %convert_element_type3A_1264, %cond3A_1265 : i32
      scf.if %cond3A_1266 {
        %jit3A_1495 = arith.constant 16 : i32
        %eq3A_1496 = arith.constant 0 : i32
        %eq3A_1497 = arith.cmpi eq, %jit3A_1495, %eq3A_1496 : i32
        %jit3A_1498 = arith.constant 1 : i32
        %select_n3A_1499 = arith.select %eq3A_1497, %jit3A_1498, %jit3A_1495 : i32
        %rem3A_1500 = arith.remsi %add3A_1261, %select_n3A_1499 : i32
        %ne3A_1501 = arith.constant 0 : i32
        %ne3A_1502 = arith.cmpi ne, %rem3A_1500, %ne3A_1501 : i32
        %lt3A_1503 = arith.constant 0 : i32
        %lt3A_1504 = arith.cmpi slt, %rem3A_1500, %lt3A_1503 : i32
        %lt3A_1505 = arith.constant 0 : i32
        %lt3A_1506 = arith.cmpi slt, %select_n3A_1499, %lt3A_1505 : i32
        %ne3A_1507 = arith.xori %lt3A_1504, %lt3A_1506 : i1
        %and3A_1508 = arith.andi %ne3A_1507, %ne3A_1502 : i1
        %add3A_1509 = arith.addi %rem3A_1500, %select_n3A_1499 : i32
        %select_n3A_1510 = arith.select %and3A_1508, %add3A_1509, %rem3A_1500 : i32
        %shift_right_arithmetic3A_1511 = arith.constant 7 : i32
        %shift_right_arithmetic3A_1512 = arith.shrsi %squeeze3A_1259, %shift_right_arithmetic3A_1511 : i32
        %shift_left3A_1513 = arith.constant 7 : i32
        %shift_left3A_1514 = arith.shli %shift_right_arithmetic3A_1512, %shift_left3A_1513 : i32
        %min3A_1515 = arith.constant 999872 : i32
        %min3A_1516 = arith.minsi %shift_left3A_1514, %min3A_1515 : i32
        %multiple_of3A_1517 = tpu.assume_multiple %min3A_1516, 128 : i32
        %dma_start3A_1518 = arith.constant 0 : i32
        %dma_start3A_1519 = arith.constant 0 : i32
        %dma_start3A_1520 = tpu.memref_slice %arg8[%select_n3A_1510, %dma_start3A_1518, %dma_start3A_1519] : memref<16x32x128xf32, #tpu.memory_space<vmem>> -> memref<1x32x128xf32, #tpu.memory_space<vmem>>
        %dma_start3A_1521 = tpu.memref_squeeze %dma_start3A_1520 : memref<1x32x128xf32, #tpu.memory_space<vmem>> -> memref<32x128xf32, #tpu.memory_space<vmem>>
        %dma_start3A_1522 = arith.constant 0 : i32
        %dma_start3A_1523 = tpu.memref_slice %arg4[%dma_start3A_1522, %multiple_of3A_1517] : memref<32x1000000xf32, #tpu.memory_space<hbm>> -> memref<32x128xf32, #tpu.memory_space<hbm>>
        %dma_start3A_1524 = arith.constant 0 : i32
        %dma_start3A_1525 = arith.constant 0 : i32
        %dma_start3A_1526 = tpu.memref_slice %arg8[%select_n3A_1510, %dma_start3A_1524, %dma_start3A_1525] : memref<16x32x128xf32, #tpu.memory_space<vmem>> -> memref<1x32x128xf32, #tpu.memory_space<vmem>>
        %dma_start3A_1527 = tpu.memref_squeeze %dma_start3A_1526 : memref<1x32x128xf32, #tpu.memory_space<vmem>> -> memref<32x128xf32, #tpu.memory_space<vmem>>
        %dma_start3A_1528 = arith.constant 0 : i32
        %dma_start3A_1529 = tpu.memref_slice %arg4[%dma_start3A_1528, %multiple_of3A_1517] : memref<32x1000000xf32, #tpu.memory_space<hbm>> -> memref<32x128xf32, #tpu.memory_space<hbm>>
        tpu.enqueue_dma source(%dma_start3A_1529 : memref<32x128xf32, #tpu.memory_space<hbm>>) target(%dma_start3A_1527 : memref<32x128xf32, #tpu.memory_space<vmem>>) target_semaphore(%arg11 : memref<!tpu.dma_semaphore, #tpu.memory_space<semaphore_mem>>)
      } else {
      }
      %add3A_1267 = arith.constant 13 : i32
      %add3A_1268 = arith.addi %mul3A_281, %add3A_1267 : i32
      %jit3A_1269 = arith.constant 16 : i32
      %eq3A_1270 = arith.constant 0 : i32
      %eq3A_1271 = arith.cmpi eq, %jit3A_1269, %eq3A_1270 : i32
      %jit3A_1272 = arith.constant 1 : i32
      %select_n3A_1273 = arith.select %eq3A_1271, %jit3A_1272, %jit3A_1269 : i32
      %rem3A_1274 = arith.remsi %add3A_1268, %select_n3A_1273 : i32
      %ne3A_1275 = arith.constant 0 : i32
      %ne3A_1276 = arith.cmpi ne, %rem3A_1274, %ne3A_1275 : i32
      %lt3A_1277 = arith.constant 0 : i32
      %lt3A_1278 = arith.cmpi slt, %rem3A_1274, %lt3A_1277 : i32
      %lt3A_1279 = arith.constant 0 : i32
      %lt3A_1280 = arith.cmpi slt, %select_n3A_1273, %lt3A_1279 : i32
      %ne3A_1281 = arith.xori %lt3A_1278, %lt3A_1280 : i1
      %and3A_1282 = arith.andi %ne3A_1281, %ne3A_1276 : i1
      %add3A_1283 = arith.addi %rem3A_1274, %select_n3A_1273 : i32
      %select_n3A_1284 = arith.select %and3A_1282, %add3A_1283, %rem3A_1274 : i32
      %slice3A_1285 = vector.extract_strided_slice %get3A_283 {offsets = [13], sizes = [1], strides = [1]} : vector<16xi32> to vector<1xi32>
      %squeeze3A_1286 = vector.extract %slice3A_1285[0] : i32 from vector<1xi32>
      %shift_right_arithmetic3A_1287 = arith.constant 7 : i32
      %shift_right_arithmetic3A_1288 = arith.shrsi %squeeze3A_1286, %shift_right_arithmetic3A_1287 : i32
      %shift_left3A_1289 = arith.constant 7 : i32
      %shift_left3A_1290 = arith.shli %shift_right_arithmetic3A_1288, %shift_left3A_1289 : i32
      %min3A_1291 = arith.constant 999872 : i32
      %min3A_1292 = arith.minsi %shift_left3A_1290, %min3A_1291 : i32
      %sub3A_1293 = arith.subi %squeeze3A_1286, %min3A_1292 : i32
      %broadcast_in_dim3A_1294 = vector.broadcast %sub3A_1293 : i32 to vector<16xi32>
      %broadcast_in_dim3A_1295 = vector.broadcast %add3A_1268 : i32 to vector<16xi32>
      %gather3A_1296 = tpu.vector_load_idx %arg7[%iota3A, %broadcast_in_dim3A_1295] : memref<32x512xf32, #tpu.memory_space<vmem>>[vector<16xi32>, vector<16xi32>], vector<16xf32>,
      %add3A_1297 = arith.constant 16 : i32
      %add3A_1298 = vector.broadcast %add3A_1297 : i32 to vector<16xi32>
      %add3A_1299 = arith.addi %iota3A, %add3A_1298 : vector<16xi32>
      %gather3A_1300 = tpu.vector_load_idx %arg7[%add3A_1299, %broadcast_in_dim3A_1295] : memref<32x512xf32, #tpu.memory_space<vmem>>[vector<16xi32>, vector<16xi32>], vector<16xf32>,
      %dma_wait3A_1301 = arith.constant 0 : i32
      %dma_wait3A_1302 = arith.constant 0 : i32
      %dma_wait3A_1303 = tpu.memref_slice %arg8[%select_n3A_1284, %dma_wait3A_1301, %dma_wait3A_1302] : memref<16x32x128xf32, #tpu.memory_space<vmem>> -> memref<1x32x128xf32, #tpu.memory_space<vmem>>
      %dma_wait3A_1304 = tpu.memref_squeeze %dma_wait3A_1303 : memref<1x32x128xf32, #tpu.memory_space<vmem>> -> memref<32x128xf32, #tpu.memory_space<vmem>>
      %dma_wait3A_1305 = arith.constant 0 : i32
      %dma_wait3A_1306 = arith.constant 0 : i32
      %dma_wait3A_1307 = tpu.memref_slice %arg4[%dma_wait3A_1305, %dma_wait3A_1306] : memref<32x1000000xf32, #tpu.memory_space<hbm>> -> memref<32x128xf32, #tpu.memory_space<hbm>>
      %dma_wait3A_1308 = arith.constant 0 : i32
      %dma_wait3A_1309 = arith.constant 0 : i32
      %dma_wait3A_1310 = tpu.memref_slice %arg8[%select_n3A_1284, %dma_wait3A_1308, %dma_wait3A_1309] : memref<16x32x128xf32, #tpu.memory_space<vmem>> -> memref<1x32x128xf32, #tpu.memory_space<vmem>>
      %dma_wait3A_1311 = tpu.memref_squeeze %dma_wait3A_1310 : memref<1x32x128xf32, #tpu.memory_space<vmem>> -> memref<32x128xf32, #tpu.memory_space<vmem>>
      %dma_wait3A_1312 = arith.constant 0 : i32
      %dma_wait3A_1313 = arith.constant 0 : i32
      %dma_wait3A_1314 = tpu.memref_slice %arg4[%dma_wait3A_1312, %dma_wait3A_1313] : memref<32x1000000xf32, #tpu.memory_space<hbm>> -> memref<32x128xf32, #tpu.memory_space<hbm>>
      tpu.wait_dma2 semaphore(%arg11 : memref<!tpu.dma_semaphore, #tpu.memory_space<semaphore_mem>>) src(%dma_wait3A_1314 : memref<32x128xf32, #tpu.memory_space<hbm>>) dst(%dma_wait3A_1311 : memref<32x128xf32, #tpu.memory_space<vmem>>)
      %gather3A_1315 = arith.constant 0 : i32
      %gather3A_1316 = arith.constant 0 : i32
      %gather3A_1317 = tpu.memref_slice %arg8[%select_n3A_1284, %gather3A_1315, %gather3A_1316] : memref<16x32x128xf32, #tpu.memory_space<vmem>> -> memref<1x32x128xf32, #tpu.memory_space<vmem>>
      %gather3A_1318 = tpu.memref_squeeze %gather3A_1317 : memref<1x32x128xf32, #tpu.memory_space<vmem>> -> memref<32x128xf32, #tpu.memory_space<vmem>>
      %gather3A_1319 = tpu.vector_load_idx %gather3A_1318[%iota3A, %broadcast_in_dim3A_1294] : memref<32x128xf32, #tpu.memory_space<vmem>>[vector<16xi32>, vector<16xi32>], vector<16xf32>,
      %add3A_1320 = arith.constant 16 : i32
      %add3A_1321 = vector.broadcast %add3A_1320 : i32 to vector<16xi32>
      %add3A_1322 = arith.addi %iota3A, %add3A_1321 : vector<16xi32>
      %gather3A_1323 = arith.constant 0 : i32
      %gather3A_1324 = arith.constant 0 : i32
      %gather3A_1325 = tpu.memref_slice %arg8[%select_n3A_1284, %gather3A_1323, %gather3A_1324] : memref<16x32x128xf32, #tpu.memory_space<vmem>> -> memref<1x32x128xf32, #tpu.memory_space<vmem>>
      %gather3A_1326 = tpu.memref_squeeze %gather3A_1325 : memref<1x32x128xf32, #tpu.memory_space<vmem>> -> memref<32x128xf32, #tpu.memory_space<vmem>>
      %gather3A_1327 = tpu.vector_load_idx %gather3A_1326[%add3A_1322, %broadcast_in_dim3A_1294] : memref<32x128xf32, #tpu.memory_space<vmem>>[vector<16xi32>, vector<16xi32>], vector<16xf32>,
      %sub3A_1328 = arith.subf %gather3A_1296, %gather3A_1319 : vector<16xf32>
      %sub3A_1329 = arith.subf %gather3A_1300, %gather3A_1327 : vector<16xf32>
      %mul3A_1330 = arith.mulf %sub3A_1328, %sub3A_1328 : vector<16xf32>
      %add3A_1331 = arith.addf %add3A_1257, %mul3A_1330 : vector<16xf32>
      %mul3A_1332 = arith.mulf %sub3A_1329, %sub3A_1329 : vector<16xf32>
      %add3A_1333 = arith.addf %add3A_1331, %mul3A_1332 : vector<16xf32>
      %slice3A_1334 = vector.extract_strided_slice %get3A_289 {offsets = [9], sizes = [1], strides = [1]} : vector<16xi32> to vector<1xi32>
      %squeeze3A_1335 = vector.extract %slice3A_1334[0] : i32 from vector<1xi32>
      %add3A_1336 = arith.constant 12 : i32
      %add3A_1337 = arith.addi %add3A_1268, %add3A_1336 : i32
      %lt3A_1338 = arith.constant 512 : i32
      %lt3A_1339 = arith.cmpi slt, %add3A_1337, %lt3A_1338 : i32
      %convert_element_type3A_1340 = arith.extui %lt3A_1339 : i1 to i32
      %cond3A_1341 = arith.constant 0 : i32
      %cond3A_1342 = arith.cmpi ne, %convert_element_type3A_1340, %cond3A_1341 : i32
      scf.if %cond3A_1342 {
        %jit3A_1495 = arith.constant 16 : i32
        %eq3A_1496 = arith.constant 0 : i32
        %eq3A_1497 = arith.cmpi eq, %jit3A_1495, %eq3A_1496 : i32
        %jit3A_1498 = arith.constant 1 : i32
        %select_n3A_1499 = arith.select %eq3A_1497, %jit3A_1498, %jit3A_1495 : i32
        %rem3A_1500 = arith.remsi %add3A_1337, %select_n3A_1499 : i32
        %ne3A_1501 = arith.constant 0 : i32
        %ne3A_1502 = arith.cmpi ne, %rem3A_1500, %ne3A_1501 : i32
        %lt3A_1503 = arith.constant 0 : i32
        %lt3A_1504 = arith.cmpi slt, %rem3A_1500, %lt3A_1503 : i32
        %lt3A_1505 = arith.constant 0 : i32
        %lt3A_1506 = arith.cmpi slt, %select_n3A_1499, %lt3A_1505 : i32
        %ne3A_1507 = arith.xori %lt3A_1504, %lt3A_1506 : i1
        %and3A_1508 = arith.andi %ne3A_1507, %ne3A_1502 : i1
        %add3A_1509 = arith.addi %rem3A_1500, %select_n3A_1499 : i32
        %select_n3A_1510 = arith.select %and3A_1508, %add3A_1509, %rem3A_1500 : i32
        %shift_right_arithmetic3A_1511 = arith.constant 7 : i32
        %shift_right_arithmetic3A_1512 = arith.shrsi %squeeze3A_1335, %shift_right_arithmetic3A_1511 : i32
        %shift_left3A_1513 = arith.constant 7 : i32
        %shift_left3A_1514 = arith.shli %shift_right_arithmetic3A_1512, %shift_left3A_1513 : i32
        %min3A_1515 = arith.constant 999872 : i32
        %min3A_1516 = arith.minsi %shift_left3A_1514, %min3A_1515 : i32
        %multiple_of3A_1517 = tpu.assume_multiple %min3A_1516, 128 : i32
        %dma_start3A_1518 = arith.constant 0 : i32
        %dma_start3A_1519 = arith.constant 0 : i32
        %dma_start3A_1520 = tpu.memref_slice %arg8[%select_n3A_1510, %dma_start3A_1518, %dma_start3A_1519] : memref<16x32x128xf32, #tpu.memory_space<vmem>> -> memref<1x32x128xf32, #tpu.memory_space<vmem>>
        %dma_start3A_1521 = tpu.memref_squeeze %dma_start3A_1520 : memref<1x32x128xf32, #tpu.memory_space<vmem>> -> memref<32x128xf32, #tpu.memory_space<vmem>>
        %dma_start3A_1522 = arith.constant 0 : i32
        %dma_start3A_1523 = tpu.memref_slice %arg4[%dma_start3A_1522, %multiple_of3A_1517] : memref<32x1000000xf32, #tpu.memory_space<hbm>> -> memref<32x128xf32, #tpu.memory_space<hbm>>
        %dma_start3A_1524 = arith.constant 0 : i32
        %dma_start3A_1525 = arith.constant 0 : i32
        %dma_start3A_1526 = tpu.memref_slice %arg8[%select_n3A_1510, %dma_start3A_1524, %dma_start3A_1525] : memref<16x32x128xf32, #tpu.memory_space<vmem>> -> memref<1x32x128xf32, #tpu.memory_space<vmem>>
        %dma_start3A_1527 = tpu.memref_squeeze %dma_start3A_1526 : memref<1x32x128xf32, #tpu.memory_space<vmem>> -> memref<32x128xf32, #tpu.memory_space<vmem>>
        %dma_start3A_1528 = arith.constant 0 : i32
        %dma_start3A_1529 = tpu.memref_slice %arg4[%dma_start3A_1528, %multiple_of3A_1517] : memref<32x1000000xf32, #tpu.memory_space<hbm>> -> memref<32x128xf32, #tpu.memory_space<hbm>>
        tpu.enqueue_dma source(%dma_start3A_1529 : memref<32x128xf32, #tpu.memory_space<hbm>>) target(%dma_start3A_1527 : memref<32x128xf32, #tpu.memory_space<vmem>>) target_semaphore(%arg11 : memref<!tpu.dma_semaphore, #tpu.memory_space<semaphore_mem>>)
      } else {
      }
      %add3A_1343 = arith.constant 14 : i32
      %add3A_1344 = arith.addi %mul3A_281, %add3A_1343 : i32
      %jit3A_1345 = arith.constant 16 : i32
      %eq3A_1346 = arith.constant 0 : i32
      %eq3A_1347 = arith.cmpi eq, %jit3A_1345, %eq3A_1346 : i32
      %jit3A_1348 = arith.constant 1 : i32
      %select_n3A_1349 = arith.select %eq3A_1347, %jit3A_1348, %jit3A_1345 : i32
      %rem3A_1350 = arith.remsi %add3A_1344, %select_n3A_1349 : i32
      %ne3A_1351 = arith.constant 0 : i32
      %ne3A_1352 = arith.cmpi ne, %rem3A_1350, %ne3A_1351 : i32
      %lt3A_1353 = arith.constant 0 : i32
      %lt3A_1354 = arith.cmpi slt, %rem3A_1350, %lt3A_1353 : i32
      %lt3A_1355 = arith.constant 0 : i32
      %lt3A_1356 = arith.cmpi slt, %select_n3A_1349, %lt3A_1355 : i32
      %ne3A_1357 = arith.xori %lt3A_1354, %lt3A_1356 : i1
      %and3A_1358 = arith.andi %ne3A_1357, %ne3A_1352 : i1
      %add3A_1359 = arith.addi %rem3A_1350, %select_n3A_1349 : i32
      %select_n3A_1360 = arith.select %and3A_1358, %add3A_1359, %rem3A_1350 : i32
      %slice3A_1361 = vector.extract_strided_slice %get3A_283 {offsets = [14], sizes = [1], strides = [1]} : vector<16xi32> to vector<1xi32>
      %squeeze3A_1362 = vector.extract %slice3A_1361[0] : i32 from vector<1xi32>
      %shift_right_arithmetic3A_1363 = arith.constant 7 : i32
      %shift_right_arithmetic3A_1364 = arith.shrsi %squeeze3A_1362, %shift_right_arithmetic3A_1363 : i32
      %shift_left3A_1365 = arith.constant 7 : i32
      %shift_left3A_1366 = arith.shli %shift_right_arithmetic3A_1364, %shift_left3A_1365 : i32
      %min3A_1367 = arith.constant 999872 : i32
      %min3A_1368 = arith.minsi %shift_left3A_1366, %min3A_1367 : i32
      %sub3A_1369 = arith.subi %squeeze3A_1362, %min3A_1368 : i32
      %broadcast_in_dim3A_1370 = vector.broadcast %sub3A_1369 : i32 to vector<16xi32>
      %broadcast_in_dim3A_1371 = vector.broadcast %add3A_1344 : i32 to vector<16xi32>
      %gather3A_1372 = tpu.vector_load_idx %arg7[%iota3A, %broadcast_in_dim3A_1371] : memref<32x512xf32, #tpu.memory_space<vmem>>[vector<16xi32>, vector<16xi32>], vector<16xf32>,
      %add3A_1373 = arith.constant 16 : i32
      %add3A_1374 = vector.broadcast %add3A_1373 : i32 to vector<16xi32>
      %add3A_1375 = arith.addi %iota3A, %add3A_1374 : vector<16xi32>
      %gather3A_1376 = tpu.vector_load_idx %arg7[%add3A_1375, %broadcast_in_dim3A_1371] : memref<32x512xf32, #tpu.memory_space<vmem>>[vector<16xi32>, vector<16xi32>], vector<16xf32>,
      %dma_wait3A_1377 = arith.constant 0 : i32
      %dma_wait3A_1378 = arith.constant 0 : i32
      %dma_wait3A_1379 = tpu.memref_slice %arg8[%select_n3A_1360, %dma_wait3A_1377, %dma_wait3A_1378] : memref<16x32x128xf32, #tpu.memory_space<vmem>> -> memref<1x32x128xf32, #tpu.memory_space<vmem>>
      %dma_wait3A_1380 = tpu.memref_squeeze %dma_wait3A_1379 : memref<1x32x128xf32, #tpu.memory_space<vmem>> -> memref<32x128xf32, #tpu.memory_space<vmem>>
      %dma_wait3A_1381 = arith.constant 0 : i32
      %dma_wait3A_1382 = arith.constant 0 : i32
      %dma_wait3A_1383 = tpu.memref_slice %arg4[%dma_wait3A_1381, %dma_wait3A_1382] : memref<32x1000000xf32, #tpu.memory_space<hbm>> -> memref<32x128xf32, #tpu.memory_space<hbm>>
      %dma_wait3A_1384 = arith.constant 0 : i32
      %dma_wait3A_1385 = arith.constant 0 : i32
      %dma_wait3A_1386 = tpu.memref_slice %arg8[%select_n3A_1360, %dma_wait3A_1384, %dma_wait3A_1385] : memref<16x32x128xf32, #tpu.memory_space<vmem>> -> memref<1x32x128xf32, #tpu.memory_space<vmem>>
      %dma_wait3A_1387 = tpu.memref_squeeze %dma_wait3A_1386 : memref<1x32x128xf32, #tpu.memory_space<vmem>> -> memref<32x128xf32, #tpu.memory_space<vmem>>
      %dma_wait3A_1388 = arith.constant 0 : i32
      %dma_wait3A_1389 = arith.constant 0 : i32
      %dma_wait3A_1390 = tpu.memref_slice %arg4[%dma_wait3A_1388, %dma_wait3A_1389] : memref<32x1000000xf32, #tpu.memory_space<hbm>> -> memref<32x128xf32, #tpu.memory_space<hbm>>
      tpu.wait_dma2 semaphore(%arg11 : memref<!tpu.dma_semaphore, #tpu.memory_space<semaphore_mem>>) src(%dma_wait3A_1390 : memref<32x128xf32, #tpu.memory_space<hbm>>) dst(%dma_wait3A_1387 : memref<32x128xf32, #tpu.memory_space<vmem>>)
      %gather3A_1391 = arith.constant 0 : i32
      %gather3A_1392 = arith.constant 0 : i32
      %gather3A_1393 = tpu.memref_slice %arg8[%select_n3A_1360, %gather3A_1391, %gather3A_1392] : memref<16x32x128xf32, #tpu.memory_space<vmem>> -> memref<1x32x128xf32, #tpu.memory_space<vmem>>
      %gather3A_1394 = tpu.memref_squeeze %gather3A_1393 : memref<1x32x128xf32, #tpu.memory_space<vmem>> -> memref<32x128xf32, #tpu.memory_space<vmem>>
      %gather3A_1395 = tpu.vector_load_idx %gather3A_1394[%iota3A, %broadcast_in_dim3A_1370] : memref<32x128xf32, #tpu.memory_space<vmem>>[vector<16xi32>, vector<16xi32>], vector<16xf32>,
      %add3A_1396 = arith.constant 16 : i32
      %add3A_1397 = vector.broadcast %add3A_1396 : i32 to vector<16xi32>
      %add3A_1398 = arith.addi %iota3A, %add3A_1397 : vector<16xi32>
      %gather3A_1399 = arith.constant 0 : i32
      %gather3A_1400 = arith.constant 0 : i32
      %gather3A_1401 = tpu.memref_slice %arg8[%select_n3A_1360, %gather3A_1399, %gather3A_1400] : memref<16x32x128xf32, #tpu.memory_space<vmem>> -> memref<1x32x128xf32, #tpu.memory_space<vmem>>
      %gather3A_1402 = tpu.memref_squeeze %gather3A_1401 : memref<1x32x128xf32, #tpu.memory_space<vmem>> -> memref<32x128xf32, #tpu.memory_space<vmem>>
      %gather3A_1403 = tpu.vector_load_idx %gather3A_1402[%add3A_1398, %broadcast_in_dim3A_1370] : memref<32x128xf32, #tpu.memory_space<vmem>>[vector<16xi32>, vector<16xi32>], vector<16xf32>,
      %sub3A_1404 = arith.subf %gather3A_1372, %gather3A_1395 : vector<16xf32>
      %sub3A_1405 = arith.subf %gather3A_1376, %gather3A_1403 : vector<16xf32>
      %mul3A_1406 = arith.mulf %sub3A_1404, %sub3A_1404 : vector<16xf32>
      %add3A_1407 = arith.addf %add3A_1333, %mul3A_1406 : vector<16xf32>
      %mul3A_1408 = arith.mulf %sub3A_1405, %sub3A_1405 : vector<16xf32>
      %add3A_1409 = arith.addf %add3A_1407, %mul3A_1408 : vector<16xf32>
      %slice3A_1410 = vector.extract_strided_slice %get3A_289 {offsets = [10], sizes = [1], strides = [1]} : vector<16xi32> to vector<1xi32>
      %squeeze3A_1411 = vector.extract %slice3A_1410[0] : i32 from vector<1xi32>
      %add3A_1412 = arith.constant 12 : i32
      %add3A_1413 = arith.addi %add3A_1344, %add3A_1412 : i32
      %lt3A_1414 = arith.constant 512 : i32
      %lt3A_1415 = arith.cmpi slt, %add3A_1413, %lt3A_1414 : i32
      %convert_element_type3A_1416 = arith.extui %lt3A_1415 : i1 to i32
      %cond3A_1417 = arith.constant 0 : i32
      %cond3A_1418 = arith.cmpi ne, %convert_element_type3A_1416, %cond3A_1417 : i32
      scf.if %cond3A_1418 {
        %jit3A_1495 = arith.constant 16 : i32
        %eq3A_1496 = arith.constant 0 : i32
        %eq3A_1497 = arith.cmpi eq, %jit3A_1495, %eq3A_1496 : i32
        %jit3A_1498 = arith.constant 1 : i32
        %select_n3A_1499 = arith.select %eq3A_1497, %jit3A_1498, %jit3A_1495 : i32
        %rem3A_1500 = arith.remsi %add3A_1413, %select_n3A_1499 : i32
        %ne3A_1501 = arith.constant 0 : i32
        %ne3A_1502 = arith.cmpi ne, %rem3A_1500, %ne3A_1501 : i32
        %lt3A_1503 = arith.constant 0 : i32
        %lt3A_1504 = arith.cmpi slt, %rem3A_1500, %lt3A_1503 : i32
        %lt3A_1505 = arith.constant 0 : i32
        %lt3A_1506 = arith.cmpi slt, %select_n3A_1499, %lt3A_1505 : i32
        %ne3A_1507 = arith.xori %lt3A_1504, %lt3A_1506 : i1
        %and3A_1508 = arith.andi %ne3A_1507, %ne3A_1502 : i1
        %add3A_1509 = arith.addi %rem3A_1500, %select_n3A_1499 : i32
        %select_n3A_1510 = arith.select %and3A_1508, %add3A_1509, %rem3A_1500 : i32
        %shift_right_arithmetic3A_1511 = arith.constant 7 : i32
        %shift_right_arithmetic3A_1512 = arith.shrsi %squeeze3A_1411, %shift_right_arithmetic3A_1511 : i32
        %shift_left3A_1513 = arith.constant 7 : i32
        %shift_left3A_1514 = arith.shli %shift_right_arithmetic3A_1512, %shift_left3A_1513 : i32
        %min3A_1515 = arith.constant 999872 : i32
        %min3A_1516 = arith.minsi %shift_left3A_1514, %min3A_1515 : i32
        %multiple_of3A_1517 = tpu.assume_multiple %min3A_1516, 128 : i32
        %dma_start3A_1518 = arith.constant 0 : i32
        %dma_start3A_1519 = arith.constant 0 : i32
        %dma_start3A_1520 = tpu.memref_slice %arg8[%select_n3A_1510, %dma_start3A_1518, %dma_start3A_1519] : memref<16x32x128xf32, #tpu.memory_space<vmem>> -> memref<1x32x128xf32, #tpu.memory_space<vmem>>
        %dma_start3A_1521 = tpu.memref_squeeze %dma_start3A_1520 : memref<1x32x128xf32, #tpu.memory_space<vmem>> -> memref<32x128xf32, #tpu.memory_space<vmem>>
        %dma_start3A_1522 = arith.constant 0 : i32
        %dma_start3A_1523 = tpu.memref_slice %arg4[%dma_start3A_1522, %multiple_of3A_1517] : memref<32x1000000xf32, #tpu.memory_space<hbm>> -> memref<32x128xf32, #tpu.memory_space<hbm>>
        %dma_start3A_1524 = arith.constant 0 : i32
        %dma_start3A_1525 = arith.constant 0 : i32
        %dma_start3A_1526 = tpu.memref_slice %arg8[%select_n3A_1510, %dma_start3A_1524, %dma_start3A_1525] : memref<16x32x128xf32, #tpu.memory_space<vmem>> -> memref<1x32x128xf32, #tpu.memory_space<vmem>>
        %dma_start3A_1527 = tpu.memref_squeeze %dma_start3A_1526 : memref<1x32x128xf32, #tpu.memory_space<vmem>> -> memref<32x128xf32, #tpu.memory_space<vmem>>
        %dma_start3A_1528 = arith.constant 0 : i32
        %dma_start3A_1529 = tpu.memref_slice %arg4[%dma_start3A_1528, %multiple_of3A_1517] : memref<32x1000000xf32, #tpu.memory_space<hbm>> -> memref<32x128xf32, #tpu.memory_space<hbm>>
        tpu.enqueue_dma source(%dma_start3A_1529 : memref<32x128xf32, #tpu.memory_space<hbm>>) target(%dma_start3A_1527 : memref<32x128xf32, #tpu.memory_space<vmem>>) target_semaphore(%arg11 : memref<!tpu.dma_semaphore, #tpu.memory_space<semaphore_mem>>)
      } else {
      }
      %add3A_1419 = arith.constant 15 : i32
      %add3A_1420 = arith.addi %mul3A_281, %add3A_1419 : i32
      %jit3A_1421 = arith.constant 16 : i32
      %eq3A_1422 = arith.constant 0 : i32
      %eq3A_1423 = arith.cmpi eq, %jit3A_1421, %eq3A_1422 : i32
      %jit3A_1424 = arith.constant 1 : i32
      %select_n3A_1425 = arith.select %eq3A_1423, %jit3A_1424, %jit3A_1421 : i32
      %rem3A_1426 = arith.remsi %add3A_1420, %select_n3A_1425 : i32
      %ne3A_1427 = arith.constant 0 : i32
      %ne3A_1428 = arith.cmpi ne, %rem3A_1426, %ne3A_1427 : i32
      %lt3A_1429 = arith.constant 0 : i32
      %lt3A_1430 = arith.cmpi slt, %rem3A_1426, %lt3A_1429 : i32
      %lt3A_1431 = arith.constant 0 : i32
      %lt3A_1432 = arith.cmpi slt, %select_n3A_1425, %lt3A_1431 : i32
      %ne3A_1433 = arith.xori %lt3A_1430, %lt3A_1432 : i1
      %and3A_1434 = arith.andi %ne3A_1433, %ne3A_1428 : i1
      %add3A_1435 = arith.addi %rem3A_1426, %select_n3A_1425 : i32
      %select_n3A_1436 = arith.select %and3A_1434, %add3A_1435, %rem3A_1426 : i32
      %slice3A_1437 = vector.extract_strided_slice %get3A_283 {offsets = [15], sizes = [1], strides = [1]} : vector<16xi32> to vector<1xi32>
      %squeeze3A_1438 = vector.extract %slice3A_1437[0] : i32 from vector<1xi32>
      %shift_right_arithmetic3A_1439 = arith.constant 7 : i32
      %shift_right_arithmetic3A_1440 = arith.shrsi %squeeze3A_1438, %shift_right_arithmetic3A_1439 : i32
      %shift_left3A_1441 = arith.constant 7 : i32
      %shift_left3A_1442 = arith.shli %shift_right_arithmetic3A_1440, %shift_left3A_1441 : i32
      %min3A_1443 = arith.constant 999872 : i32
      %min3A_1444 = arith.minsi %shift_left3A_1442, %min3A_1443 : i32
      %sub3A_1445 = arith.subi %squeeze3A_1438, %min3A_1444 : i32
      %broadcast_in_dim3A_1446 = vector.broadcast %sub3A_1445 : i32 to vector<16xi32>
      %broadcast_in_dim3A_1447 = vector.broadcast %add3A_1420 : i32 to vector<16xi32>
      %gather3A_1448 = tpu.vector_load_idx %arg7[%iota3A, %broadcast_in_dim3A_1447] : memref<32x512xf32, #tpu.memory_space<vmem>>[vector<16xi32>, vector<16xi32>], vector<16xf32>,
      %add3A_1449 = arith.constant 16 : i32
      %add3A_1450 = vector.broadcast %add3A_1449 : i32 to vector<16xi32>
      %add3A_1451 = arith.addi %iota3A, %add3A_1450 : vector<16xi32>
      %gather3A_1452 = tpu.vector_load_idx %arg7[%add3A_1451, %broadcast_in_dim3A_1447] : memref<32x512xf32, #tpu.memory_space<vmem>>[vector<16xi32>, vector<16xi32>], vector<16xf32>,
      %dma_wait3A_1453 = arith.constant 0 : i32
      %dma_wait3A_1454 = arith.constant 0 : i32
      %dma_wait3A_1455 = tpu.memref_slice %arg8[%select_n3A_1436, %dma_wait3A_1453, %dma_wait3A_1454] : memref<16x32x128xf32, #tpu.memory_space<vmem>> -> memref<1x32x128xf32, #tpu.memory_space<vmem>>
      %dma_wait3A_1456 = tpu.memref_squeeze %dma_wait3A_1455 : memref<1x32x128xf32, #tpu.memory_space<vmem>> -> memref<32x128xf32, #tpu.memory_space<vmem>>
      %dma_wait3A_1457 = arith.constant 0 : i32
      %dma_wait3A_1458 = arith.constant 0 : i32
      %dma_wait3A_1459 = tpu.memref_slice %arg4[%dma_wait3A_1457, %dma_wait3A_1458] : memref<32x1000000xf32, #tpu.memory_space<hbm>> -> memref<32x128xf32, #tpu.memory_space<hbm>>
      %dma_wait3A_1460 = arith.constant 0 : i32
      %dma_wait3A_1461 = arith.constant 0 : i32
      %dma_wait3A_1462 = tpu.memref_slice %arg8[%select_n3A_1436, %dma_wait3A_1460, %dma_wait3A_1461] : memref<16x32x128xf32, #tpu.memory_space<vmem>> -> memref<1x32x128xf32, #tpu.memory_space<vmem>>
      %dma_wait3A_1463 = tpu.memref_squeeze %dma_wait3A_1462 : memref<1x32x128xf32, #tpu.memory_space<vmem>> -> memref<32x128xf32, #tpu.memory_space<vmem>>
      %dma_wait3A_1464 = arith.constant 0 : i32
      %dma_wait3A_1465 = arith.constant 0 : i32
      %dma_wait3A_1466 = tpu.memref_slice %arg4[%dma_wait3A_1464, %dma_wait3A_1465] : memref<32x1000000xf32, #tpu.memory_space<hbm>> -> memref<32x128xf32, #tpu.memory_space<hbm>>
      tpu.wait_dma2 semaphore(%arg11 : memref<!tpu.dma_semaphore, #tpu.memory_space<semaphore_mem>>) src(%dma_wait3A_1466 : memref<32x128xf32, #tpu.memory_space<hbm>>) dst(%dma_wait3A_1463 : memref<32x128xf32, #tpu.memory_space<vmem>>)
      %gather3A_1467 = arith.constant 0 : i32
      %gather3A_1468 = arith.constant 0 : i32
      %gather3A_1469 = tpu.memref_slice %arg8[%select_n3A_1436, %gather3A_1467, %gather3A_1468] : memref<16x32x128xf32, #tpu.memory_space<vmem>> -> memref<1x32x128xf32, #tpu.memory_space<vmem>>
      %gather3A_1470 = tpu.memref_squeeze %gather3A_1469 : memref<1x32x128xf32, #tpu.memory_space<vmem>> -> memref<32x128xf32, #tpu.memory_space<vmem>>
      %gather3A_1471 = tpu.vector_load_idx %gather3A_1470[%iota3A, %broadcast_in_dim3A_1446] : memref<32x128xf32, #tpu.memory_space<vmem>>[vector<16xi32>, vector<16xi32>], vector<16xf32>,
      %add3A_1472 = arith.constant 16 : i32
      %add3A_1473 = vector.broadcast %add3A_1472 : i32 to vector<16xi32>
      %add3A_1474 = arith.addi %iota3A, %add3A_1473 : vector<16xi32>
      %gather3A_1475 = arith.constant 0 : i32
      %gather3A_1476 = arith.constant 0 : i32
      %gather3A_1477 = tpu.memref_slice %arg8[%select_n3A_1436, %gather3A_1475, %gather3A_1476] : memref<16x32x128xf32, #tpu.memory_space<vmem>> -> memref<1x32x128xf32, #tpu.memory_space<vmem>>
      %gather3A_1478 = tpu.memref_squeeze %gather3A_1477 : memref<1x32x128xf32, #tpu.memory_space<vmem>> -> memref<32x128xf32, #tpu.memory_space<vmem>>
      %gather3A_1479 = tpu.vector_load_idx %gather3A_1478[%add3A_1474, %broadcast_in_dim3A_1446] : memref<32x128xf32, #tpu.memory_space<vmem>>[vector<16xi32>, vector<16xi32>], vector<16xf32>,
      %sub3A_1480 = arith.subf %gather3A_1448, %gather3A_1471 : vector<16xf32>
      %sub3A_1481 = arith.subf %gather3A_1452, %gather3A_1479 : vector<16xf32>
      %mul3A_1482 = arith.mulf %sub3A_1480, %sub3A_1480 : vector<16xf32>
      %add3A_1483 = arith.addf %add3A_1409, %mul3A_1482 : vector<16xf32>
      %mul3A_1484 = arith.mulf %sub3A_1481, %sub3A_1481 : vector<16xf32>
      %add3A_1485 = arith.addf %add3A_1483, %mul3A_1484 : vector<16xf32>
      %slice3A_1486 = vector.extract_strided_slice %get3A_289 {offsets = [11], sizes = [1], strides = [1]} : vector<16xi32> to vector<1xi32>
      %squeeze3A_1487 = vector.extract %slice3A_1486[0] : i32 from vector<1xi32>
      %add3A_1488 = arith.constant 12 : i32
      %add3A_1489 = arith.addi %add3A_1420, %add3A_1488 : i32
      %lt3A_1490 = arith.constant 512 : i32
      %lt3A_1491 = arith.cmpi slt, %add3A_1489, %lt3A_1490 : i32
      %convert_element_type3A_1492 = arith.extui %lt3A_1491 : i1 to i32
      %cond3A_1493 = arith.constant 0 : i32
      %cond3A_1494 = arith.cmpi ne, %convert_element_type3A_1492, %cond3A_1493 : i32
      scf.if %cond3A_1494 {
        %jit3A_1495 = arith.constant 16 : i32
        %eq3A_1496 = arith.constant 0 : i32
        %eq3A_1497 = arith.cmpi eq, %jit3A_1495, %eq3A_1496 : i32
        %jit3A_1498 = arith.constant 1 : i32
        %select_n3A_1499 = arith.select %eq3A_1497, %jit3A_1498, %jit3A_1495 : i32
        %rem3A_1500 = arith.remsi %add3A_1489, %select_n3A_1499 : i32
        %ne3A_1501 = arith.constant 0 : i32
        %ne3A_1502 = arith.cmpi ne, %rem3A_1500, %ne3A_1501 : i32
        %lt3A_1503 = arith.constant 0 : i32
        %lt3A_1504 = arith.cmpi slt, %rem3A_1500, %lt3A_1503 : i32
        %lt3A_1505 = arith.constant 0 : i32
        %lt3A_1506 = arith.cmpi slt, %select_n3A_1499, %lt3A_1505 : i32
        %ne3A_1507 = arith.xori %lt3A_1504, %lt3A_1506 : i1
        %and3A_1508 = arith.andi %ne3A_1507, %ne3A_1502 : i1
        %add3A_1509 = arith.addi %rem3A_1500, %select_n3A_1499 : i32
        %select_n3A_1510 = arith.select %and3A_1508, %add3A_1509, %rem3A_1500 : i32
        %shift_right_arithmetic3A_1511 = arith.constant 7 : i32
        %shift_right_arithmetic3A_1512 = arith.shrsi %squeeze3A_1487, %shift_right_arithmetic3A_1511 : i32
        %shift_left3A_1513 = arith.constant 7 : i32
        %shift_left3A_1514 = arith.shli %shift_right_arithmetic3A_1512, %shift_left3A_1513 : i32
        %min3A_1515 = arith.constant 999872 : i32
        %min3A_1516 = arith.minsi %shift_left3A_1514, %min3A_1515 : i32
        %multiple_of3A_1517 = tpu.assume_multiple %min3A_1516, 128 : i32
        %dma_start3A_1518 = arith.constant 0 : i32
        %dma_start3A_1519 = arith.constant 0 : i32
        %dma_start3A_1520 = tpu.memref_slice %arg8[%select_n3A_1510, %dma_start3A_1518, %dma_start3A_1519] : memref<16x32x128xf32, #tpu.memory_space<vmem>> -> memref<1x32x128xf32, #tpu.memory_space<vmem>>
        %dma_start3A_1521 = tpu.memref_squeeze %dma_start3A_1520 : memref<1x32x128xf32, #tpu.memory_space<vmem>> -> memref<32x128xf32, #tpu.memory_space<vmem>>
        %dma_start3A_1522 = arith.constant 0 : i32
        %dma_start3A_1523 = tpu.memref_slice %arg4[%dma_start3A_1522, %multiple_of3A_1517] : memref<32x1000000xf32, #tpu.memory_space<hbm>> -> memref<32x128xf32, #tpu.memory_space<hbm>>
        %dma_start3A_1524 = arith.constant 0 : i32
        %dma_start3A_1525 = arith.constant 0 : i32
        %dma_start3A_1526 = tpu.memref_slice %arg8[%select_n3A_1510, %dma_start3A_1524, %dma_start3A_1525] : memref<16x32x128xf32, #tpu.memory_space<vmem>> -> memref<1x32x128xf32, #tpu.memory_space<vmem>>
        %dma_start3A_1527 = tpu.memref_squeeze %dma_start3A_1526 : memref<1x32x128xf32, #tpu.memory_space<vmem>> -> memref<32x128xf32, #tpu.memory_space<vmem>>
        %dma_start3A_1528 = arith.constant 0 : i32
        %dma_start3A_1529 = tpu.memref_slice %arg4[%dma_start3A_1528, %multiple_of3A_1517] : memref<32x1000000xf32, #tpu.memory_space<hbm>> -> memref<32x128xf32, #tpu.memory_space<hbm>>
        tpu.enqueue_dma source(%dma_start3A_1529 : memref<32x128xf32, #tpu.memory_space<hbm>>) target(%dma_start3A_1527 : memref<32x128xf32, #tpu.memory_space<vmem>>) target_semaphore(%arg11 : memref<!tpu.dma_semaphore, #tpu.memory_space<semaphore_mem>>)
      } else {
      }
      scf.yield %add3A_1485 : vector<16xf32>
    }
    %scan3A_274 = arith.constant 32 : i32
    %swap3A = arith.constant 0 : index
    %swap3A_275 = tpu.vector_load %arg9[%swap3A] {strides = array<i32>} : memref<16xf32, #tpu.memory_space<vmem>>, vector<16xf32>,
    tpu.vector_store %arg9[%swap3A], %scan3A_273 {strides = array<i32>} : memref<16xf32, #tpu.memory_space<vmem>>, vector<16xf32>,
    %mul3A_276 = arith.constant 16 : i32
    %mul3A_277 = arith.muli %add3A, %mul3A_276 : i32
    "tpu.region"() ({
      %run_scoped3A = tpu.sem_alloc : memref<!tpu.dma_semaphore, #tpu.memory_space<semaphore_mem>>
      %dma_start3A_278 = tpu.memref_slice %arg5[%mul3A_277] : memref<512xf32, #tpu.memory_space<hbm>> -> memref<16xf32, #tpu.memory_space<hbm>>
      %dma_start3A_279 = tpu.memref_slice %arg5[%mul3A_277] : memref<512xf32, #tpu.memory_space<hbm>> -> memref<16xf32, #tpu.memory_space<hbm>>
      tpu.enqueue_dma source(%arg9 : memref<16xf32, #tpu.memory_space<vmem>>) target(%dma_start3A_279 : memref<16xf32, #tpu.memory_space<hbm>>) target_semaphore(%run_scoped3A : memref<!tpu.dma_semaphore, #tpu.memory_space<semaphore_mem>>)
      %dma_wait3A_280 = tpu.memref_slice %arg5[%mul3A_277] : memref<512xf32, #tpu.memory_space<hbm>> -> memref<16xf32, #tpu.memory_space<hbm>>
      %dma_wait3A_281 = tpu.memref_slice %arg5[%mul3A_277] : memref<512xf32, #tpu.memory_space<hbm>> -> memref<16xf32, #tpu.memory_space<hbm>>
      tpu.wait_dma2 semaphore(%run_scoped3A : memref<!tpu.dma_semaphore, #tpu.memory_space<semaphore_mem>>) src(%arg9 : memref<16xf32, #tpu.memory_space<vmem>>) dst(%dma_wait3A_281 : memref<16xf32, #tpu.memory_space<hbm>>)
      tpu.yield
    }) : () -> ()
    return
  }
}

module attributes {stable_mosaic.version = 14 : i64} {
  func.func @body(%arg0: memref<512xf32, #tpu.memory_space<vmem>>, %arg1: memref<1x1xf32, #tpu.memory_space<smem>>) attributes {dimension_semantics = [], scalar_prefetch = 0 : i64, scratch_operands = 0 : i64, tpu.core_type = #tpu.core_type<tc>} {
    %get3A = arith.constant 0 : index
    %get3A_0 = vector.load %arg0[%get3A] : memref<512xf32, #tpu.memory_space<vmem>>, vector<512xf32>
    %reduce_sum3A = vector.shape_cast %get3A_0 : vector<512xf32> to vector<1x512xf32>
    %reduce_sum3A_1 = arith.constant dense<0.000000e+00> : vector<1xf32>
    %reduce_sum3A_2 = vector.multi_reduction <add>, %reduce_sum3A, %reduce_sum3A_1 [1] : vector<1x512xf32> to vector<1xf32>
    %reduce_sum3A_3 = vector.shape_cast %reduce_sum3A_2 : vector<1xf32> to vector<1x1xf32>
    %reduce_sum3A_4 = vector.extract %reduce_sum3A_3[0, 0] : f32 from vector<1x1xf32>
    %mul3A = arith.constant 6.10351563E-5 : f32
    %mul3A_5 = arith.mulf %reduce_sum3A_4, %mul3A : f32
    %swap3A = arith.constant 0 : index
    %swap3A_6 = arith.constant 0 : index
    %swap3A_7 = memref.load %arg1[%swap3A, %swap3A_6] : memref<1x1xf32, #tpu.memory_space<smem>>
    memref.store %mul3A_5, %arg1[%swap3A, %swap3A_6] : memref<1x1xf32, #tpu.memory_space<smem>>
    return
  }
}

</mosaic_0001>

<sc_bundles>
// kernel: kernel.4.cloned.1.call-start
scs
__scs_entry_jumppad:
0x0: {  	(pc) =	sbr.rel $0x88, $3  }
0x1: {  	(tag) =	ssettag $0x0;
	lr =	simm.s32 $0x1  }
0x2: {  	[smem:$0x3F9E] =	sst lr;
	_ =	strace $0xD0000000  }
0x3: {  	_ = 	snop  }
0x4: {  	_ = 	snop  }
0x5: {  	_ = 	snop  }
0x6: {  	_ = 	snop  }
0x7: {  	_ = 	snop  }
__scs_overlays_trampoline_lowered:
0x8: {  	[smem:$0x3FAD] =	sst s0  }
0x9: {  	[smem:$0x3FAE] =	sst s1  }
0xa: {  	[smem:$0x3FAF] =	sst s2  }
0xb: {  	[smem:$0x3FB0] =	sst s3  }
0xc: {  	[smem:$0x3FB1] =	sst s4  }
0xd: {  	[smem:$0x3FB2] =	sst s5  }
0xe: {  	[smem:$0x3FB3] =	sst s6  }
0xf: {  	[smem:$0x3FB4] =	sst s7  }
0x10: {  	[smem:$0x3FB5] =	sst s8  }
0x11: {  	[smem:$0x3FB6] =	sst s9;
	s0 =	simm.s32 @!p0 $0x0  }
0x12: {  	s1 =	sld [smem:$0x3F9C];
	s0 =	simm.s32 @p0 $0x1  }
0x13: {  	[smem:$0x3FB7] =	sst s0;
	s0 =	simm.s32 @!p1 $0x0  }
0x14: {  	s2 =	sld [smem:$0x3F9B];
	s0 =	simm.s32 @p1 $0x1  }
0x15: {  	[smem:$0x3FB8] =	sst s0;
	s0 =	simm.s32 @!p2 $0x0  }
0x16: {  	s3 =	sld [smem:$0x3FDB];
	s0 =	simm.s32 @p2 $0x1  }
0x17: {  	s4 =	simm.s32 $0x1BF5;
	[smem:$0x3FBA] =	sst s0  }
0x18: {  	s0 =	sld [smem:$0x3F9D];
	_ =	swait.ge [sflag:s4], $0x0  }
0x19: {  	s7 =	sld [smem:$0x3F9E]  }
0x1a: {  	s8 =	sadd.s32 $0xFFFFE003, lr  }
0x1b: {  	s9 =	sadd.s32 $0xFFFFFEF7, lr;
	s5 =	simm.s32 $0xFFFFFFFF;
	p2 =	slt.u32 s8, $0xFFFFF086  }
0x1c: {  	p1 =	slt.u32 s9, $0xF7A;
	s5 =	simm.s32 @!p2 $0x0  }
0x1d: {  	s5 =	simm.s32 @p1 $0x1;
	p0 =	seq.s32 s7, s2  }
0x1e: {  	s7 =	smul.u32 @!p0 $0xF7A, s2;
	p2 =	seq.s32 @!p0 s5, $0x0  }
0x1f: {  	s9 =	smul.u32 $0xF7A, s1;
	s8 =	simm.s32 @!p0 $0x1BF5;
	p2 =	por !p2, p0  }
0x20: {  	[sflag:s8] =	ssyncset.s32 @!p0 $0xFFFFF086;
	s6 =	sadd.s32 @!p0 s3, s7;
	s7 =	simm.s32 @!p0 $0x108  }
0x21: {  	s3 =	sadd.s32 s3, s9;
	s6 =	sadd.s32 @!p0 $0x88, s6;
	s7 =	simm.s32 @p2 $0x1082  }
0x22: {  	[simem:s7], [sflag:s8] =	dma.local @!p0 [hbm:s6], $0xF7A  }
0x23: {  	s9 =	sor.u32 $0xD0000000, s2;
	s6 =	simm.s32 $0x108;
	_ =	swait.ge @!p0 [sflag:s8], $0x0  }
0x24: {  	s3 =	sadd.s32 $0x88, s3;
	s6 =	simm.s32 @!p1 $0x1082;
	[sflag:s4] =	ssyncset.s32 $0xFFFFF086  }
0x25: {  	[simem:s6], [sflag:s4] =	dma.local [hbm:s3], $0xF7A  }
0x26: {  	[smem:$0x3F9E] =	sst s1;
	(tag) =	ssettag s2;
	_ =	strace s9  }
0x27: {  	s1 =	sld [smem:$0x3FAE]  }
0x28: {  	s2 =	sld [smem:$0x3FAF]  }
0x29: {  	s4 =	sld [smem:$0x3FB1]  }
0x2a: {  	p0 =	seq.s32 s5, $0x0;
	s5 =	sld [smem:$0x3FB2]  }
0x2b: {  	s6 =	sld [smem:$0x3FB3]  }
0x2c: {  	s7 =	sld [smem:$0x3FB4]  }
0x2d: {  	s3 =	simm.s32 $0x108;
	s8 =	sld [smem:$0x3FB5]  }
0x2e: {  	s3 =	simm.s32 @!p0 $0x1082;
	s9 =	sld [smem:$0x3FB6]  }
0x2f: {  	lr =	sadd.s32 s0, s3;
	s0 =	sld [smem:$0x3FAD]  }
0x30: {  	s3 =	sld [smem:$0x3FB0]  }
0x31: {  	[smem:$0x3FB9] =	sst s10  }
0x32: {  	s10 =	sld [smem:$0x3FB7];
	_ =	sdelay $0x3  }
0x33: {  	p0 =	seq.s32 s10, $0x1;
	s10 =	sld [smem:$0x3FB9];
	_ =	sdelay $0x3  }
0x34: {  	[smem:$0x3FB9] =	sst s10  }
0x35: {  	s10 =	sld [smem:$0x3FB8];
	_ =	sdelay $0x3  }
0x36: {  	p1 =	seq.s32 s10, $0x1;
	s10 =	sld [smem:$0x3FB9];
	_ =	sdelay $0x3  }
0x37: {  	[smem:$0x3FB9] =	sst s10  }
0x38: {  	s10 =	sld [smem:$0x3FBA]  }
0x39: {  	_ = 	snop;
	(pc) =	sbr.ind lr, $3  }
0x3a: {  	_ = 	snop  }
0x3b: {  	_ = 	snop  }
0x3c: {  	p2 =	seq.s32 s10, $0x1;
	s10 =	sld [smem:$0x3FB9]  }
0x3d: {  	_ =	shalt  }
0x3e: {  	_ =	shalt  }
0x3f: {  	_ =	shalt  }
0x40: {  	_ =	shalt  }
0x41: {  	_ =	shalt  }
0x42: {  	_ =	shalt  }
0x43: {  	_ =	shalt  }
0x44: {  	_ =	shalt  }
0x45: {  	_ =	shalt  }
0x46: {  	_ =	shalt  }
0x47: {  	_ =	shalt  }
0x48: {  	_ =	shalt  }
0x49: {  	_ =	shalt  }
0x4a: {  	_ =	shalt  }
0x4b: {  	_ =	shalt  }
0x4c: {  	_ =	shalt  }
0x4d: {  	_ =	shalt  }
0x4e: {  	_ =	shalt  }
0x4f: {  	_ =	shalt  }
0x50: {  	_ =	shalt  }
0x51: {  	_ =	shalt  }
0x52: {  	_ =	shalt  }
0x53: {  	_ =	shalt  }
0x54: {  	_ =	shalt  }
0x55: {  	_ =	shalt  }
0x56: {  	_ =	shalt  }
0x57: {  	_ =	shalt  }
0x58: {  	_ =	shalt  }
0x59: {  	_ =	shalt  }
0x5a: {  	_ =	shalt  }
0x5b: {  	_ =	shalt  }
0x5c: {  	_ =	shalt  }
0x5d: {  	_ =	shalt  }
0x5e: {  	_ =	shalt  }
0x5f: {  	_ =	shalt  }
0x60: {  	_ =	shalt  }
0x61: {  	_ =	shalt  }
0x62: {  	_ =	shalt  }
0x63: {  	_ =	shalt  }
0x64: {  	_ =	shalt  }
0x65: {  	_ =	shalt  }
0x66: {  	_ =	shalt  }
0x67: {  	_ =	shalt  }
0x68: {  	_ =	shalt  }
0x69: {  	_ =	shalt  }
0x6a: {  	_ =	shalt  }
0x6b: {  	_ =	shalt  }
0x6c: {  	_ =	shalt  }
0x6d: {  	_ =	shalt  }
0x6e: {  	_ =	shalt  }
0x6f: {  	_ =	shalt  }
0x70: {  	_ =	shalt  }
0x71: {  	_ =	shalt  }
0x72: {  	_ =	shalt  }
0x73: {  	_ =	shalt  }
0x74: {  	_ =	shalt  }
0x75: {  	_ =	shalt  }
0x76: {  	_ =	shalt  }
0x77: {  	_ =	shalt  }
0x78: {  	_ =	shalt  }
0x79: {  	_ =	shalt  }
0x7a: {  	_ =	shalt  }
0x7b: {  	_ =	shalt  }
0x7c: {  	_ =	shalt  }
0x7d: {  	_ =	shalt  }
0x7e: {  	_ =	shalt  }
0x7f: {  	_ =	shalt  }
0x80: {  	_ =	shalt  }
0x81: {  	_ =	shalt  }
0x82: {  	_ =	shalt  }
0x83: {  	_ =	shalt  }
0x84: {  	_ =	shalt  }
0x85: {  	_ =	shalt  }
0x86: {  	_ =	shalt  }
0x87: {  	_ =	shalt  }
.Lfunc_end0:
.L_simem_size_0:
called_computation_lowered:
.L_overlay_start_0:
0x88: {  	s2 =	sld [smem:$0x3FD9]  }
0x89: {  	s3 =	sld [smem:$0x3FFE];
	_ =	sdelay $0x1  }
0x8a: {  	s1 =	srdreg.scid  }
0x8b: {  	s0 =	sand.u32 $0x1, s1  }
0x8c: {  	s17 =	sshll.u32 s0, $0xA;
	s2 =	sadd.s32 s3, s2  }
0x8d: {  	s2 =	sadd.s32 s2, s17  }
0x8e: {  	[smem:$0x3FC5] =	sst s2  }
0x8f: {  	_ = 	snop  }
0x90: {  	s2 =	sld [smem:$0x3FC9]  }
0x91: {  	s18 =	sld [smem:$0x3FC8]  }
0x92: {  	s4 =	sld [smem:$0x3FC7];
	(tm) =	ssettm $0x1  }
0x93: {  	s5 =	sld [smem:$0x3FFB];
	_ =	sdelay $0x3  }
0x94: {  	_ =	strace s5  }
0x95: {  	s5 =	sld [smem:$0x3FFC];
	_ =	sdelay $0x3  }
0x96: {  	_ =	strace s5  }
0x97: {  	s5 =	sld [smem:$0x3FFD];
	_ =	sdelay $0x3  }
0x98: {  	_ =	strace s5  }
0x99: {  	_ =	strace $0x8FFFFFFF  }
0x9a: {  	s19 =	sld [smem:$0x3FDB];
	_ =	sdelay $0x1  }
0x9b: {  	s6 =	simm.s32 $_scs_section_size  }
0x9c: {  	s7 =	simm.s32 $_size__tile_overlayer_lowered;
	s8 =	simm.s32 $_tile_overlayer_lowered  }
0x9d: {  	s22 =	simm.s32 $0x1BFF;
	s21 =	sshll.u32 s8, $0x1;
	s5 =	sadd.s32 s6, s19  }
0x9e: {  	s9 =	simm.s32 $0x0;
	s20 =	sshll.u32 s7, $0x1;
	s7 =	sadd.s32 s21, s5  }
0x9f: {  	[timem:s9], [sflag:s22] =	dma.local [hbm:s7], s20  }
0xa0: {  	_ =	swait.ge [sflag:s22], s20  }
0xa1: {  	s6 =	ssub.s32 $0x0, s20;
	[sflag:s22] =	ssyncset.done $0x0  }
0xa2: {  	[sflag:s22] =	ssyncadd.s32 s6;
	_ =	sdelay $0x1  }
0xa3: {  	s23 =	simm.s32 $0x1B8B  }
0xa4: {  	_ =	swait.ge [sflag:s23], $0x1  }
0xa5: {  	[sflag:s23] =	ssyncset.done $0x0  }
0xa6: {  	s25 =	simm.s32 $0x1B8E;
	s24 =	sld [smem:$0x3FFE];
	[sflag:s23] =	ssyncadd.s32 $0xFFFFFFFF  }
0xa7: {  	s26 =	simm.s32 $execute0_lowered;
	[smem:$0x3FD2] =	sst s25  }
0xa8: {  	s7 =	sshll.u32 s26, $0x1;
	_ =	strace $0x80000046;
	[dreg:$0x1] =	wrdreg $0xFFFFFFFF  }
0xa9: {  	s28 =	simm.s32 $_size_execute0_lowered;
	s5 =	sadd.s32 s5, s7;
	[dreg:$0x0] =	wrdreg $0x0  }
0xaa: {  	s7 =	sshll.u32 s28, $0x1;
	[dreg:$0x2] =	wrdreg s5  }
0xab: {  	[dreg:$0x3] =	wrdreg s7  }
0xac: {  	[dreg:$0x4] =	wrdreg $0xC0  }
0xad: {  	_ =	task [dreg:s9], $0x5FFFF  }
0xae: {  	[dreg:$0x1] =	wrdreg $0xFFFFFFFF  }
0xaf: {  	[dreg:$0x0] =	wrdreg $0x60  }
0xb0: {  	[dreg:$0x2] =	wrdreg s2  }
0xb1: {  	[dreg:$0x3] =	wrdreg s18  }
0xb2: {  	[dreg:$0x4] =	wrdreg s4  }
0xb3: {  	[dreg:$0x5] =	wrdreg s24  }
0xb4: {  	[dreg:$0x6] =	wrdreg $0x9  }
0xb5: {  	_ =	task.clear_ibuf [dreg:s9], $0x7FFFF;
	_ =	strace $0x90000046  }
0xb6: {  	s29 =	simm.s32 $0x9;
	_ =	strace $0x80000048  }
0xb7: {  	_ =	swait.ge [sflag:s29], $0x1  }
0xb8: {  	[sflag:s29] =	ssyncadd.s32 $0xFFFFFFFF  }
0xb9: {  	_ =	strace $0x90000048  }
0xba: {  	_ =	sfence  }
0xbb: {  	s30 =	sld [smem:$0x0];
	_ =	sdelay $0x2  }
0xbc: {  	s31 =	sshll.u32 s1, $0xD;
	s1 =	sshrl.u32 s1, $0x2  }
0xbd: {  	s3 =	sand.u32 $0x4000, s31;
	s1 =	sadd.s32 s1, s30  }
0xbe: {  	s0 =	sor.u32 s3, s0;
	s1 =	sshll.u32 s1, $0x11  }
0xbf: {  	s0 =	sor.u32 s1, s0  }
0xc0: {  	s0 =	sadd.s32 $0x8F2B, s0  }
0xc1: {  	[sflag:s0] =	ssyncadd.remote.s32 $0x1  }
0xc2: {  	_ =	sfence.sel $0xFFFF  }
0xc3: {  	[dreg:$0x0] =	wrdreg $0xFFFFFFFF;
	(pc) =	sbr.abs _section_cstart, $3  }
0xc4: {  	[dreg:$0x1] =	wrdreg $0xFFFFFFFF  }
0xc5: {  	_ =	task.clear_ibuf [dreg:s9], $0x2FFFF;
	_ =	strace $0x9FFFFFFF  }
0xc6: {  	(tm) =	ssettm $0x7FFFFFFF  }
0xc7: {  	_ =	shalt  }
tec
execute0_lowered:
.L_overlay_start_1:
0x0: {  	(tag) =	ssettag $0x1  }
0x1: {  	s0 =	rddreg [dreg:$0x0];
	v0 =	vimm.s32 $0x1380;
	vm0 =	vcmask $0x300;
	vm1 =	vcmask $0x704  }
0x2: {  	s2 =	rddreg [dreg:$0x1];
	v1 =	vimm.s32 $0x3380;
	vm2 =	vcmask $0xB08;
	v0 =	vsel vm0, $0x0, v0  }
0x3: {  	s1 =	rddreg [dreg:$0x2];
	s3 =	srdreg.scid;
	vm4 =	vcmask $0xF0C;
	v1 =	vsel vm0, $0x2000, v1;
	v0 =	vsel vm1, $0x80, v0  }
0x4: {  	s5 =	stileid.u32;
	s4 =	rddreg [dreg:$0x3];
	s7 =	simm.s32 $0x0;
	vm5 =	vcmask $0x1310;
	v1 =	vsel vm1, $0x2080, v1;
	v0 =	vsel vm2, $0x100, v0  }
0x5: {  	s11 =	simm.s32 $0x200;
	s13 =	simm.s32 $0x7A1400;
	s16 =	simm.s32 $0x400;
	v1 =	vsel vm2, $0x2100, v1;
	v0 =	vsel vm4, $0x180, v0  }
0x6: {  	vm6 =	vcmask $0x1714;
	s20 =	simm.s32 $0x5200;
	s21 =	simm.s32 $0x6200;
	s22 =	simm.s32 $0x7200;
	v1 =	vsel vm4, $0x2180, v1;
	v0 =	vsel vm5, $0x200, v0  }
0x7: {  	vm7 =	vcmask $0x1B18;
	s29 =	simm.s32 $0xB200;
	s30 =	simm.s32 $0xC200;
	s31 =	simm.s32 $0xD200;
	v1 =	vsel vm5, $0x2200, v1;
	v0 =	vsel vm6, $0x280, v0  }
0x8: {  	vm8 =	vcmask $0x1F1C;
	s28 =	simm.s32 $0x2;
	s3 =	sand.u32 $0x1, s3;
	s5 =	sshll.u32 s5, $0x1;
	v1 =	vsel vm6, $0x2280, v1;
	v0 =	vsel vm7, $0x300, v0  }
0x9: {  	vm9 =	vcmask $0x2320;
	s19 =	simm.s32 $0x10200;
	[smem:$0x7FF] =	sst s7;
	s5 =	sor.u32 s3, s5;
	v1 =	vsel vm7, $0x2300, v1;
	v0 =	vsel vm8, $0x380, v0  }
0xa: {  	vm10 =	vcmask $0x2724;
	s3 =	ssub.s32 $0x2, s3;
	_ =	strace $0x80000047;
	s6 =	sshll.u32 s5, $0x1;
	v1 =	vsel vm8, $0x2380, v1;
	v0 =	vsel vm9, $0x1000, v0  }
0xb: {  	vm11 =	vcmask $0x2B28;
	s23 =	sshrl.u32 s3, $0x1;
	s24 =	sshll.u32 s5, $0x9;
	s5 =	sshll.u32 s5, $0x6;
	v1 =	vsel vm9, $0x3000, v1;
	v0 =	vsel vm10, $0x1080, v0  }
0xc: {  	vm12 =	vcmask $0x2F2C;
	s4 =	sadd.s32 s6, s4;
	s3 =	ssub.s32 s3, s23;
	s2 =	sadd.s32 s2, s5;
	v1 =	vsel vm10, $0x3080, v1;
	v0 =	vsel vm11, $0x1100, v0  }
.Ltmp0:
0xd: {  	vm13 =	vcmask $0x3330;
	s0 =	sadd.s32 s0, s24;
	s23 =	simm.s32 $0x8200;
	v1 =	vsel vm11, $0x3100, v1;
	v0 =	vsel vm12, $0x1180, v0;
	(pc) =	sbr.rel .LBB2_1-.Ltmp0, $4  }
0xe: {  	s24 =	simm.s32 $0x9200;
	s5 =	simm.s32 $0xF200;
	[dreg:$0x5] =	wrdreg s2;
	v2 =	vsel vm13, $0x1200, v0;
	v0 =	vsel vm12, $0x3180, v1;
	v1 =	vlaneseq.u32  }
0xf: {  	vm14 =	vcmask $0x3734;
	[dreg:$0x6] =	wrdreg s0;
	s25 =	sadd.s32 $0x600, s4;
	s26 =	smax.u32 s3, $0x1;
	v3 =	vsel vm13, $0x3200, v0;
	v0 =	vmul.u32 $0x80, v1  }
0x10: {  	vm15 =	vcmask $0x3B38;
	s3 =	simm.s32 $0x3;
	s2 =	simm.s32 $0xE200;
	[dreg:$0x7] =	wrdreg s25;
	v1 =	vsel vm14, $0x1280, v2;
	v2 =	vsel vm14, $0x3280, v3  }
0x11: {  	s4 =	simm.s32 $0x0;
	[dreg:$0x8] =	wrdreg s26;
	s25 =	simm.s32 $0xA200;
	v1 =	vsel vm15, $0x1300, v1;
	v2 =	vsel vm15, $0x3300, v2;
	v3 =	vor.u32 $0x800, v0  }
.LBB2_4:
0x12: {  	[tilespmem:$0x14200] =	vst v5;
	s7 =	simm.s32 $0x0;
	s0 =	rddreg [dreg:$0x7];
	s3 =	simm.s32 $0x14200  }
0x13: {  	[hbm4b:s0+s7] =	stream.linear.scatter [tilespmem:s3], [sflag:$0x3], $0x10, $0x38;
	[tilespmem:$0x14280] =	vst v63  }
0x14: {  	s3 =	simm.s32 $0x3  }
0x15: {  	_ =	swait.ge [sflag:s3], $0x10  }
0x16: {  	s4 =	rddreg [dreg:$0x9]  }
0x17: {  	s26 =	rddreg [dreg:$0x8];
	s4 =	sadd.s32 $0x1, s4  }
0x18: {  	p0 =	sne.s32 s4, s26  }
.Ltmp1:
0x19: {  	_ = 	snop;
	(pc) =	sbr.rel @!p0 .LBB2_5-.Ltmp1, $3  }
0x1a: {  	_ =	sdelay $0x1  }
0x1b: {  	[sflag:s3] =	ssyncset.done $0x0  }
0x1c: {  	s13 =	simm.s32 $0x7A1400;
	s16 =	simm.s32 $0x400;
	[sflag:s3] =	ssyncadd.s32 $0xFFFFFFF0  }
.LBB2_1:
0x1d: {  	[dreg:$0x9] =	wrdreg s4  }
0x1e: {  	s0 =	rddreg [dreg:$0x5]  }
0x1f: {  	[tilespmem:s7], [sflag:$0x3] =	stream.linear.gather [hbm4b:s0+s7], $0x200, $0x38;
	[tilespmem:$0x14280] =	vst v63  }
0x20: {  	_ =	swait.ge [sflag:s3], $0x200  }
0x21: {  	s17 =	simm.s32 $0x20000;
	[sflag:s3] =	ssyncset.done $0x0  }
0x22: {  	s18 =	simm.s32 $0x1000;
	s15 =	rddreg [dreg:$0x6];
	[sflag:s3] =	ssyncadd.s32 $0xFFFFFE00  }
0x23: {  	[tilespmem:s11], [sflag:$0x1] =	stream.strided.gather [hbm4b:s15+s18], $0x4000, s17, s18, $0x38;
	[tilespmem:$0x14280] =	vst v63  }
0x24: {  	v4 =	vld [tilespmem:$0x0];
	_ =	sdelay $0x4  }
0x25: {  	(v2sf) =	vpush v4, $0x0;
	_ =	sdelay $0x5  }
0x26: {  	(v2sf) =	vpush v4, $0x1;
	_ =	sdelay $0x5  }
0x27: {  	(v2sf) =	vpush v4, $0x2;
	_ =	sdelay $0x2  }
0x28: {  	s0 =	spop (v2sf)  }
0x29: {  	p0 =	slt.s32 s0, $0xF41C0  }
0x2a: {  	s0 =	simm.s32 @!p0 $0xF41C0  }
0x2b: {  	(v2sf) =	vpush v4, $0x3;
	s0 =	sand.u32 $0xFFFFF80, s0  }
0x2c: {  	s26 =	simm.s32 $0x4200;
	s0 =	sadd.s32 s1, s0  }
0x2d: {  	[tilespmem:s26], [sflag:$0x2] =	stream.strided.gather [hbm4b:s0+s16], $0x1000, s13, s16, $0x38;
	[tilespmem:$0x14280] =	vst v63  }
0x2e: {  	s0 =	spop (v2sf)  }
0x2f: {  	p0 =	slt.s32 s0, $0xF41C0  }
0x30: {  	s0 =	simm.s32 @!p0 $0xF41C0  }
0x31: {  	(v2sf) =	vpush v4, $0x4;
	s0 =	sand.u32 $0xFFFFF80, s0  }
0x32: {  	s0 =	sadd.s32 s1, s0  }
0x33: {  	[tilespmem:s20], [sflag:$0x2] =	stream.strided.gather [hbm4b:s0+s16], $0x1000, s13, s16, $0x38;
	[tilespmem:$0x14280] =	vst v63  }
0x34: {  	s0 =	spop (v2sf)  }
0x35: {  	p0 =	slt.s32 s0, $0xF41C0  }
0x36: {  	s0 =	simm.s32 @!p0 $0xF41C0  }
0x37: {  	(v2sf) =	vpush v4, $0x5;
	s0 =	sand.u32 $0xFFFFF80, s0  }
0x38: {  	s0 =	sadd.s32 s1, s0  }
0x39: {  	[tilespmem:s21], [sflag:$0x2] =	stream.strided.gather [hbm4b:s0+s16], $0x1000, s13, s16, $0x38;
	[tilespmem:$0x14280] =	vst v63  }
0x3a: {  	s0 =	spop (v2sf)  }
0x3b: {  	p0 =	slt.s32 s0, $0xF41C0  }
0x3c: {  	s0 =	simm.s32 @!p0 $0xF41C0  }
0x3d: {  	(v2sf) =	vpush v4, $0x6;
	s0 =	sand.u32 $0xFFFFF80, s0  }
0x3e: {  	s0 =	sadd.s32 s1, s0  }
0x3f: {  	[tilespmem:s22], [sflag:$0x2] =	stream.strided.gather [hbm4b:s0+s16], $0x1000, s13, s16, $0x38;
	[tilespmem:$0x14280] =	vst v63  }
0x40: {  	s0 =	spop (v2sf)  }
0x41: {  	p0 =	slt.s32 s0, $0xF41C0  }
0x42: {  	s0 =	simm.s32 @!p0 $0xF41C0  }
0x43: {  	(v2sf) =	vpush v4, $0x7;
	s0 =	sand.u32 $0xFFFFF80, s0  }
0x44: {  	s0 =	sadd.s32 s1, s0  }
0x45: {  	[tilespmem:s23], [sflag:$0x2] =	stream.strided.gather [hbm4b:s0+s16], $0x1000, s13, s16, $0x38;
	[tilespmem:$0x14280] =	vst v63  }
0x46: {  	s0 =	spop (v2sf)  }
0x47: {  	p0 =	slt.s32 s0, $0xF41C0  }
0x48: {  	s0 =	simm.s32 @!p0 $0xF41C0  }
0x49: {  	(v2sf) =	vpush v4, $0x8;
	s0 =	sand.u32 $0xFFFFF80, s0  }
0x4a: {  	s0 =	sadd.s32 s1, s0  }
0x4b: {  	[tilespmem:s24], [sflag:$0x2] =	stream.strided.gather [hbm4b:s0+s16], $0x1000, s13, s16, $0x38;
	[tilespmem:$0x14280] =	vst v63  }
0x4c: {  	s0 =	spop (v2sf)  }
0x4d: {  	(v2sf) =	vpush v4, $0x9;
	p0 =	slt.s32 s0, $0xF41C0  }
0x4e: {  	s0 =	simm.s32 @!p0 $0xF41C0  }
0x4f: {  	s0 =	sand.u32 $0xFFFFF80, s0  }
0x50: {  	s0 =	sadd.s32 s1, s0  }
0x51: {  	[tilespmem:s25], [sflag:$0x2] =	stream.strided.gather [hbm4b:s0+s16], $0x1000, s13, s16, $0x38;
	[tilespmem:$0x14280] =	vst v63  }
0x52: {  	s0 =	spop (v2sf);
	(v2sf) =	vpush v4, $0xA  }
0x53: {  	p0 =	slt.s32 s0, $0xF41C0  }
0x54: {  	s0 =	simm.s32 @!p0 $0xF41C0  }
0x55: {  	s0 =	sand.u32 $0xFFFFF80, s0  }
0x56: {  	s0 =	sadd.s32 s1, s0  }
0x57: {  	[tilespmem:s29], [sflag:$0x2] =	stream.strided.gather [hbm4b:s0+s16], $0x1000, s13, s16, $0x38;
	[tilespmem:$0x14280] =	vst v63  }
0x58: {  	s0 =	spop (v2sf)  }
0x59: {  	(v2sf) =	vpush v4, $0xB;
	p0 =	slt.s32 s0, $0xF41C0  }
0x5a: {  	s0 =	simm.s32 @!p0 $0xF41C0  }
0x5b: {  	s0 =	sand.u32 $0xFFFFF80, s0  }
0x5c: {  	s0 =	sadd.s32 s1, s0;
	s3 =	spop (v2sf)  }
0x5d: {  	[tilespmem:s30], [sflag:$0x2] =	stream.strided.gather [hbm4b:s0+s16], $0x1000, s13, s16, $0x38;
	[tilespmem:$0x14280] =	vst v63  }
0x5e: {  	p0 =	slt.s32 s3, $0xF41C0  }
0x5f: {  	s3 =	simm.s32 @!p0 $0xF41C0  }
0x60: {  	s29 =	sand.u32 $0xFFFFF80, s3  }
0x61: {  	s0 =	sadd.s32 s1, s29;
	s3 =	spop (v2sf)  }
0x62: {  	[tilespmem:s31], [sflag:$0x2] =	stream.strided.gather [hbm4b:s0+s16], $0x1000, s13, s16, $0x38;
	[tilespmem:$0x14280] =	vst v63  }
0x63: {  	p0 =	slt.s32 s3, $0xF41C0  }
0x64: {  	s3 =	simm.s32 @!p0 $0xF41C0  }
0x65: {  	s30 =	sand.u32 $0xFFFFF80, s3  }
0x66: {  	s0 =	sadd.s32 s1, s30  }
0x67: {  	[tilespmem:s2], [sflag:$0x2] =	stream.strided.gather [hbm4b:s0+s16], $0x1000, s13, s16, $0x38;
	[tilespmem:$0x14280] =	vst v63  }
0x68: {  	s0 =	spop (v2sf)  }
0x69: {  	p0 =	slt.s32 s0, $0xF41C0  }
0x6a: {  	s0 =	simm.s32 @!p0 $0xF41C0  }
0x6b: {  	s0 =	sand.u32 $0xFFFFF80, s0  }
0x6c: {  	s31 =	simm.s32 $0x1;
	s0 =	sadd.s32 s1, s0  }
0x6d: {  	[tilespmem:s5], [sflag:$0x2] =	stream.strided.gather [hbm4b:s0+s16], $0x1000, s13, s16, $0x38;
	[tilespmem:$0x14280] =	vst v63  }
0x6e: {  	_ =	swait.ge [sflag:s31], $0x4000  }
0x6f: {  	s10 =	simm.s32 $0x0;
	[sflag:s31] =	ssyncset.done $0x0  }
0x70: {  	v5 =	vimm.f32 $0.0e+00;
	s12 =	simm.s32 $0xF200;
	s0 =	simm.s32 $0x0;
	[sflag:s31] =	ssyncadd.s32 $0xFFFFC000  }
.LBB2_2:
0x71: {  	v19 =	vld [tilespmem:s10+$0x0];
	_ =	sdelay $0x4  }
0x72: {  	(v2sf) =	vpush v19, $0x0;
	_ =	sdelay $0x5  }
0x73: {  	v4 =	vmov s0  }
0x74: {  	v6 =	vshll.u32 v4, $0x3  }
0x75: {  	v4 =	vand.u32 $0x70, v4;
	v6 =	vand.u32 $0xC00, v6  }
0x76: {  	v4 =	vor.u32 v4, v6  }
0x77: {  	v6 =	vor.u32 v1, v4  }
0x78: {  	v8 =	vor.u32 v2, v4;
	_ =	sdelay $0x1  }
0x79: {  	s3 =	smin.u32 s0, $0x1E0  }
0x7a: {  	v4 =	vld [tilespmem:s3+$0x10]  }
0x7b: {  	v7 =	vld.idx.msk [tilespmem:v6+s11+$0x0], $0xffff;
	s2 =	spop (v2sf)  }
0x7c: {  	v6 =	vld.idx.msk [tilespmem:v8+s11+$0x0], $0xffff;
	_ =	swait.ge [sflag:s28], $0x1000  }
0x7d: {  	(v2sf) =	vpush v19, $0xC;
	_ =	sdelay $0x6  }
0x7e: {  	(v2sf) =	vpush v19, $0x1;
	_ =	sdelay $0x3  }
0x7f: {  	s4 =	sand.u32 $0xFFFFFF80, s2  }
0x80: {  	s5 =	sadd.s32 $0x1, s0;
	p0 =	slt.s32 s4, $0xF41C0  }
0x81: {  	v46 =	vmov s5;
	s4 =	simm.s32 @!p0 $0xF41C0  }
0x82: {  	v10 =	vshll.u32 v46, $0x3;
	s3 =	ssub.s32 s2, s4  }
0x83: {  	v10 =	vand.u32 $0xC00, v10;
	v8 =	vand.u32 $0x71, v46;
	v9 =	vadd.s32 s3, v0;
	s14 =	spop (v2sf)  }
0x84: {  	v8 =	vor.u32 v8, v10;
	v12 =	vadd.s32 s3, v3;
	s15 =	sand.u32 $0xFFFFFF80, s14  }
0x85: {  	v13 =	vor.u32 v1, v8;
	p0 =	slt.s32 s15, $0xF41C0  }
0x86: {  	v8 =	vor.u32 v2, v8;
	[sflag:s28] =	ssyncset.done $0x0;
	s15 =	simm.s32 @!p0 $0xF41C0  }
0x87: {  	s5 =	simm.s32 $0x4200;
	[sflag:s28] =	ssyncadd.s32 $0xFFFFF000;
	s6 =	sand.u32 $0xFFFFF80, s15  }
0x88: {  	v11 =	vld.idx.msk [tilespmem:v9+s5+$0x0], $0xffff;
	s3 =	sadd.s32 s1, s6  }
0x89: {  	v10 =	vld.idx.msk [tilespmem:v12+s5+$0x0], $0xffff;
	[tilespmem:s19], [sflag:$0x2] =	stream.strided.gather [hbm4b:s3+s16], $0x1000, s13, s16, $0x38  }
0x8a: {  	s7 =	spop (v2sf);
	v9 =	vld.idx.msk [tilespmem:v13+s11+$0x0], $0xffff  }
0x8b: {  	v8 =	vld.idx.msk [tilespmem:v8+s11+$0x0], $0xffff;
	_ =	swait.ge [sflag:s28], $0x1000  }
0x8c: {  	(v2sf) =	vpush v19, $0xD;
	_ =	sdelay $0x6  }
0x8d: {  	(v2sf) =	vpush v19, $0x2;
	_ =	sdelay $0x3  }
0x8e: {  	s4 =	sand.u32 $0xFFFFFF80, s7  }
0x8f: {  	s8 =	sadd.s32 $0x2, s0;
	p0 =	slt.s32 s4, $0xF41C0  }
0x90: {  	v47 =	vmov s8;
	s4 =	simm.s32 @!p0 $0xF41C0  }
0x91: {  	v14 =	vshll.u32 v47, $0x3;
	s3 =	ssub.s32 s7, s4  }
0x92: {  	v14 =	vand.u32 $0xC00, v14;
	v12 =	vand.u32 $0x72, v47;
	v48 =	vadd.s32 s3, v0;
	s7 =	spop (v2sf)  }
0x93: {  	v12 =	vor.u32 v12, v14;
	v16 =	vadd.s32 s3, v3;
	s26 =	sand.u32 $0xFFFFFF80, s7  }
0x94: {  	v17 =	vor.u32 v1, v12;
	p0 =	slt.s32 s26, $0xF41C0  }
0x95: {  	v12 =	vor.u32 v2, v12;
	[sflag:s28] =	ssyncset.done $0x0;
	s26 =	simm.s32 @!p0 $0xF41C0  }
0x96: {  	s9 =	simm.s32 $0x5200;
	[sflag:s28] =	ssyncadd.s32 $0xFFFFF000;
	s17 =	sand.u32 $0xFFFFF80, s26  }
0x97: {  	s2 =	simm.s32 $0x11200;
	v15 =	vld.idx.msk [tilespmem:v48+s9+$0x0], $0xffff;
	s3 =	sadd.s32 s1, s17  }
0x98: {  	v14 =	vld.idx.msk [tilespmem:v16+s9+$0x0], $0xffff;
	[tilespmem:s2], [sflag:$0x2] =	stream.strided.gather [hbm4b:s3+s16], $0x1000, s13, s16, $0x38  }
0x99: {  	s18 =	spop (v2sf);
	v13 =	vld.idx.msk [tilespmem:v17+s11+$0x0], $0xffff  }
0x9a: {  	v12 =	vld.idx.msk [tilespmem:v12+s11+$0x0], $0xffff;
	_ =	swait.ge [sflag:s28], $0x1000  }
0x9b: {  	(v2sf) =	vpush v19, $0xE;
	_ =	sdelay $0x6  }
0x9c: {  	(v2sf) =	vpush v19, $0x3;
	_ =	sdelay $0x3  }
0x9d: {  	s4 =	sand.u32 $0xFFFFFF80, s18  }
0x9e: {  	s21 =	sadd.s32 $0x3, s0;
	p0 =	slt.s32 s4, $0xF41C0  }
0x9f: {  	v49 =	vmov s21;
	s4 =	simm.s32 @!p0 $0xF41C0  }
0xa0: {  	v18 =	vshll.u32 v49, $0x3;
	s3 =	ssub.s32 s18, s4  }
0xa1: {  	v18 =	vand.u32 $0xC00, v18;
	v16 =	vand.u32 $0x73, v49;
	v50 =	vadd.s32 s3, v0;
	s4 =	spop (v2sf)  }
0xa2: {  	v16 =	vor.u32 v16, v18;
	v21 =	vadd.s32 s3, v3;
	s6 =	sand.u32 $0xFFFFFF80, s4  }
0xa3: {  	v18 =	vor.u32 v1, v16;
	p0 =	slt.s32 s6, $0xF41C0  }
0xa4: {  	v16 =	vor.u32 v2, v16;
	[sflag:s28] =	ssyncset.done $0x0;
	s6 =	simm.s32 @!p0 $0xF41C0  }
0xa5: {  	s22 =	simm.s32 $0x6200;
	[sflag:s28] =	ssyncadd.s32 $0xFFFFF000;
	s23 =	sand.u32 $0xFFFFF80, s6  }
0xa6: {  	s24 =	simm.s32 $0x12200;
	v20 =	vld.idx.msk [tilespmem:v50+s22+$0x0], $0xffff;
	s3 =	sadd.s32 s1, s23  }
0xa7: {  	v17 =	vld.idx.msk [tilespmem:v21+s22+$0x0], $0xffff;
	[tilespmem:s24], [sflag:$0x2] =	stream.strided.gather [hbm4b:s3+s16], $0x1000, s13, s16, $0x38  }
0xa8: {  	s25 =	spop (v2sf);
	v18 =	vld.idx.msk [tilespmem:v18+s11+$0x0], $0xffff  }
0xa9: {  	v16 =	vld.idx.msk [tilespmem:v16+s11+$0x0], $0xffff;
	_ =	swait.ge [sflag:s28], $0x1000  }
0xaa: {  	(v2sf) =	vpush v19, $0xF;
	_ =	sdelay $0x6  }
0xab: {  	(v2sf) =	vpush v19, $0x4;
	_ =	sdelay $0x3  }
0xac: {  	s8 =	sadd.s32 $0x4, s0;
	s5 =	sand.u32 $0xFFFFFF80, s25  }
0xad: {  	v51 =	vmov s8;
	p0 =	slt.s32 s5, $0xF41C0  }
0xae: {  	v23 =	vshll.u32 v51, $0x3;
	s5 =	simm.s32 @!p0 $0xF41C0  }
0xaf: {  	v23 =	vand.u32 $0xC00, v23;
	s3 =	ssub.s32 s25, s5  }
0xb0: {  	v21 =	vand.u32 $0x74, v51;
	v22 =	vadd.s32 s3, v0;
	v25 =	vadd.s32 s3, v3;
	s3 =	spop (v2sf)  }
0xb1: {  	v21 =	vor.u32 v21, v23;
	s5 =	sand.u32 $0xFFFFFF80, s3  }
0xb2: {  	v23 =	vor.u32 v1, v21;
	p0 =	slt.s32 s5, $0xF41C0  }
0xb3: {  	v21 =	vor.u32 v2, v21;
	[sflag:s28] =	ssyncset.done $0x0;
	s5 =	simm.s32 @!p0 $0xF41C0  }
0xb4: {  	s9 =	simm.s32 $0x7200;
	[sflag:s28] =	ssyncadd.s32 $0xFFFFF000;
	s2 =	sand.u32 $0xFFFFF80, s5  }
0xb5: {  	s17 =	simm.s32 $0x13200;
	v24 =	vld.idx.msk [tilespmem:v22+s9+$0x0], $0xffff;
	s8 =	sadd.s32 s1, s2  }
0xb6: {  	v22 =	vld.idx.msk [tilespmem:v25+s9+$0x0], $0xffff;
	[tilespmem:s17], [sflag:$0x2] =	stream.strided.gather [hbm4b:s8+s16], $0x1000, s13, s16, $0x38  }
0xb7: {  	s18 =	spop (v2sf);
	v23 =	vld.idx.msk [tilespmem:v23+s11+$0x0], $0xffff  }
0xb8: {  	p0 =	seq.s32 s0, $0x1F0;
	v21 =	vld.idx.msk [tilespmem:v21+s11+$0x0], $0xffff;
	_ =	swait.ge [sflag:s28], $0x1000  }
0xb9: {  	(v2sf) =	vpush @!p0 v4, $0x0;
	_ =	sdelay $0x6  }
0xba: {  	(v2sf) =	vpush v19, $0x5;
	_ =	sdelay $0x3  }
0xbb: {  	s9 =	sand.u32 $0xFFFFFF80, s18  }
0xbc: {  	s23 =	sadd.s32 $0x5, s0;
	p1 =	slt.s32 s9, $0xF41C0  }
0xbd: {  	v52 =	vmov s23;
	s9 =	simm.s32 @!p1 $0xF41C0  }
0xbe: {  	v27 =	vshll.u32 v52, $0x3;
	s8 =	ssub.s32 s18, s9  }
0xbf: {  	v27 =	vand.u32 $0xC00, v27;
	v25 =	vand.u32 $0x75, v52;
	v26 =	vadd.s32 s8, v0;
	s9 =	spop @!p0 (v2sf)  }
0xc0: {  	v25 =	vor.u32 v25, v27;
	v29 =	vadd.s32 s8, v3;
	p1 =	slt.s32 @!p0 s9, $0xF41C0  }
0xc1: {  	v27 =	vor.u32 v1, v25;
	p1 =	por !p1, p0  }
0xc2: {  	s24 =	simm.s32 $0x8200;
	v25 =	vor.u32 v2, v25;
	[sflag:s28] =	ssyncset.done $0x0;
	s9 =	simm.s32 @p1 $0xF41C0  }
0xc3: {  	s17 =	simm.s32 @!p0 $0x4200;
	[sflag:s28] =	ssyncadd.s32 $0xFFFFF000;
	s8 =	sand.u32 @!p0 $0xFFFFF80, s9  }
0xc4: {  	v28 =	vld.idx.msk [tilespmem:v26+s24+$0x0], $0xffff;
	s9 =	simm.s32 @!p0 $0x7A1400;
	s16 =	sadd.s32 @!p0 s1, s8;
	s8 =	simm.s32 @!p0 $0x400  }
0xc5: {  	v26 =	vld.idx.msk [tilespmem:v29+s24+$0x0], $0xffff;
	[tilespmem:s17], [sflag:$0x2] =	stream.strided.gather @!p0 [hbm4b:s16+s8], $0x1000, s9, s8, $0x38  }
0xc6: {  	s25 =	spop (v2sf);
	v27 =	vld.idx.msk [tilespmem:v27+s11+$0x0], $0xffff  }
0xc7: {  	v25 =	vld.idx.msk [tilespmem:v25+s11+$0x0], $0xffff;
	_ =	swait.ge [sflag:s28], $0x1000  }
0xc8: {  	(v2sf) =	vpush @!p0 v4, $0x1;
	_ =	sdelay $0x6  }
0xc9: {  	(v2sf) =	vpush v19, $0x6;
	_ =	sdelay $0x3  }
0xca: {  	s18 =	sadd.s32 $0x6, s0;
	s17 =	sand.u32 $0xFFFFFF80, s25  }
0xcb: {  	v53 =	vmov s18;
	p1 =	slt.s32 s17, $0xF41C0  }
0xcc: {  	v31 =	vshll.u32 v53, $0x3;
	s17 =	simm.s32 @!p1 $0xF41C0  }
0xcd: {  	v31 =	vand.u32 $0xC00, v31;
	s16 =	ssub.s32 s25, s17  }
0xce: {  	v29 =	vand.u32 $0x76, v53;
	v30 =	vadd.s32 s16, v0;
	v33 =	vadd.s32 s16, v3;
	s16 =	spop @!p0 (v2sf)  }
0xcf: {  	v29 =	vor.u32 v29, v31;
	p1 =	slt.s32 @!p0 s16, $0xF41C0  }
0xd0: {  	v34 =	vor.u32 v1, v29;
	p1 =	por !p1, p0  }
0xd1: {  	v29 =	vor.u32 v2, v29;
	[sflag:s28] =	ssyncset.done $0x0;
	s16 =	simm.s32 @p1 $0xF41C0  }
0xd2: {  	s2 =	simm.s32 $0x9200;
	[sflag:s28] =	ssyncadd.s32 $0xFFFFF000;
	s16 =	sand.u32 @!p0 $0xFFFFF80, s16  }
0xd3: {  	s17 =	simm.s32 @!p0 $0x5200;
	v32 =	vld.idx.msk [tilespmem:v30+s2+$0x0], $0xffff;
	s16 =	sadd.s32 @!p0 s1, s16  }
0xd4: {  	v31 =	vld.idx.msk [tilespmem:v33+s2+$0x0], $0xffff;
	[tilespmem:s17], [sflag:$0x2] =	stream.strided.gather @!p0 [hbm4b:s16+s8], $0x1000, s9, s8, $0x38  }
0xd5: {  	s18 =	spop (v2sf);
	v30 =	vld.idx.msk [tilespmem:v34+s11+$0x0], $0xffff  }
0xd6: {  	v29 =	vld.idx.msk [tilespmem:v29+s11+$0x0], $0xffff;
	_ =	swait.ge [sflag:s28], $0x1000  }
0xd7: {  	(v2sf) =	vpush @!p0 v4, $0x2;
	_ =	sdelay $0x6  }
0xd8: {  	(v2sf) =	vpush v19, $0x7;
	_ =	sdelay $0x3  }
0xd9: {  	s25 =	sadd.s32 $0x7, s0;
	s17 =	sand.u32 $0xFFFFFF80, s18  }
0xda: {  	v54 =	vmov s25;
	p1 =	slt.s32 s17, $0xF41C0  }
0xdb: {  	v35 =	vshll.u32 v54, $0x3;
	s17 =	simm.s32 @!p1 $0xF41C0  }
0xdc: {  	v35 =	vand.u32 $0xC00, v35;
	s16 =	ssub.s32 s18, s17  }
0xdd: {  	v33 =	vand.u32 $0x77, v54;
	v55 =	vadd.s32 s16, v0;
	v37 =	vadd.s32 s16, v3;
	s16 =	spop @!p0 (v2sf)  }
0xde: {  	v33 =	vor.u32 v33, v35;
	p1 =	slt.s32 @!p0 s16, $0xF41C0  }
0xdf: {  	v38 =	vor.u32 v1, v33;
	p1 =	por !p1, p0  }
0xe0: {  	v33 =	vor.u32 v2, v33;
	[sflag:s28] =	ssyncset.done $0x0;
	s16 =	simm.s32 @p1 $0xF41C0  }
0xe1: {  	s2 =	simm.s32 $0xA200;
	[sflag:s28] =	ssyncadd.s32 $0xFFFFF000;
	s16 =	sand.u32 @!p0 $0xFFFFF80, s16  }
0xe2: {  	s17 =	simm.s32 @!p0 $0x6200;
	v36 =	vld.idx.msk [tilespmem:v55+s2+$0x0], $0xffff;
	s16 =	sadd.s32 @!p0 s1, s16  }
0xe3: {  	v35 =	vld.idx.msk [tilespmem:v37+s2+$0x0], $0xffff;
	[tilespmem:s17], [sflag:$0x2] =	stream.strided.gather @!p0 [hbm4b:s16+s8], $0x1000, s9, s8, $0x38  }
0xe4: {  	s18 =	spop (v2sf);
	v34 =	vld.idx.msk [tilespmem:v38+s11+$0x0], $0xffff  }
0xe5: {  	v33 =	vld.idx.msk [tilespmem:v33+s11+$0x0], $0xffff;
	_ =	swait.ge [sflag:s28], $0x1000  }
0xe6: {  	(v2sf) =	vpush @!p0 v4, $0x3;
	_ =	sdelay $0x6  }
0xe7: {  	(v2sf) =	vpush v19, $0x8;
	_ =	sdelay $0x3  }
0xe8: {  	s17 =	sand.u32 $0xFFFFFF80, s18  }
0xe9: {  	s2 =	sadd.s32 $0x8, s0;
	p1 =	slt.s32 s17, $0xF41C0  }
0xea: {  	v56 =	vmov s2;
	s17 =	simm.s32 @!p1 $0xF41C0  }
0xeb: {  	v39 =	vshll.u32 v56, $0x3;
	v37 =	vand.u32 $0x78, v56;
	s16 =	ssub.s32 s18, s17  }
0xec: {  	v39 =	vand.u32 $0xC00, v39;
	v57 =	vadd.s32 s16, v0;
	v41 =	vadd.s32 s16, v3;
	s16 =	spop @!p0 (v2sf)  }
0xed: {  	v37 =	vor.u32 v37, v39;
	p1 =	slt.s32 @!p0 s16, $0xF41C0  }
0xee: {  	v39 =	vor.u32 v1, v37;
	p1 =	por !p1, p0  }
0xef: {  	v37 =	vor.u32 v2, v37;
	[sflag:s28] =	ssyncset.done $0x0;
	s16 =	simm.s32 @p1 $0xF41C0  }
0xf0: {  	s2 =	simm.s32 $0xB200;
	[sflag:s28] =	ssyncadd.s32 $0xFFFFF000;
	s16 =	sand.u32 @!p0 $0xFFFFF80, s16  }
0xf1: {  	s17 =	simm.s32 @!p0 $0x7200;
	v40 =	vld.idx.msk [tilespmem:v57+s2+$0x0], $0xffff;
	s16 =	sadd.s32 @!p0 s1, s16  }
0xf2: {  	v38 =	vld.idx.msk [tilespmem:v41+s2+$0x0], $0xffff;
	[tilespmem:s17], [sflag:$0x2] =	stream.strided.gather @!p0 [hbm4b:s16+s8], $0x1000, s9, s8, $0x38  }
0xf3: {  	s18 =	spop (v2sf);
	v39 =	vld.idx.msk [tilespmem:v39+s11+$0x0], $0xffff  }
0xf4: {  	v37 =	vld.idx.msk [tilespmem:v37+s11+$0x0], $0xffff;
	_ =	swait.ge [sflag:s28], $0x1000  }
0xf5: {  	(v2sf) =	vpush @!p0 v4, $0x4;
	_ =	sdelay $0x6  }
0xf6: {  	(v2sf) =	vpush v19, $0x9;
	_ =	sdelay $0x3  }
0xf7: {  	s17 =	sand.u32 $0xFFFFFF80, s18  }
0xf8: {  	s2 =	sadd.s32 $0x9, s0;
	p1 =	slt.s32 s17, $0xF41C0  }
0xf9: {  	v58 =	vmov s2;
	s17 =	simm.s32 @!p1 $0xF41C0  }
0xfa: {  	v43 =	vshll.u32 v58, $0x3;
	v41 =	vand.u32 $0x79, v58;
	s16 =	ssub.s32 s18, s17  }
0xfb: {  	v43 =	vand.u32 $0xC00, v43;
	v42 =	vadd.s32 s16, v0;
	v44 =	vadd.s32 s16, v3;
	s16 =	spop @!p0 (v2sf)  }
0xfc: {  	v41 =	vor.u32 v41, v43;
	p1 =	slt.s32 @!p0 s16, $0xF41C0  }
0xfd: {  	v45 =	vor.u32 v1, v41;
	p1 =	por !p1, p0  }
0xfe: {  	v46 =	vor.u32 v2, v41;
	[sflag:s28] =	ssyncset.done $0x0;
	s16 =	simm.s32 @p1 $0xF41C0  }
0xff: {  	s2 =	simm.s32 $0xC200;
	[sflag:s28] =	ssyncadd.s32 $0xFFFFF000;
	s16 =	sand.u32 @!p0 $0xFFFFF80, s16  }
0x100: {  	s17 =	simm.s32 @!p0 $0x8200;
	v43 =	vld.idx.msk [tilespmem:v42+s2+$0x0], $0xffff;
	s16 =	sadd.s32 @!p0 s1, s16  }
0x101: {  	v41 =	vld.idx.msk [tilespmem:v44+s2+$0x0], $0xffff;
	[tilespmem:s17], [sflag:$0x2] =	stream.strided.gather @!p0 [hbm4b:s16+s8], $0x1000, s9, s8, $0x38  }
0x102: {  	s18 =	spop (v2sf);
	v44 =	vld.idx.msk [tilespmem:v45+s11+$0x0], $0xffff  }
0x103: {  	v42 =	vld.idx.msk [tilespmem:v46+s11+$0x0], $0xffff;
	_ =	swait.ge [sflag:s28], $0x1000  }
0x104: {  	(v2sf) =	vpush @!p0 v4, $0x5;
	_ =	sdelay $0x6  }
0x105: {  	(v2sf) =	vpush v19, $0xA;
	_ =	sdelay $0x3  }
0x106: {  	s2 =	sadd.s32 $0xA, s0;
	s17 =	sand.u32 $0xFFFFFF80, s18  }
0x107: {  	v59 =	vmov s2;
	p1 =	slt.s32 s17, $0xF41C0  }
0x108: {  	v47 =	vshll.u32 v59, $0x3;
	s17 =	simm.s32 @!p1 $0xF41C0  }
0x109: {  	v47 =	vand.u32 $0xC00, v47;
	s16 =	ssub.s32 s18, s17  }
0x10a: {  	v45 =	vand.u32 $0x7A, v59;
	v60 =	vadd.s32 s16, v0;
	v49 =	vadd.s32 s16, v3;
	s16 =	spop @!p0 (v2sf)  }
0x10b: {  	v45 =	vor.u32 v45, v47;
	p1 =	slt.s32 @!p0 s16, $0xF41C0  }
0x10c: {  	v47 =	vor.u32 v1, v45;
	p1 =	por !p1, p0  }
0x10d: {  	[sflag:s28] =	ssyncset.done $0x0;
	v45 =	vor.u32 v2, v45;
	s16 =	simm.s32 @p1 $0xF41C0  }
0x10e: {  	s2 =	simm.s32 $0xD200;
	[sflag:s28] =	ssyncadd.s32 $0xFFFFF000;
	s16 =	sand.u32 @!p0 $0xFFFFF80, s16  }
0x10f: {  	s17 =	simm.s32 @!p0 $0x9200;
	v48 =	vld.idx.msk [tilespmem:v60+s2+$0x0], $0xffff;
	s16 =	sadd.s32 @!p0 s1, s16  }
0x110: {  	v46 =	vld.idx.msk [tilespmem:v49+s2+$0x0], $0xffff;
	[tilespmem:s17], [sflag:$0x2] =	stream.strided.gather @!p0 [hbm4b:s16+s8], $0x1000, s9, s8, $0x38  }
0x111: {  	s18 =	spop (v2sf);
	v47 =	vld.idx.msk [tilespmem:v47+s11+$0x0], $0xffff  }
0x112: {  	v45 =	vld.idx.msk [tilespmem:v45+s11+$0x0], $0xffff;
	_ =	swait.ge [sflag:s28], $0x1000  }
0x113: {  	(v2sf) =	vpush @!p0 v4, $0x6;
	_ =	sdelay $0x6  }
0x114: {  	(v2sf) =	vpush v19, $0xB;
	_ =	sdelay $0x3  }
0x115: {  	s17 =	sand.u32 $0xFFFFFF80, s18  }
0x116: {  	s2 =	sadd.s32 $0xB, s0;
	p1 =	slt.s32 s17, $0xF41C0  }
0x117: {  	v61 =	vmov s2;
	s17 =	simm.s32 @!p1 $0xF41C0  }
0x118: {  	v50 =	vshll.u32 v61, $0x3;
	s16 =	ssub.s32 s18, s17  }
0x119: {  	v50 =	vand.u32 $0xC00, v50;
	v19 =	vand.u32 $0x7B, v61;
	v62 =	vadd.s32 s16, v0;
	s17 =	spop @!p0 (v2sf)  }
0x11a: {  	v52 =	vadd.s32 s16, v3;
	v19 =	vor.u32 v19, v50;
	p1 =	slt.s32 @!p0 s17, $0xF41C0  }
0x11b: {  	v53 =	vor.u32 v1, v19;
	p1 =	por !p1, p0  }
0x11c: {  	[sflag:s28] =	ssyncset.done $0x0;
	v19 =	vor.u32 v2, v19;
	s17 =	simm.s32 @p1 $0xF41C0  }
0x11d: {  	[sflag:s28] =	ssyncadd.s32 $0xFFFFF000;
	s18 =	simm.s32 $0xE200;
	s16 =	sand.u32 @!p0 $0xFFFFF80, s17  }
0x11e: {  	v51 =	vld.idx.msk [tilespmem:v62+s18+$0x0], $0xffff;
	s17 =	simm.s32 @!p0 $0xA200;
	s16 =	sadd.s32 @!p0 s1, s16  }
0x11f: {  	v50 =	vld.idx.msk [tilespmem:v52+s18+$0x0], $0xffff;
	[tilespmem:s17], [sflag:$0x2] =	stream.strided.gather @!p0 [hbm4b:s16+s8], $0x1000, s9, s8, $0x38  }
0x120: {  	s16 =	spop (v2sf);
	v49 =	vld.idx.msk [tilespmem:v53+s11+$0x0], $0xffff  }
0x121: {  	v19 =	vld.idx.msk [tilespmem:v19+s11+$0x0], $0xffff;
	_ =	swait.ge [sflag:s28], $0x1000  }
0x122: {  	(v2sf) =	vpush @!p0 v4, $0x7;
	_ =	sdelay $0xa  }
0x123: {  	s17 =	sand.u32 $0xFFFFFF80, s16  }
0x124: {  	s18 =	sadd.s32 $0xC, s0;
	p1 =	slt.s32 s17, $0xF41C0  }
0x125: {  	v63 =	vmov s18;
	s17 =	simm.s32 @!p1 $0xF41C0  }
0x126: {  	v54 =	vshll.u32 v63, $0x3;
	v52 =	vand.u32 $0x7C, v63;
	s16 =	ssub.s32 s16, s17  }
0x127: {  	v54 =	vand.u32 $0xC00, v54;
	v60 =	vadd.s32 s16, v0;
	v56 =	vadd.s32 s16, v3;
	s16 =	spop @!p0 (v2sf)  }
0x128: {  	v52 =	vor.u32 v52, v54;
	p1 =	slt.s32 @!p0 s16, $0xF41C0  }
0x129: {  	v57 =	vor.u32 v1, v52;
	p1 =	por !p1, p0  }
0x12a: {  	v52 =	vor.u32 v2, v52;
	[sflag:s28] =	ssyncset.done $0x0;
	s16 =	simm.s32 @p1 $0xF41C0  }
0x12b: {  	[sflag:s28] =	ssyncadd.s32 $0xFFFFF000;
	s16 =	sand.u32 @!p0 $0xFFFFF80, s16  }
0x12c: {  	s17 =	simm.s32 @!p0 $0xB200;
	v55 =	vld.idx.msk [tilespmem:v60+s12+$0x0], $0xffff;
	s16 =	sadd.s32 @!p0 s1, s16  }
0x12d: {  	v54 =	vld.idx.msk [tilespmem:v56+s12+$0x0], $0xffff;
	[tilespmem:s17], [sflag:$0x2] =	stream.strided.gather @!p0 [hbm4b:s16+s8], $0x1000, s9, s8, $0x38  }
0x12e: {  	v53 =	vld.idx.msk [tilespmem:v57+s11+$0x0], $0xffff  }
0x12f: {  	v52 =	vld.idx.msk [tilespmem:v52+s11+$0x0], $0xffff;
	_ =	swait.ge [sflag:s28], $0x1000  }
0x130: {  	(v2sf) =	vpush @!p0 v4, $0x8;
	_ =	sdelay $0xb  }
0x131: {  	s12 =	sadd.s32 $0xD, s0  }
0x132: {  	s14 =	ssub.s32 s14, s15;
	v61 =	vmov s12  }
0x133: {  	v7 =	vsub.f32 v7, v11;
	v59 =	vadd.s32 s14, v3;
	v58 =	vshll.u32 v61, $0x3  }
0x134: {  	v62 =	vadd.s32 s14, v0;
	v56 =	vand.u32 $0x7D, v61;
	v58 =	vand.u32 $0xC00, v58;
	s14 =	spop @!p0 (v2sf)  }
0x135: {  	v63 =	vor.u32 v56, v58;
	p1 =	slt.s32 @!p0 s14, $0xF41C0  }
0x136: {  	v6 =	vsub.f32 v6, v10;
	v7 =	vmul.f32 v7, v7;
	v56 =	vor.u32 v1, v63;
	p1 =	por !p1, p0  }
0x137: {  	v60 =	vor.u32 v2, v63;
	[sflag:s28] =	ssyncset.done $0x0;
	s14 =	simm.s32 @p1 $0xF41C0  }
0x138: {  	v6 =	vmul.f32 v6, v6;
	v5 =	vadd.f32 v7, v5;
	v7 =	vsub.f32 v9, v15;
	[sflag:s28] =	ssyncadd.s32 $0xFFFFF000;
	s14 =	sand.u32 @!p0 $0xFFFFF80, s14  }
0x139: {  	s15 =	simm.s32 @!p0 $0xC200;
	v61 =	vld.idx.msk [tilespmem:v62+s19+$0x0], $0xffff;
	s14 =	sadd.s32 @!p0 s1, s14  }
0x13a: {  	v6 =	vadd.f32 v6, v5;
	v8 =	vsub.f32 v8, v14;
	v7 =	vmul.f32 v7, v7;
	v62 =	vld.idx.msk [tilespmem:v59+s19+$0x0], $0xffff;
	[tilespmem:s15], [sflag:$0x2] =	stream.strided.gather @!p0 [hbm4b:s14+s8], $0x1000, s9, s8, $0x38  }
0x13b: {  	v63 =	vld.idx.msk [tilespmem:v56+s11+$0x0], $0xffff  }
0x13c: {  	v8 =	vmul.f32 v8, v8;
	v6 =	vadd.f32 v7, v6;
	v7 =	vsub.f32 v13, v20;
	v5 =	vld.idx.msk [tilespmem:v60+s11+$0x0], $0xffff;
	_ =	swait.ge [sflag:s28], $0x1000  }
0x13d: {  	(v2sf) =	vpush @!p0 v4, $0x9  }
0x13e: {  	v6 =	vadd.f32 v8, v6;
	v17 =	vsub.f32 v12, v17;
	v7 =	vmul.f32 v7, v7;
	_ =	sdelay $0x1  }
0x13f: {  	v8 =	vmul.f32 v17, v17;
	v6 =	vadd.f32 v7, v6;
	v7 =	vsub.f32 v18, v24;
	_ =	sdelay $0x1  }
0x140: {  	v6 =	vadd.f32 v8, v6;
	v20 =	vsub.f32 v16, v22;
	v7 =	vmul.f32 v7, v7;
	_ =	sdelay $0x1  }
0x141: {  	v8 =	vmul.f32 v20, v20;
	v6 =	vadd.f32 v7, v6;
	v7 =	vsub.f32 v23, v28;
	_ =	sdelay $0x1  }
0x142: {  	v6 =	vadd.f32 v8, v6;
	v21 =	vsub.f32 v21, v26;
	v7 =	vmul.f32 v7, v7;
	_ =	sdelay $0x1  }
0x143: {  	v6 =	vadd.f32 v7, v6;
	v7 =	vmul.f32 v21, v21  }
0x144: {  	s15 =	sadd.s32 $0xE, s0  }
0x145: {  	s7 =	ssub.s32 s7, s26;
	v6 =	vadd.f32 v7, v6;
	v7 =	vmov s15  }
0x146: {  	v23 =	vadd.s32 s7, v0;
	v26 =	vadd.s32 s7, v3;
	v24 =	vshll.u32 v7, $0x3  }
0x147: {  	v22 =	vsub.f32 v27, v32;
	v7 =	vand.u32 $0x7E, v7;
	v12 =	vand.u32 $0xC00, v24;
	s7 =	spop @!p0 (v2sf)  }
0x148: {  	v7 =	vor.u32 v7, v12;
	p1 =	slt.s32 @!p0 s7, $0xF41C0  }
0x149: {  	v27 =	vsub.f32 v25, v31;
	v8 =	vmul.f32 v22, v22;
	v28 =	vor.u32 v1, v7;
	p1 =	por !p1, p0  }
0x14a: {  	[sflag:s28] =	ssyncset.done $0x0;
	v7 =	vor.u32 v2, v7;
	s7 =	simm.s32 @p1 $0xF41C0  }
0x14b: {  	v15 =	vmul.f32 v27, v27;
	v6 =	vadd.f32 v8, v6;
	v30 =	vsub.f32 v30, v36;
	s16 =	simm.s32 $0x11200;
	[sflag:s28] =	ssyncadd.s32 $0xFFFFF000;
	s7 =	sand.u32 @!p0 $0xFFFFF80, s7  }
0x14c: {  	s14 =	simm.s32 @!p0 $0xD200;
	v10 =	vld.idx.msk [tilespmem:v23+s16+$0x0], $0xffff;
	s7 =	sadd.s32 @!p0 s1, s7  }
0x14d: {  	v6 =	vadd.f32 v15, v6;
	v31 =	vsub.f32 v29, v35;
	v12 =	vmul.f32 v30, v30;
	v13 =	vld.idx.msk [tilespmem:v26+s16+$0x0], $0xffff;
	[tilespmem:s14], [sflag:$0x2] =	stream.strided.gather @!p0 [hbm4b:s7+s8], $0x1000, s9, s8, $0x38  }
0x14e: {  	v8 =	vld.idx.msk [tilespmem:v28+s11+$0x0], $0xffff  }
0x14f: {  	v32 =	vmul.f32 v31, v31;
	v35 =	vsub.f32 v34, v40;
	v6 =	vadd.f32 v12, v6;
	v7 =	vld.idx.msk [tilespmem:v7+s11+$0x0], $0xffff;
	_ =	swait.ge [sflag:s28], $0x1000  }
0x150: {  	(v2sf) =	vpush @!p0 v4, $0xA  }
0x151: {  	v36 =	vsub.f32 v33, v38;
	v15 =	vmul.f32 v35, v35;
	v6 =	vadd.f32 v32, v6;
	_ =	sdelay $0x1  }
0x152: {  	v38 =	vsub.f32 v39, v43;
	v12 =	vmul.f32 v36, v36;
	v6 =	vadd.f32 v15, v6;
	_ =	sdelay $0x1  }
0x153: {  	v39 =	vsub.f32 v37, v41;
	v15 =	vmul.f32 v38, v38;
	v6 =	vadd.f32 v12, v6;
	_ =	sdelay $0x1  }
0x154: {  	v40 =	vsub.f32 v44, v48;
	v12 =	vmul.f32 v39, v39;
	v6 =	vadd.f32 v15, v6;
	_ =	sdelay $0x1  }
0x155: {  	v41 =	vsub.f32 v42, v46;
	v15 =	vmul.f32 v40, v40;
	v6 =	vadd.f32 v12, v6;
	_ =	sdelay $0x1  }
0x156: {  	s4 =	ssub.s32 s4, s6;
	v42 =	vsub.f32 v47, v51;
	v12 =	vmul.f32 v41, v41;
	v6 =	vadd.f32 v15, v6  }
0x157: {  	v44 =	vsub.f32 v45, v50;
	v45 =	vadd.s32 s4, v0;
	v47 =	vadd.s32 s4, v3;
	s17 =	sadd.s32 $0xF, s0  }
0x158: {  	v43 =	vmul.f32 v42, v42;
	v46 =	vmov s17;
	v6 =	vadd.f32 v12, v6  }
0x159: {  	v50 =	vsub.f32 v49, v55;
	v48 =	vshll.u32 v46, $0x3;
	v16 =	vand.u32 $0x7F, v46  }
0x15a: {  	v18 =	vand.u32 $0xC00, v48;
	v15 =	vmul.f32 v44, v44;
	v6 =	vadd.f32 v43, v6;
	s4 =	spop @!p0 (v2sf)  }
0x15b: {  	v55 =	vsub.f32 v19, v54;
	v51 =	vor.u32 v16, v18;
	p1 =	slt.s32 @!p0 s4, $0xF41C0  }
0x15c: {  	v57 =	vor.u32 v1, v51;
	v56 =	vmul.f32 v50, v50;
	v6 =	vadd.f32 v15, v6;
	p1 =	por !p1, p0  }
0x15d: {  	v15 =	vor.u32 v2, v51;
	[sflag:s28] =	ssyncset.done $0x0;
	s4 =	simm.s32 @p1 $0xF41C0  }
0x15e: {  	s18 =	simm.s32 $0x12200;
	v16 =	vmul.f32 v55, v55;
	v11 =	vsub.f32 v53, v61;
	[sflag:s28] =	ssyncadd.s32 $0xFFFFF000;
	v6 =	vadd.f32 v56, v6;
	s4 =	sand.u32 @!p0 $0xFFFFF80, s4  }
0x15f: {  	s6 =	simm.s32 @!p0 $0xE200;
	s3 =	ssub.s32 s3, s5;
	v9 =	vsub.f32 v52, v62;
	v12 =	vld.idx.msk [tilespmem:v45+s18+$0x0], $0xffff;
	s4 =	sadd.s32 @!p0 s1, s4  }
0x160: {  	v59 =	vadd.s32 s3, v0;
	v11 =	vmul.f32 v11, v11;
	v17 =	vld.idx.msk [tilespmem:v47+s18+$0x0], $0xffff;
	v6 =	vadd.f32 v16, v6;
	[tilespmem:s6], [sflag:$0x2] =	stream.strided.gather @!p0 [hbm4b:s4+s8], $0x1000, s9, s8, $0x38  }
0x161: {  	v9 =	vmul.f32 v9, v9;
	v58 =	vld.idx.msk [tilespmem:v57+s11+$0x0], $0xffff  }
0x162: {  	v60 =	vadd.s32 s3, v3;
	v10 =	vsub.f32 v63, v10;
	v6 =	vadd.f32 v11, v6;
	v15 =	vld.idx.msk [tilespmem:v15+s11+$0x0], $0xffff;
	_ =	swait.ge [sflag:s28], $0x1000  }
0x163: {  	[sflag:s28] =	ssyncset.done $0x0  }
0x164: {  	s26 =	simm.s32 $0x13200;
	v5 =	vsub.f32 v5, v13;
	v61 =	vmul.f32 v10, v10;
	v6 =	vadd.f32 v9, v6;
	[sflag:s28] =	ssyncadd.s32 $0xFFFFF000  }
0x165: {  	v62 =	vld.idx.msk [tilespmem:v59+s26+$0x0], $0xffff  }
0x166: {  	v5 =	vmul.f32 v5, v5;
	v8 =	vsub.f32 v8, v12;
	v6 =	vadd.f32 v61, v6  }
0x167: {  	v63 =	vld.idx.msk [tilespmem:v60+s26+$0x0], $0xffff  }
0x168: {  	v5 =	vadd.f32 v5, v6;
	v6 =	vsub.f32 v7, v17;
	v7 =	vmul.f32 v8, v8;
	_ =	sdelay $0x1  }
0x169: {  	v5 =	vadd.f32 v7, v5;
	v6 =	vmul.f32 v6, v6;
	v7 =	vsub.f32 v58, v62;
	_ =	sdelay $0x1  }
0x16a: {  	v5 =	vadd.f32 v6, v5;
	v6 =	vsub.f32 v15, v63;
	v7 =	vmul.f32 v7, v7  }
.Ltmp2:
0x16b: {  	_ = 	snop;
	(pc) =	sbr.rel @p0 .LBB2_4-.Ltmp2, $4  }
0x16c: {  	s20 =	simm.s32 $0x5200;
	s29 =	simm.s32 $0xB200;
	s30 =	simm.s32 $0xC200;
	v6 =	vmul.f32 v6, v6;
	v5 =	vadd.f32 v7, v5  }
0x16d: {  	s31 =	simm.s32 $0xD200;
	s21 =	simm.s32 $0x6200;
	s22 =	simm.s32 $0x7200  }
0x16e: {  	s23 =	simm.s32 $0x8200;
	s5 =	simm.s32 $0xF200;
	s13 =	simm.s32 $0x400;
	v5 =	vadd.f32 v6, v5  }
0x16f: {  	s24 =	simm.s32 $0x9200;
	s25 =	simm.s32 $0xA200;
	s2 =	simm.s32 $0xE200  }
0x170: {  	(v2sf) =	vpush v4, $0xB;
	_ =	sdelay $0xe  }
0x171: {  	s3 =	spop (v2sf)  }
0x172: {  	p0 =	slt.s32 s3, $0xF41C0  }
.Ltmp3:
0x173: {  	s3 =	simm.s32 @!p0 $0xF41C0;
	(pc) =	sbr.rel .LBB2_2-.Ltmp3, $4  }
0x174: {  	s2 =	simm.s32 $0x7A1400;
	s3 =	sand.u32 $0xFFFFF80, s3  }
0x175: {  	s0 =	sadd.s32 $0x10, s0;
	s10 =	sadd.s32 $0x10, s10;
	s3 =	sadd.s32 s1, s3  }
0x176: {  	[tilespmem:s5], [sflag:$0x2] =	stream.strided.gather [hbm4b:s3+s13], $0x1000, s2, s13, $0x38;
	[tilespmem:$0x14280] =	vst v63  }
0x177: {  	s12 =	simm.s32 $0xF200;
	s16 =	simm.s32 $0x400;
	s13 =	simm.s32 $0x7A1400  }
.LBB2_5:
0x178: {  	_ =	sfence.sel $0x180000  }
0x179: {  	[bflag:$0x0] =	sbarrier.arrive $0xFFFF  }
0x17a: {  	_ =	strace $0x90000047  }
0x17b: {  	s0 =	stileid.u32;
	[bflag:$0x2] =	sbarrier.arrive $0xFFFF  }
0x17c: {  	p0 =	sne.s32 s0, $0x0;
	s0 =	rddreg [dreg:$0x4]  }
0x17d: {  	s0 =	sadd.s32 @!p0 $0x100000, s0  }
0x17e: {  	[sflag:s0] =	ssyncadd.tile.s32 @!p0 $0x1;
	_ =	shalt  }
.Lfunc_end2:
_tile_overlayer_lowered:
.L_overlay_start_2:
0x17f: {  	(tag) =	ssettag $0x2  }
0x180: {  	s0 =	rddreg [dreg:$0x0];
	s2 =	stileid.u32  }
0x181: {  	s1 =	rddreg [dreg:$0x1];
	p0 =	sne.s32 s2, $0x0  }
0x182: {  	s3 =	rddreg [dreg:$0x2];
	[bflag:$0x3] =	sbarrier.arrive $0xFFFF;
	s2 =	simm.s32 @!p0 $0x1C03  }
0x183: {  	[timem:s3], [sflag:s2] =	dma.local @!p0 [hbm:s0], s1  }
0x184: {  	s0 =	simm.s32 @!p0 $0x3  }
0x185: {  	_ =	swait.ge @!p0 [sflag:s0], s1  }
0x186: {  	s1 =	ssub.s32 @!p0 $0x0, s1;
	[sflag:s0] =	ssyncset.done @!p0 $0x0  }
0x187: {  	[sflag:s0] =	ssyncadd.s32 @!p0 s1  }
0x188: {  	[bflag:$0x3] =	sbarrier.arrive $0xFFFF  }
0x189: {  	_ =	shalt  }

</sc_bundles>
